<compile_context>
chip_gen: v7x
topology: tpu7x:2x2x1
jax: 0.10.2.dev20260603
libtpu: 0.0.44.dev20260713+nightly
codegen_flags: <defaults>
</compile_context>

<pallas_src>
import functools

import jax
import jax.numpy as jnp
from jax import lax
from jax.experimental import pallas as pl
from jax.experimental.pallas import tpu as pltpu
from jax.experimental.pallas import tpu_sc as plsc

_N_COARSE = 50000
_N_FINE = 100000
_D = 128
_CH = 128
_NW = 32
_NFULL = _N_FINE // _CH
_TAIL = _N_FINE - _NFULL * _CH
_NCHUNKS = _NFULL + 1
_NTRIPLES = 8
_L = 16
_FL = 8

_mesh = plsc.VectorSubcoreMesh(core_axis_name="c", subcore_axis_name="s")


def _zero_shadow_rows(save_ref, rows_ref, z_hbm, n):

    def body(i, carry):
        orig = save_ref[pl.ds(i, _L)][0]

        @pl.when(orig == _N_COARSE)
        def _():
            pltpu.sync_copy(z_hbm.at[pl.ds(0, 1)], rows_ref.at[pl.ds(i, 1)])
        return carry

    lax.fori_loop(0, n, body, 0)


@functools.partial(
    pl.kernel,
    out_type=jax.ShapeDtypeStruct((_N_FINE, _D), jnp.float32),
    mesh=_mesh,
    scratch_types=[
        pltpu.VMEM((3, _CH), jnp.int32),
        pltpu.VMEM((_L,), jnp.int32),
        pltpu.VMEM((_L,), jnp.int32),
        pltpu.VMEM((_L,), jnp.int32),
        pltpu.VMEM((3, _CH, _D), jnp.float32),
        pltpu.VMEM((_CH + _L,), jnp.int32),
        pltpu.VMEM((_TAIL,), jnp.int32),
        pltpu.VMEM((_L,), jnp.int32),
        pltpu.VMEM((_TAIL, _D), jnp.float32),
        pltpu.SemaphoreType.DMA,
        pltpu.SemaphoreType.DMA,
        pltpu.SemaphoreType.DMA,
        pltpu.SemaphoreType.DMA,
        pltpu.SemaphoreType.DMA,
        pltpu.SemaphoreType.DMA,
        pltpu.SemaphoreType.DMA,
        pltpu.SemaphoreType.DMA,
        pltpu.SemaphoreType.DMA,
        pltpu.SemaphoreType.DMA,
    ],
)
def _sc_gather(x_hbm, idxc_hbm, raw_hbm, flg_hbm, z_hbm, out_hbm,
               idx_v, flg0, flg1, flg2, rows_v, idx_s, idx_t, flg_t, rows_t,
               si0, si1, si2, sg0, sg1, sg2, sw0, sw1, sw2, st):
    flg_v = (flg0, flg1, flg2)
    wid = lax.axis_index("s") * 2 + lax.axis_index("c")
    nc = jnp.where(wid <= 12, 25, 24)

    sem_i = (si0, si1, si2)
    sem_g = (sg0, sg1, sg2)
    sem_w = (sw0, sw1, sw2)

    def issue_idx(chunk, b, sem):
        base = chunk * _CH
        pltpu.async_copy(idxc_hbm.at[pl.ds(base, _CH)], idx_v.at[b], sem)
        pltpu.async_copy(flg_hbm.at[pl.ds(chunk * _FL, _FL)],
                         flg_v[b].at[pl.ds(0, _FL)], sem)

    def drain_idx(b):
        pltpu.make_async_copy(idxc_hbm.at[pl.ds(0, _CH)], idx_v.at[b],
                              sem_i[b]).wait()
        pltpu.make_async_copy(flg_hbm.at[pl.ds(0, _FL)],
                              flg_v[b].at[pl.ds(0, _FL)], sem_i[b]).wait()

    def finish_chunk(c, b):
        base = (wid + c * _NW) * _CH
        my_rows = rows_v.at[b]
        pltpu.make_async_copy(x_hbm.at[idx_v.at[b]], my_rows,
                              sem_g[b]).wait()

        @pl.when(flg_v[b][pl.ds(0, _L)][0] != 0)
        def _():
            pltpu.sync_copy(raw_hbm.at[pl.ds(base, _CH)],
                            idx_s.at[pl.ds(0, _CH)])
            _zero_shadow_rows(idx_s, my_rows, z_hbm, _CH)

        pltpu.async_copy(my_rows, out_hbm.at[pl.ds(base, _CH)], sem_w[b])

        @pl.when(c + 3 < nc)
        def _():
            issue_idx(wid + (c + 3) * _NW, b, sem_i[b])

    def chunk_step(c, b):
        my_idx = idx_v.at[b]
        my_rows = rows_v.at[b]

        @pl.when(c == 0)
        def _():
            for s in range(3):
                issue_idx(wid + s * _NW, s, sem_i[s])

        drain_idx(b)

        @pl.when(c >= 3)
        def _():
            pltpu.make_async_copy(my_rows, out_hbm.at[pl.ds(0, _CH)],
                                  sem_w[b]).wait()

        pltpu.async_copy(x_hbm.at[my_idx], my_rows, sem_g[b])

        @pl.when(c >= 1)
        def _():
            finish_chunk(c - 1, (b + 2) % 3)

    def triple_body(p, carry):
        chunk_step(3 * p, 0)
        chunk_step(3 * p + 1, 1)
        chunk_step(3 * p + 2, 2)
        return carry

    lax.fori_loop(0, _NTRIPLES, triple_body, 0)

    @pl.when(nc == 25)
    def _():
        chunk_step(jnp.int32(24), 0)

    @pl.when(nc == 25)
    def _():
        finish_chunk(jnp.int32(24), 0)

    @pl.when(nc == 24)
    def _():
        finish_chunk(jnp.int32(23), 2)

    for s, sw in enumerate((sw0, sw1, sw2)):
        pltpu.make_async_copy(rows_v.at[s], out_hbm.at[pl.ds(0, _CH)],
                              sw).wait()

    @pl.when(wid == _NW - 1)
    def _():
        tbase = _NFULL * _CH
        pltpu.sync_copy(idxc_hbm.at[pl.ds(tbase, _TAIL)], idx_t)
        pltpu.sync_copy(flg_hbm.at[pl.ds(_NFULL * _FL, _FL)],
                        flg_t.at[pl.ds(0, _FL)])
        pltpu.async_copy(x_hbm.at[idx_t], rows_t, st).wait()

        @pl.when(flg_t[pl.ds(0, _L)][0] != 0)
        def _():
            pltpu.sync_copy(raw_hbm.at[pl.ds(tbase, _TAIL)],
                            idx_s.at[pl.ds(0, _TAIL)])
            _zero_shadow_rows(idx_s, rows_t, z_hbm, _TAIL)

        pltpu.sync_copy(rows_t, out_hbm.at[pl.ds(tbase, _TAIL)])


def kernel(x, upsamples):
    raw = upsamples[:, 0]
    idxc = jnp.minimum(raw, _N_COARSE - 1)
    pad = jnp.zeros((_NCHUNKS * _CH - _N_FINE,), raw.dtype)
    shadow = (jnp.concatenate([raw, pad]) >= _N_COARSE).astype(jnp.int32)
    flags = jnp.max(shadow.reshape(_NCHUNKS, _CH), axis=1)
    flags8 = jnp.broadcast_to(flags[:, None], (_NCHUNKS, _FL)).reshape(-1)
    z = jnp.zeros((1, _D), x.dtype)
    return _sc_gather(x, idxc, raw, flags8, z)

# --- scband reference (transcript-rebuilt; emitter-appended) ---
"""Pipeline reference for scband-nearest-upsample-block-24790551232564 (READ-ONLY COPY).

The authoritative reference and input builder live on the scoring server;
editing this copy changes nothing except your own understanding.
"""

import jax, jax.numpy as jnp
import numpy as np

N_COARSE = 50000
N_FINE = 100000
D_FEAT = 128
K_NEIGH = 3

def setup_inputs(seed: int = 0) -> dict:
    key = jax.random.key(seed)
    k1, k2 = jax.random.split(key)
    x = jax.random.normal(k1, (N_COARSE, D_FEAT), dtype=jnp.float32)
    # indices in [0, N_COARSE] inclusive: index N_COARSE hits the appended zero (shadow) row
    upsamples = jax.random.randint(k2, (N_FINE, K_NEIGH), 0, N_COARSE + 1, dtype=jnp.int32)
    return {"x": x, "upsamples": upsamples}

def reference(x, upsamples):
    # closest_pool: append a zero shadow row, then gather by nearest-neighbor index (column 0)
    xp = jnp.concatenate([x, jnp.zeros_like(x[:1, :])], axis=0)
    return jnp.take(xp, upsamples[:, 0], axis=0)

if __name__ == "__main__":
    import jax
    _d = setup_inputs()
    print(jax.jit(kernel)(*tuple(_d.values())))

</pallas_src>

<mosaic_0001>
#map = affine_map<(d0, d1) -> (0, 0)>
#map1 = affine_map<(d0, d1) -> (0)>
module attributes {stable_mosaic.version = 14 : i64} {
  func.func @_sc_gather(%arg0: i32, %arg1: i32, %arg2: memref<50000x128xf32, #tpu.memory_space<hbm>>, %arg3: memref<100000xi32, #tpu.memory_space<hbm>>, %arg4: memref<100000xi32, #tpu.memory_space<hbm>>, %arg5: memref<6256xi32, #tpu.memory_space<hbm>>, %arg6: memref<1x128xf32, #tpu.memory_space<hbm>>, %arg7: memref<100000x128xf32, #tpu.memory_space<hbm>>, %arg8: memref<3x128xi32, #tpu.memory_space<vmem>>, %arg9: memref<16xi32, #tpu.memory_space<vmem>>, %arg10: memref<16xi32, #tpu.memory_space<vmem>>, %arg11: memref<16xi32, #tpu.memory_space<vmem>>, %arg12: memref<3x128x128xf32, #tpu.memory_space<vmem>>, %arg13: memref<144xi32, #tpu.memory_space<vmem>>, %arg14: memref<32xi32, #tpu.memory_space<vmem>>, %arg15: memref<16xi32, #tpu.memory_space<vmem>>, %arg16: memref<32x128xf32, #tpu.memory_space<vmem>>, %arg17: memref<!tpu.dma_semaphore, #tpu.memory_space<semaphore_mem>>, %arg18: memref<!tpu.dma_semaphore, #tpu.memory_space<semaphore_mem>>, %arg19: memref<!tpu.dma_semaphore, #tpu.memory_space<semaphore_mem>>, %arg20: memref<!tpu.dma_semaphore, #tpu.memory_space<semaphore_mem>>, %arg21: memref<!tpu.dma_semaphore, #tpu.memory_space<semaphore_mem>>, %arg22: memref<!tpu.dma_semaphore, #tpu.memory_space<semaphore_mem>>, %arg23: memref<!tpu.dma_semaphore, #tpu.memory_space<semaphore_mem>>, %arg24: memref<!tpu.dma_semaphore, #tpu.memory_space<semaphore_mem>>, %arg25: memref<!tpu.dma_semaphore, #tpu.memory_space<semaphore_mem>>, %arg26: memref<!tpu.dma_semaphore, #tpu.memory_space<semaphore_mem>>) attributes {dimension_semantics = [#tpu.dimension_semantics<core_parallel>, #tpu.dimension_semantics<subcore_parallel>], iteration_bounds = array<i64: 2, 16>, scalar_prefetch = 0 : i64, scratch_operands = 19 : i64, tpu.core_type = #tpu.core_type<sc_vector_subcore>, window_params = [{transform_indices = #map}, {transform_indices = #map1}, {transform_indices = #map1}, {transform_indices = #map1}, {transform_indices = #map}, {transform_indices = #map}]} {
    %mul3A = arith.constant 2 : i32
    %mul3A_0 = arith.muli %arg1, %mul3A : i32
    %add3A = arith.addi %mul3A_0, %arg0 : i32
    %le3A = arith.constant 12 : i32
    %le3A_1 = arith.cmpi sle, %add3A, %le3A : i32
    %jit3A = arith.constant 25 : i32
    %jit3A_2 = arith.constant 24 : i32
    %select_n3A = arith.select %le3A_1, %jit3A, %jit3A_2 : i32
    %scan3A = arith.constant 0 : i32
    %scan3A_3 = arith.constant 0 : i32
    %scan3A_4 = arith.constant 8 : i32
    %scan3A_5 = arith.addi %scan3A_3, %scan3A_4 : i32
    %scan3A_6 = arith.constant 1 : i32
    scf.for %scan3A_69 = %scan3A_3 to %scan3A_5 step %scan3A_6  : i32 {
      %mul3A_70 = arith.constant 3 : i32
      %mul3A_71 = arith.muli %mul3A_70, %scan3A_69 : i32
      %eq3A_72 = arith.constant 0 : i32
      %eq3A_73 = arith.cmpi eq, %mul3A_71, %eq3A_72 : i32
      %convert_element_type3A_74 = arith.extui %eq3A_73 : i1 to i32
      %cond3A_75 = arith.constant 0 : i32
      %cond3A_76 = arith.cmpi ne, %convert_element_type3A_74, %cond3A_75 : i32
      scf.if %cond3A_76 {
        %add3A_219 = arith.constant 0 : i32
        %add3A_220 = arith.addi %add3A, %add3A_219 : i32
        %mul3A_221 = arith.constant 128 : i32
        %mul3A_222 = arith.muli %add3A_220, %mul3A_221 : i32
        %dma_start3A_223 = arith.constant 0 : i32
        %dma_start3A_224 = arith.constant 0 : i32
        %dma_start3A_225 = tpu.memref_slice %arg8[%dma_start3A_223, %dma_start3A_224] : memref<3x128xi32, #tpu.memory_space<vmem>> -> memref<1x128xi32, #tpu.memory_space<vmem>>
        %dma_start3A_226 = tpu.memref_squeeze %dma_start3A_225 : memref<1x128xi32, #tpu.memory_space<vmem>> -> memref<128xi32, #tpu.memory_space<vmem>>
        %dma_start3A_227 = tpu.memref_slice %arg3[%mul3A_222] : memref<100000xi32, #tpu.memory_space<hbm>> -> memref<128xi32, #tpu.memory_space<hbm>>
        %dma_start3A_228 = arith.constant 0 : i32
        %dma_start3A_229 = tpu.memref_slice %arg8[%dma_start3A_223, %dma_start3A_228] : memref<3x128xi32, #tpu.memory_space<vmem>> -> memref<1x128xi32, #tpu.memory_space<vmem>>
        %dma_start3A_230 = tpu.memref_squeeze %dma_start3A_229 : memref<1x128xi32, #tpu.memory_space<vmem>> -> memref<128xi32, #tpu.memory_space<vmem>>
        %dma_start3A_231 = tpu.memref_slice %arg3[%mul3A_222] : memref<100000xi32, #tpu.memory_space<hbm>> -> memref<128xi32, #tpu.memory_space<hbm>>
        tpu.enqueue_dma source(%dma_start3A_231 : memref<128xi32, #tpu.memory_space<hbm>>) target(%dma_start3A_230 : memref<128xi32, #tpu.memory_space<vmem>>) target_semaphore(%arg17 : memref<!tpu.dma_semaphore, #tpu.memory_space<semaphore_mem>>)
        %mul3A_232 = arith.constant 8 : i32
        %mul3A_233 = arith.muli %add3A_220, %mul3A_232 : i32
        %dma_start3A_234 = arith.constant 0 : i32
        %dma_start3A_235 = tpu.memref_slice %arg9[%dma_start3A_234] : memref<16xi32, #tpu.memory_space<vmem>> -> memref<8xi32, #tpu.memory_space<vmem>>
        %dma_start3A_236 = tpu.memref_slice %arg5[%mul3A_233] : memref<6256xi32, #tpu.memory_space<hbm>> -> memref<8xi32, #tpu.memory_space<hbm>>
        %dma_start3A_237 = arith.constant 0 : i32
        %dma_start3A_238 = tpu.memref_slice %arg9[%dma_start3A_237] : memref<16xi32, #tpu.memory_space<vmem>> -> memref<8xi32, #tpu.memory_space<vmem>>
        %dma_start3A_239 = tpu.memref_slice %arg5[%mul3A_233] : memref<6256xi32, #tpu.memory_space<hbm>> -> memref<8xi32, #tpu.memory_space<hbm>>
        tpu.enqueue_dma source(%dma_start3A_239 : memref<8xi32, #tpu.memory_space<hbm>>) target(%dma_start3A_238 : memref<8xi32, #tpu.memory_space<vmem>>) target_semaphore(%arg17 : memref<!tpu.dma_semaphore, #tpu.memory_space<semaphore_mem>>)
        %add3A_240 = arith.constant 32 : i32
        %add3A_241 = arith.addi %add3A, %add3A_240 : i32
        %mul3A_242 = arith.constant 128 : i32
        %mul3A_243 = arith.muli %add3A_241, %mul3A_242 : i32
        %dma_start3A_244 = arith.constant 1 : i32
        %dma_start3A_245 = arith.constant 0 : i32
        %dma_start3A_246 = tpu.memref_slice %arg8[%dma_start3A_244, %dma_start3A_245] : memref<3x128xi32, #tpu.memory_space<vmem>> -> memref<1x128xi32, #tpu.memory_space<vmem>>
        %dma_start3A_247 = tpu.memref_squeeze %dma_start3A_246 : memref<1x128xi32, #tpu.memory_space<vmem>> -> memref<128xi32, #tpu.memory_space<vmem>>
        %dma_start3A_248 = tpu.memref_slice %arg3[%mul3A_243] : memref<100000xi32, #tpu.memory_space<hbm>> -> memref<128xi32, #tpu.memory_space<hbm>>
        %dma_start3A_249 = arith.constant 0 : i32
        %dma_start3A_250 = tpu.memref_slice %arg8[%dma_start3A_244, %dma_start3A_249] : memref<3x128xi32, #tpu.memory_space<vmem>> -> memref<1x128xi32, #tpu.memory_space<vmem>>
        %dma_start3A_251 = tpu.memref_squeeze %dma_start3A_250 : memref<1x128xi32, #tpu.memory_space<vmem>> -> memref<128xi32, #tpu.memory_space<vmem>>
        %dma_start3A_252 = tpu.memref_slice %arg3[%mul3A_243] : memref<100000xi32, #tpu.memory_space<hbm>> -> memref<128xi32, #tpu.memory_space<hbm>>
        tpu.enqueue_dma source(%dma_start3A_252 : memref<128xi32, #tpu.memory_space<hbm>>) target(%dma_start3A_251 : memref<128xi32, #tpu.memory_space<vmem>>) target_semaphore(%arg18 : memref<!tpu.dma_semaphore, #tpu.memory_space<semaphore_mem>>)
        %mul3A_253 = arith.constant 8 : i32
        %mul3A_254 = arith.muli %add3A_241, %mul3A_253 : i32
        %dma_start3A_255 = arith.constant 0 : i32
        %dma_start3A_256 = tpu.memref_slice %arg10[%dma_start3A_255] : memref<16xi32, #tpu.memory_space<vmem>> -> memref<8xi32, #tpu.memory_space<vmem>>
        %dma_start3A_257 = tpu.memref_slice %arg5[%mul3A_254] : memref<6256xi32, #tpu.memory_space<hbm>> -> memref<8xi32, #tpu.memory_space<hbm>>
        %dma_start3A_258 = arith.constant 0 : i32
        %dma_start3A_259 = tpu.memref_slice %arg10[%dma_start3A_258] : memref<16xi32, #tpu.memory_space<vmem>> -> memref<8xi32, #tpu.memory_space<vmem>>
        %dma_start3A_260 = tpu.memref_slice %arg5[%mul3A_254] : memref<6256xi32, #tpu.memory_space<hbm>> -> memref<8xi32, #tpu.memory_space<hbm>>
        tpu.enqueue_dma source(%dma_start3A_260 : memref<8xi32, #tpu.memory_space<hbm>>) target(%dma_start3A_259 : memref<8xi32, #tpu.memory_space<vmem>>) target_semaphore(%arg18 : memref<!tpu.dma_semaphore, #tpu.memory_space<semaphore_mem>>)
        %add3A_261 = arith.constant 64 : i32
        %add3A_262 = arith.addi %add3A, %add3A_261 : i32
        %mul3A_263 = arith.constant 128 : i32
        %mul3A_264 = arith.muli %add3A_262, %mul3A_263 : i32
        %dma_start3A_265 = arith.constant 2 : i32
        %dma_start3A_266 = arith.constant 0 : i32
        %dma_start3A_267 = tpu.memref_slice %arg8[%dma_start3A_265, %dma_start3A_266] : memref<3x128xi32, #tpu.memory_space<vmem>> -> memref<1x128xi32, #tpu.memory_space<vmem>>
        %dma_start3A_268 = tpu.memref_squeeze %dma_start3A_267 : memref<1x128xi32, #tpu.memory_space<vmem>> -> memref<128xi32, #tpu.memory_space<vmem>>
        %dma_start3A_269 = tpu.memref_slice %arg3[%mul3A_264] : memref<100000xi32, #tpu.memory_space<hbm>> -> memref<128xi32, #tpu.memory_space<hbm>>
        %dma_start3A_270 = arith.constant 0 : i32
        %dma_start3A_271 = tpu.memref_slice %arg8[%dma_start3A_265, %dma_start3A_270] : memref<3x128xi32, #tpu.memory_space<vmem>> -> memref<1x128xi32, #tpu.memory_space<vmem>>
        %dma_start3A_272 = tpu.memref_squeeze %dma_start3A_271 : memref<1x128xi32, #tpu.memory_space<vmem>> -> memref<128xi32, #tpu.memory_space<vmem>>
        %dma_start3A_273 = tpu.memref_slice %arg3[%mul3A_264] : memref<100000xi32, #tpu.memory_space<hbm>> -> memref<128xi32, #tpu.memory_space<hbm>>
        tpu.enqueue_dma source(%dma_start3A_273 : memref<128xi32, #tpu.memory_space<hbm>>) target(%dma_start3A_272 : memref<128xi32, #tpu.memory_space<vmem>>) target_semaphore(%arg19 : memref<!tpu.dma_semaphore, #tpu.memory_space<semaphore_mem>>)
        %mul3A_274 = arith.constant 8 : i32
        %mul3A_275 = arith.muli %add3A_262, %mul3A_274 : i32
        %dma_start3A_276 = arith.constant 0 : i32
        %dma_start3A_277 = tpu.memref_slice %arg11[%dma_start3A_276] : memref<16xi32, #tpu.memory_space<vmem>> -> memref<8xi32, #tpu.memory_space<vmem>>
        %dma_start3A_278 = tpu.memref_slice %arg5[%mul3A_275] : memref<6256xi32, #tpu.memory_space<hbm>> -> memref<8xi32, #tpu.memory_space<hbm>>
        %dma_start3A_279 = arith.constant 0 : i32
        %dma_start3A_280 = tpu.memref_slice %arg11[%dma_start3A_279] : memref<16xi32, #tpu.memory_space<vmem>> -> memref<8xi32, #tpu.memory_space<vmem>>
        %dma_start3A_281 = tpu.memref_slice %arg5[%mul3A_275] : memref<6256xi32, #tpu.memory_space<hbm>> -> memref<8xi32, #tpu.memory_space<hbm>>
        tpu.enqueue_dma source(%dma_start3A_281 : memref<8xi32, #tpu.memory_space<hbm>>) target(%dma_start3A_280 : memref<8xi32, #tpu.memory_space<vmem>>) target_semaphore(%arg19 : memref<!tpu.dma_semaphore, #tpu.memory_space<semaphore_mem>>)
      } else {
      }
      %dma_wait3A_77 = arith.constant 0 : i32
      %dma_wait3A_78 = arith.constant 0 : i32
      %dma_wait3A_79 = tpu.memref_slice %arg8[%dma_wait3A_77, %dma_wait3A_78] : memref<3x128xi32, #tpu.memory_space<vmem>> -> memref<1x128xi32, #tpu.memory_space<vmem>>
      %dma_wait3A_80 = tpu.memref_squeeze %dma_wait3A_79 : memref<1x128xi32, #tpu.memory_space<vmem>> -> memref<128xi32, #tpu.memory_space<vmem>>
      %dma_wait3A_81 = arith.constant 0 : i32
      %dma_wait3A_82 = tpu.memref_slice %arg3[%dma_wait3A_81] : memref<100000xi32, #tpu.memory_space<hbm>> -> memref<128xi32, #tpu.memory_space<hbm>>
      %dma_wait3A_83 = arith.constant 0 : i32
      %dma_wait3A_84 = tpu.memref_slice %arg8[%dma_wait3A_77, %dma_wait3A_83] : memref<3x128xi32, #tpu.memory_space<vmem>> -> memref<1x128xi32, #tpu.memory_space<vmem>>
      %dma_wait3A_85 = tpu.memref_squeeze %dma_wait3A_84 : memref<1x128xi32, #tpu.memory_space<vmem>> -> memref<128xi32, #tpu.memory_space<vmem>>
      %dma_wait3A_86 = arith.constant 0 : i32
      %dma_wait3A_87 = tpu.memref_slice %arg3[%dma_wait3A_86] : memref<100000xi32, #tpu.memory_space<hbm>> -> memref<128xi32, #tpu.memory_space<hbm>>
      tpu.wait_dma2 semaphore(%arg17 : memref<!tpu.dma_semaphore, #tpu.memory_space<semaphore_mem>>) src(%dma_wait3A_87 : memref<128xi32, #tpu.memory_space<hbm>>) dst(%dma_wait3A_85 : memref<128xi32, #tpu.memory_space<vmem>>)
      %dma_wait3A_88 = arith.constant 0 : i32
      %dma_wait3A_89 = tpu.memref_slice %arg9[%dma_wait3A_88] : memref<16xi32, #tpu.memory_space<vmem>> -> memref<8xi32, #tpu.memory_space<vmem>>
      %dma_wait3A_90 = arith.constant 0 : i32
      %dma_wait3A_91 = tpu.memref_slice %arg5[%dma_wait3A_90] : memref<6256xi32, #tpu.memory_space<hbm>> -> memref<8xi32, #tpu.memory_space<hbm>>
      %dma_wait3A_92 = arith.constant 0 : i32
      %dma_wait3A_93 = tpu.memref_slice %arg9[%dma_wait3A_92] : memref<16xi32, #tpu.memory_space<vmem>> -> memref<8xi32, #tpu.memory_space<vmem>>
      %dma_wait3A_94 = arith.constant 0 : i32
      %dma_wait3A_95 = tpu.memref_slice %arg5[%dma_wait3A_94] : memref<6256xi32, #tpu.memory_space<hbm>> -> memref<8xi32, #tpu.memory_space<hbm>>
      tpu.wait_dma2 semaphore(%arg17 : memref<!tpu.dma_semaphore, #tpu.memory_space<semaphore_mem>>) src(%dma_wait3A_95 : memref<8xi32, #tpu.memory_space<hbm>>) dst(%dma_wait3A_93 : memref<8xi32, #tpu.memory_space<vmem>>)
      %ge3A = arith.constant 3 : i32
      %ge3A_96 = arith.cmpi sge, %mul3A_71, %ge3A : i32
      %convert_element_type3A_97 = arith.extui %ge3A_96 : i1 to i32
      %cond3A_98 = arith.constant 0 : i32
      %cond3A_99 = arith.constant 0 : i32
      %cond3A_100 = arith.cmpi ne, %convert_element_type3A_97, %cond3A_99 : i32
      scf.if %cond3A_100 {
        %dma_wait3A_219 = arith.constant 0 : i32
        %dma_wait3A_220 = arith.constant 0 : i32
        %dma_wait3A_221 = tpu.memref_slice %arg12[%cond3A_98, %dma_wait3A_219, %dma_wait3A_220] : memref<3x128x128xf32, #tpu.memory_space<vmem>> -> memref<1x128x128xf32, #tpu.memory_space<vmem>>
        %dma_wait3A_222 = tpu.memref_squeeze %dma_wait3A_221 : memref<1x128x128xf32, #tpu.memory_space<vmem>> -> memref<128x128xf32, #tpu.memory_space<vmem>>
        %dma_wait3A_223 = arith.constant 0 : i32
        %dma_wait3A_224 = arith.constant 0 : i32
        %dma_wait3A_225 = tpu.memref_slice %arg7[%dma_wait3A_223, %dma_wait3A_224] : memref<100000x128xf32, #tpu.memory_space<hbm>> -> memref<128x128xf32, #tpu.memory_space<hbm>>
        %dma_wait3A_226 = arith.constant 0 : i32
        %dma_wait3A_227 = arith.constant 0 : i32
        %dma_wait3A_228 = tpu.memref_slice %arg7[%dma_wait3A_226, %dma_wait3A_227] : memref<100000x128xf32, #tpu.memory_space<hbm>> -> memref<128x128xf32, #tpu.memory_space<hbm>>
        %dma_wait3A_229 = arith.constant 0 : i32
        %dma_wait3A_230 = arith.constant 0 : i32
        %dma_wait3A_231 = tpu.memref_slice %arg12[%cond3A_98, %dma_wait3A_229, %dma_wait3A_230] : memref<3x128x128xf32, #tpu.memory_space<vmem>> -> memref<1x128x128xf32, #tpu.memory_space<vmem>>
        %dma_wait3A_232 = tpu.memref_squeeze %dma_wait3A_231 : memref<1x128x128xf32, #tpu.memory_space<vmem>> -> memref<128x128xf32, #tpu.memory_space<vmem>>
        tpu.wait_dma2 semaphore(%arg23 : memref<!tpu.dma_semaphore, #tpu.memory_space<semaphore_mem>>) src(%dma_wait3A_232 : memref<128x128xf32, #tpu.memory_space<vmem>>) dst(%dma_wait3A_228 : memref<128x128xf32, #tpu.memory_space<hbm>>)
      } else {
      }
      %dma_start3A = arith.constant 0 : i32
      %dma_start3A_101 = arith.constant 0 : i32
      %dma_start3A_102 = arith.constant 0 : i32
      %dma_start3A_103 = arith.constant 0 : i32
      %dma_start3A_104 = tpu.memref_slice %arg12[%dma_start3A_101, %dma_start3A_102, %dma_start3A_103] : memref<3x128x128xf32, #tpu.memory_space<vmem>> -> memref<1x128x128xf32, #tpu.memory_space<vmem>>
      %dma_start3A_105 = tpu.memref_squeeze %dma_start3A_104 : memref<1x128x128xf32, #tpu.memory_space<vmem>> -> memref<128x128xf32, #tpu.memory_space<vmem>>
      %dma_start3A_106 = arith.constant 0 : i32
      %dma_start3A_107 = tpu.memref_slice %arg8[%dma_start3A, %dma_start3A_106] : memref<3x128xi32, #tpu.memory_space<vmem>> -> memref<1x128xi32, #tpu.memory_space<vmem>>
      %dma_start3A_108 = tpu.memref_squeeze %dma_start3A_107 : memref<1x128xi32, #tpu.memory_space<vmem>> -> memref<128xi32, #tpu.memory_space<vmem>>
      %dma_start3A_109 = arith.constant 0 : i32
      %dma_start3A_110 = arith.constant 0 : i32
      %dma_start3A_111 = tpu.memref_slice %arg2[%dma_start3A_109, %dma_start3A_110] : memref<50000x128xf32, #tpu.memory_space<hbm>> -> memref<50000x128xf32, #tpu.memory_space<hbm>>
      tpu.enqueue_indirect_dma source(%dma_start3A_111 : memref<50000x128xf32, #tpu.memory_space<hbm>>) target(%dma_start3A_105 : memref<128x128xf32, #tpu.memory_space<vmem>>) offsets(%dma_start3A_108 : memref<128xi32, #tpu.memory_space<vmem>>) semaphore(%arg20 : memref<!tpu.dma_semaphore, #tpu.memory_space<semaphore_mem>>)
      %ge3A_112 = arith.constant 1 : i32
      %ge3A_113 = arith.cmpi sge, %mul3A_71, %ge3A_112 : i32
      %convert_element_type3A_114 = arith.extui %ge3A_113 : i1 to i32
      %cond3A_115 = arith.constant 0 : i32
      %cond3A_116 = arith.cmpi ne, %convert_element_type3A_114, %cond3A_115 : i32
      scf.if %cond3A_116 {
        %sub3A = arith.constant 1 : i32
        %sub3A_219 = arith.subi %mul3A_71, %sub3A : i32
        %mul3A_220 = arith.constant 32 : i32
        %mul3A_221 = arith.muli %sub3A_219, %mul3A_220 : i32
        %add3A_222 = arith.addi %add3A, %mul3A_221 : i32
        %mul3A_223 = arith.constant 128 : i32
        %mul3A_224 = arith.muli %add3A_222, %mul3A_223 : i32
        %dma_wait3A_225 = arith.constant 2 : i32
        %dma_wait3A_226 = arith.constant 2 : i32
        %dma_wait3A_227 = arith.constant 0 : i32
        %dma_wait3A_228 = arith.constant 0 : i32
        %dma_wait3A_229 = tpu.memref_slice %arg12[%dma_wait3A_226, %dma_wait3A_227, %dma_wait3A_228] : memref<3x128x128xf32, #tpu.memory_space<vmem>> -> memref<1x128x128xf32, #tpu.memory_space<vmem>>
        %dma_wait3A_230 = tpu.memref_squeeze %dma_wait3A_229 : memref<1x128x128xf32, #tpu.memory_space<vmem>> -> memref<128x128xf32, #tpu.memory_space<vmem>>
        %dma_wait3A_231 = arith.constant 0 : i32
        %dma_wait3A_232 = tpu.memref_slice %arg8[%dma_wait3A_225, %dma_wait3A_231] : memref<3x128xi32, #tpu.memory_space<vmem>> -> memref<1x128xi32, #tpu.memory_space<vmem>>
        %dma_wait3A_233 = tpu.memref_squeeze %dma_wait3A_232 : memref<1x128xi32, #tpu.memory_space<vmem>> -> memref<128xi32, #tpu.memory_space<vmem>>
        %dma_wait3A_234 = arith.constant 0 : i32
        %dma_wait3A_235 = arith.constant 0 : i32
        %dma_wait3A_236 = tpu.memref_slice %arg2[%dma_wait3A_234, %dma_wait3A_235] : memref<50000x128xf32, #tpu.memory_space<hbm>> -> memref<50000x128xf32, #tpu.memory_space<hbm>>
        tpu.wait_indirect_dma semaphore(%arg22 : memref<!tpu.dma_semaphore, #tpu.memory_space<semaphore_mem>>) src(%dma_wait3A_236 : memref<50000x128xf32, #tpu.memory_space<hbm>>) dst(%dma_wait3A_230 : memref<128x128xf32, #tpu.memory_space<vmem>>)
        %get3A = arith.constant 0 : index
        %get3A_237 = tpu.vector_load %arg11[%get3A] {strides = array<i32>} : memref<16xi32, #tpu.memory_space<vmem>>, vector<16xi32>,
        %get3A_238 = vector.shape_cast %get3A_237 : vector<16xi32> to vector<16xi32>
        %slice3A = vector.extract_strided_slice %get3A_238 {offsets = [0], sizes = [1], strides = [1]} : vector<16xi32> to vector<1xi32>
        %squeeze3A = vector.extract %slice3A[0] : i32 from vector<1xi32>
        %ne3A = arith.constant 0 : i32
        %ne3A_239 = arith.cmpi ne, %squeeze3A, %ne3A : i32
        %convert_element_type3A_240 = arith.extui %ne3A_239 : i1 to i32
        %cond3A_241 = arith.constant 2 : i32
        %cond3A_242 = arith.constant 0 : i32
        %cond3A_243 = arith.cmpi ne, %convert_element_type3A_240, %cond3A_242 : i32
        scf.if %cond3A_243 {
          "tpu.region"() ({
            %run_scoped3A = tpu.sem_alloc : memref<!tpu.dma_semaphore, #tpu.memory_space<semaphore_mem>>
            %dma_start3A_268 = arith.constant 0 : i32
            %dma_start3A_269 = tpu.memref_slice %arg13[%dma_start3A_268] : memref<144xi32, #tpu.memory_space<vmem>> -> memref<128xi32, #tpu.memory_space<vmem>>
            %dma_start3A_270 = tpu.memref_slice %arg4[%mul3A_224] : memref<100000xi32, #tpu.memory_space<hbm>> -> memref<128xi32, #tpu.memory_space<hbm>>
            %dma_start3A_271 = arith.constant 0 : i32
            %dma_start3A_272 = tpu.memref_slice %arg13[%dma_start3A_271] : memref<144xi32, #tpu.memory_space<vmem>> -> memref<128xi32, #tpu.memory_space<vmem>>
            %dma_start3A_273 = tpu.memref_slice %arg4[%mul3A_224] : memref<100000xi32, #tpu.memory_space<hbm>> -> memref<128xi32, #tpu.memory_space<hbm>>
            tpu.enqueue_dma source(%dma_start3A_273 : memref<128xi32, #tpu.memory_space<hbm>>) target(%dma_start3A_272 : memref<128xi32, #tpu.memory_space<vmem>>) target_semaphore(%run_scoped3A : memref<!tpu.dma_semaphore, #tpu.memory_space<semaphore_mem>>)
            %dma_wait3A_274 = arith.constant 0 : i32
            %dma_wait3A_275 = tpu.memref_slice %arg13[%dma_wait3A_274] : memref<144xi32, #tpu.memory_space<vmem>> -> memref<128xi32, #tpu.memory_space<vmem>>
            %dma_wait3A_276 = tpu.memref_slice %arg4[%mul3A_224] : memref<100000xi32, #tpu.memory_space<hbm>> -> memref<128xi32, #tpu.memory_space<hbm>>
            %dma_wait3A_277 = arith.constant 0 : i32
            %dma_wait3A_278 = tpu.memref_slice %arg13[%dma_wait3A_277] : memref<144xi32, #tpu.memory_space<vmem>> -> memref<128xi32, #tpu.memory_space<vmem>>
            %dma_wait3A_279 = tpu.memref_slice %arg4[%mul3A_224] : memref<100000xi32, #tpu.memory_space<hbm>> -> memref<128xi32, #tpu.memory_space<hbm>>
            tpu.wait_dma2 semaphore(%run_scoped3A : memref<!tpu.dma_semaphore, #tpu.memory_space<semaphore_mem>>) src(%dma_wait3A_279 : memref<128xi32, #tpu.memory_space<hbm>>) dst(%dma_wait3A_278 : memref<128xi32, #tpu.memory_space<vmem>>)
            tpu.yield
          }) : () -> ()
          %scan3A_262 = arith.constant 0 : i32
          %scan3A_263 = arith.constant 0 : i32
          %scan3A_264 = arith.constant 128 : i32
          %scan3A_265 = arith.addi %scan3A_263, %scan3A_264 : i32
          %scan3A_266 = arith.constant 1 : i32
          scf.for %scan3A_268 = %scan3A_263 to %scan3A_265 step %scan3A_266  : i32 {
            %get3A_269 = arith.index_cast %scan3A_268 : i32 to index
            %get3A_270 = tpu.vector_load %arg13[%get3A_269] {strides = array<i32>} : memref<144xi32, #tpu.memory_space<vmem>>, vector<16xi32>,
            %get3A_271 = vector.shape_cast %get3A_270 : vector<16xi32> to vector<16xi32>
            %slice3A_272 = vector.extract_strided_slice %get3A_271 {offsets = [0], sizes = [1], strides = [1]} : vector<16xi32> to vector<1xi32>
            %squeeze3A_273 = vector.extract %slice3A_272[0] : i32 from vector<1xi32>
            %eq3A_274 = arith.constant 50000 : i32
            %eq3A_275 = arith.cmpi eq, %squeeze3A_273, %eq3A_274 : i32
            %convert_element_type3A_276 = arith.extui %eq3A_275 : i1 to i32
            %cond3A_277 = arith.constant 0 : i32
            %cond3A_278 = arith.cmpi ne, %convert_element_type3A_276, %cond3A_277 : i32
            scf.if %cond3A_278 {
              "tpu.region"() ({
                %run_scoped3A = tpu.sem_alloc : memref<!tpu.dma_semaphore, #tpu.memory_space<semaphore_mem>>
                %dma_start3A_279 = arith.constant 0 : i32
                %dma_start3A_280 = arith.constant 0 : i32
                %dma_start3A_281 = tpu.memref_slice %arg12[%cond3A_241, %dma_start3A_279, %dma_start3A_280] : memref<3x128x128xf32, #tpu.memory_space<vmem>> -> memref<1x128x128xf32, #tpu.memory_space<vmem>>
                %dma_start3A_282 = tpu.memref_squeeze %dma_start3A_281 : memref<1x128x128xf32, #tpu.memory_space<vmem>> -> memref<128x128xf32, #tpu.memory_space<vmem>>
                %dma_start3A_283 = arith.constant 0 : i32
                %dma_start3A_284 = tpu.memref_slice %dma_start3A_282[%scan3A_268, %dma_start3A_283] : memref<128x128xf32, #tpu.memory_space<vmem>> -> memref<1x128xf32, #tpu.memory_space<vmem>>
                %dma_start3A_285 = arith.constant 0 : i32
                %dma_start3A_286 = arith.constant 0 : i32
                %dma_start3A_287 = tpu.memref_slice %arg6[%dma_start3A_285, %dma_start3A_286] : memref<1x128xf32, #tpu.memory_space<hbm>> -> memref<1x128xf32, #tpu.memory_space<hbm>>
                %dma_start3A_288 = arith.constant 0 : i32
                %dma_start3A_289 = arith.constant 0 : i32
                %dma_start3A_290 = tpu.memref_slice %arg12[%cond3A_241, %dma_start3A_288, %dma_start3A_289] : memref<3x128x128xf32, #tpu.memory_space<vmem>> -> memref<1x128x128xf32, #tpu.memory_space<vmem>>
                %dma_start3A_291 = tpu.memref_squeeze %dma_start3A_290 : memref<1x128x128xf32, #tpu.memory_space<vmem>> -> memref<128x128xf32, #tpu.memory_space<vmem>>
                %dma_start3A_292 = arith.constant 0 : i32
                %dma_start3A_293 = tpu.memref_slice %dma_start3A_291[%scan3A_268, %dma_start3A_292] : memref<128x128xf32, #tpu.memory_space<vmem>> -> memref<1x128xf32, #tpu.memory_space<vmem>>
                %dma_start3A_294 = arith.constant 0 : i32
                %dma_start3A_295 = arith.constant 0 : i32
                %dma_start3A_296 = tpu.memref_slice %arg6[%dma_start3A_294, %dma_start3A_295] : memref<1x128xf32, #tpu.memory_space<hbm>> -> memref<1x128xf32, #tpu.memory_space<hbm>>
                tpu.enqueue_dma source(%dma_start3A_296 : memref<1x128xf32, #tpu.memory_space<hbm>>) target(%dma_start3A_293 : memref<1x128xf32, #tpu.memory_space<vmem>>) target_semaphore(%run_scoped3A : memref<!tpu.dma_semaphore, #tpu.memory_space<semaphore_mem>>)
                %dma_wait3A_297 = arith.constant 0 : i32
                %dma_wait3A_298 = arith.constant 0 : i32
                %dma_wait3A_299 = tpu.memref_slice %arg12[%cond3A_241, %dma_wait3A_297, %dma_wait3A_298] : memref<3x128x128xf32, #tpu.memory_space<vmem>> -> memref<1x128x128xf32, #tpu.memory_space<vmem>>
                %dma_wait3A_300 = tpu.memref_squeeze %dma_wait3A_299 : memref<1x128x128xf32, #tpu.memory_space<vmem>> -> memref<128x128xf32, #tpu.memory_space<vmem>>
                %dma_wait3A_301 = arith.constant 0 : i32
                %dma_wait3A_302 = tpu.memref_slice %dma_wait3A_300[%scan3A_268, %dma_wait3A_301] : memref<128x128xf32, #tpu.memory_space<vmem>> -> memref<1x128xf32, #tpu.memory_space<vmem>>
                %dma_wait3A_303 = arith.constant 0 : i32
                %dma_wait3A_304 = arith.constant 0 : i32
                %dma_wait3A_305 = tpu.memref_slice %arg6[%dma_wait3A_303, %dma_wait3A_304] : memref<1x128xf32, #tpu.memory_space<hbm>> -> memref<1x128xf32, #tpu.memory_space<hbm>>
                %dma_wait3A_306 = arith.constant 0 : i32
                %dma_wait3A_307 = arith.constant 0 : i32
                %dma_wait3A_308 = tpu.memref_slice %arg12[%cond3A_241, %dma_wait3A_306, %dma_wait3A_307] : memref<3x128x128xf32, #tpu.memory_space<vmem>> -> memref<1x128x128xf32, #tpu.memory_space<vmem>>
                %dma_wait3A_309 = tpu.memref_squeeze %dma_wait3A_308 : memref<1x128x128xf32, #tpu.memory_space<vmem>> -> memref<128x128xf32, #tpu.memory_space<vmem>>
                %dma_wait3A_310 = arith.constant 0 : i32
                %dma_wait3A_311 = tpu.memref_slice %dma_wait3A_309[%scan3A_268, %dma_wait3A_310] : memref<128x128xf32, #tpu.memory_space<vmem>> -> memref<1x128xf32, #tpu.memory_space<vmem>>
                %dma_wait3A_312 = arith.constant 0 : i32
                %dma_wait3A_313 = arith.constant 0 : i32
                %dma_wait3A_314 = tpu.memref_slice %arg6[%dma_wait3A_312, %dma_wait3A_313] : memref<1x128xf32, #tpu.memory_space<hbm>> -> memref<1x128xf32, #tpu.memory_space<hbm>>
                tpu.wait_dma2 semaphore(%run_scoped3A : memref<!tpu.dma_semaphore, #tpu.memory_space<semaphore_mem>>) src(%dma_wait3A_314 : memref<1x128xf32, #tpu.memory_space<hbm>>) dst(%dma_wait3A_311 : memref<1x128xf32, #tpu.memory_space<vmem>>)
                tpu.yield
              }) : () -> ()
            } else {
            }
          }
          %scan3A_267 = arith.constant 128 : i32
        } else {
        }
        %dma_start3A_244 = arith.constant 2 : i32
        %dma_start3A_245 = arith.constant 0 : i32
        %dma_start3A_246 = arith.constant 0 : i32
        %dma_start3A_247 = tpu.memref_slice %arg12[%dma_start3A_244, %dma_start3A_245, %dma_start3A_246] : memref<3x128x128xf32, #tpu.memory_space<vmem>> -> memref<1x128x128xf32, #tpu.memory_space<vmem>>
        %dma_start3A_248 = tpu.memref_squeeze %dma_start3A_247 : memref<1x128x128xf32, #tpu.memory_space<vmem>> -> memref<128x128xf32, #tpu.memory_space<vmem>>
        %dma_start3A_249 = arith.constant 0 : i32
        %dma_start3A_250 = tpu.memref_slice %arg7[%mul3A_224, %dma_start3A_249] : memref<100000x128xf32, #tpu.memory_space<hbm>> -> memref<128x128xf32, #tpu.memory_space<hbm>>
        %dma_start3A_251 = arith.constant 0 : i32
        %dma_start3A_252 = tpu.memref_slice %arg7[%mul3A_224, %dma_start3A_251] : memref<100000x128xf32, #tpu.memory_space<hbm>> -> memref<128x128xf32, #tpu.memory_space<hbm>>
        %dma_start3A_253 = arith.constant 0 : i32
        %dma_start3A_254 = arith.constant 0 : i32
        %dma_start3A_255 = tpu.memref_slice %arg12[%dma_start3A_244, %dma_start3A_253, %dma_start3A_254] : memref<3x128x128xf32, #tpu.memory_space<vmem>> -> memref<1x128x128xf32, #tpu.memory_space<vmem>>
        %dma_start3A_256 = tpu.memref_squeeze %dma_start3A_255 : memref<1x128x128xf32, #tpu.memory_space<vmem>> -> memref<128x128xf32, #tpu.memory_space<vmem>>
        tpu.enqueue_dma source(%dma_start3A_256 : memref<128x128xf32, #tpu.memory_space<vmem>>) target(%dma_start3A_252 : memref<128x128xf32, #tpu.memory_space<hbm>>) target_semaphore(%arg25 : memref<!tpu.dma_semaphore, #tpu.memory_space<semaphore_mem>>)
        %add3A_257 = arith.constant 3 : i32
        %add3A_258 = arith.addi %sub3A_219, %add3A_257 : i32
        %lt3A = arith.cmpi slt, %add3A_258, %select_n3A : i32
        %convert_element_type3A_259 = arith.extui %lt3A : i1 to i32
        %cond3A_260 = arith.constant 0 : i32
        %cond3A_261 = arith.cmpi ne, %convert_element_type3A_259, %cond3A_260 : i32
        scf.if %cond3A_261 {
          %add3A_262 = arith.constant 3 : i32
          %add3A_263 = arith.addi %sub3A_219, %add3A_262 : i32
          %mul3A_264 = arith.constant 32 : i32
          %mul3A_265 = arith.muli %add3A_263, %mul3A_264 : i32
          %add3A_266 = arith.addi %add3A, %mul3A_265 : i32
          %mul3A_267 = arith.constant 128 : i32
          %mul3A_268 = arith.muli %add3A_266, %mul3A_267 : i32
          %dma_start3A_269 = arith.constant 2 : i32
          %dma_start3A_270 = arith.constant 0 : i32
          %dma_start3A_271 = tpu.memref_slice %arg8[%dma_start3A_269, %dma_start3A_270] : memref<3x128xi32, #tpu.memory_space<vmem>> -> memref<1x128xi32, #tpu.memory_space<vmem>>
          %dma_start3A_272 = tpu.memref_squeeze %dma_start3A_271 : memref<1x128xi32, #tpu.memory_space<vmem>> -> memref<128xi32, #tpu.memory_space<vmem>>
          %dma_start3A_273 = tpu.memref_slice %arg3[%mul3A_268] : memref<100000xi32, #tpu.memory_space<hbm>> -> memref<128xi32, #tpu.memory_space<hbm>>
          %dma_start3A_274 = arith.constant 0 : i32
          %dma_start3A_275 = tpu.memref_slice %arg8[%dma_start3A_269, %dma_start3A_274] : memref<3x128xi32, #tpu.memory_space<vmem>> -> memref<1x128xi32, #tpu.memory_space<vmem>>
          %dma_start3A_276 = tpu.memref_squeeze %dma_start3A_275 : memref<1x128xi32, #tpu.memory_space<vmem>> -> memref<128xi32, #tpu.memory_space<vmem>>
          %dma_start3A_277 = tpu.memref_slice %arg3[%mul3A_268] : memref<100000xi32, #tpu.memory_space<hbm>> -> memref<128xi32, #tpu.memory_space<hbm>>
          tpu.enqueue_dma source(%dma_start3A_277 : memref<128xi32, #tpu.memory_space<hbm>>) target(%dma_start3A_276 : memref<128xi32, #tpu.memory_space<vmem>>) target_semaphore(%arg19 : memref<!tpu.dma_semaphore, #tpu.memory_space<semaphore_mem>>)
          %mul3A_278 = arith.constant 8 : i32
          %mul3A_279 = arith.muli %add3A_266, %mul3A_278 : i32
          %dma_start3A_280 = arith.constant 0 : i32
          %dma_start3A_281 = tpu.memref_slice %arg11[%dma_start3A_280] : memref<16xi32, #tpu.memory_space<vmem>> -> memref<8xi32, #tpu.memory_space<vmem>>
          %dma_start3A_282 = tpu.memref_slice %arg5[%mul3A_279] : memref<6256xi32, #tpu.memory_space<hbm>> -> memref<8xi32, #tpu.memory_space<hbm>>
          %dma_start3A_283 = arith.constant 0 : i32
          %dma_start3A_284 = tpu.memref_slice %arg11[%dma_start3A_283] : memref<16xi32, #tpu.memory_space<vmem>> -> memref<8xi32, #tpu.memory_space<vmem>>
          %dma_start3A_285 = tpu.memref_slice %arg5[%mul3A_279] : memref<6256xi32, #tpu.memory_space<hbm>> -> memref<8xi32, #tpu.memory_space<hbm>>
          tpu.enqueue_dma source(%dma_start3A_285 : memref<8xi32, #tpu.memory_space<hbm>>) target(%dma_start3A_284 : memref<8xi32, #tpu.memory_space<vmem>>) target_semaphore(%arg19 : memref<!tpu.dma_semaphore, #tpu.memory_space<semaphore_mem>>)
        } else {
        }
      } else {
      }
      %mul3A_117 = arith.constant 3 : i32
      %mul3A_118 = arith.muli %mul3A_117, %scan3A_69 : i32
      %add3A_119 = arith.constant 1 : i32
      %add3A_120 = arith.addi %mul3A_118, %add3A_119 : i32
      %eq3A_121 = arith.constant 0 : i32
      %eq3A_122 = arith.cmpi eq, %add3A_120, %eq3A_121 : i32
      %convert_element_type3A_123 = arith.extui %eq3A_122 : i1 to i32
      %cond3A_124 = arith.constant 0 : i32
      %cond3A_125 = arith.cmpi ne, %convert_element_type3A_123, %cond3A_124 : i32
      scf.if %cond3A_125 {
        %add3A_219 = arith.constant 0 : i32
        %add3A_220 = arith.addi %add3A, %add3A_219 : i32
        %mul3A_221 = arith.constant 128 : i32
        %mul3A_222 = arith.muli %add3A_220, %mul3A_221 : i32
        %dma_start3A_223 = arith.constant 0 : i32
        %dma_start3A_224 = arith.constant 0 : i32
        %dma_start3A_225 = tpu.memref_slice %arg8[%dma_start3A_223, %dma_start3A_224] : memref<3x128xi32, #tpu.memory_space<vmem>> -> memref<1x128xi32, #tpu.memory_space<vmem>>
        %dma_start3A_226 = tpu.memref_squeeze %dma_start3A_225 : memref<1x128xi32, #tpu.memory_space<vmem>> -> memref<128xi32, #tpu.memory_space<vmem>>
        %dma_start3A_227 = tpu.memref_slice %arg3[%mul3A_222] : memref<100000xi32, #tpu.memory_space<hbm>> -> memref<128xi32, #tpu.memory_space<hbm>>
        %dma_start3A_228 = arith.constant 0 : i32
        %dma_start3A_229 = tpu.memref_slice %arg8[%dma_start3A_223, %dma_start3A_228] : memref<3x128xi32, #tpu.memory_space<vmem>> -> memref<1x128xi32, #tpu.memory_space<vmem>>
        %dma_start3A_230 = tpu.memref_squeeze %dma_start3A_229 : memref<1x128xi32, #tpu.memory_space<vmem>> -> memref<128xi32, #tpu.memory_space<vmem>>
        %dma_start3A_231 = tpu.memref_slice %arg3[%mul3A_222] : memref<100000xi32, #tpu.memory_space<hbm>> -> memref<128xi32, #tpu.memory_space<hbm>>
        tpu.enqueue_dma source(%dma_start3A_231 : memref<128xi32, #tpu.memory_space<hbm>>) target(%dma_start3A_230 : memref<128xi32, #tpu.memory_space<vmem>>) target_semaphore(%arg17 : memref<!tpu.dma_semaphore, #tpu.memory_space<semaphore_mem>>)
        %mul3A_232 = arith.constant 8 : i32
        %mul3A_233 = arith.muli %add3A_220, %mul3A_232 : i32
        %dma_start3A_234 = arith.constant 0 : i32
        %dma_start3A_235 = tpu.memref_slice %arg9[%dma_start3A_234] : memref<16xi32, #tpu.memory_space<vmem>> -> memref<8xi32, #tpu.memory_space<vmem>>
        %dma_start3A_236 = tpu.memref_slice %arg5[%mul3A_233] : memref<6256xi32, #tpu.memory_space<hbm>> -> memref<8xi32, #tpu.memory_space<hbm>>
        %dma_start3A_237 = arith.constant 0 : i32
        %dma_start3A_238 = tpu.memref_slice %arg9[%dma_start3A_237] : memref<16xi32, #tpu.memory_space<vmem>> -> memref<8xi32, #tpu.memory_space<vmem>>
        %dma_start3A_239 = tpu.memref_slice %arg5[%mul3A_233] : memref<6256xi32, #tpu.memory_space<hbm>> -> memref<8xi32, #tpu.memory_space<hbm>>
        tpu.enqueue_dma source(%dma_start3A_239 : memref<8xi32, #tpu.memory_space<hbm>>) target(%dma_start3A_238 : memref<8xi32, #tpu.memory_space<vmem>>) target_semaphore(%arg17 : memref<!tpu.dma_semaphore, #tpu.memory_space<semaphore_mem>>)
        %add3A_240 = arith.constant 32 : i32
        %add3A_241 = arith.addi %add3A, %add3A_240 : i32
        %mul3A_242 = arith.constant 128 : i32
        %mul3A_243 = arith.muli %add3A_241, %mul3A_242 : i32
        %dma_start3A_244 = arith.constant 1 : i32
        %dma_start3A_245 = arith.constant 0 : i32
        %dma_start3A_246 = tpu.memref_slice %arg8[%dma_start3A_244, %dma_start3A_245] : memref<3x128xi32, #tpu.memory_space<vmem>> -> memref<1x128xi32, #tpu.memory_space<vmem>>
        %dma_start3A_247 = tpu.memref_squeeze %dma_start3A_246 : memref<1x128xi32, #tpu.memory_space<vmem>> -> memref<128xi32, #tpu.memory_space<vmem>>
        %dma_start3A_248 = tpu.memref_slice %arg3[%mul3A_243] : memref<100000xi32, #tpu.memory_space<hbm>> -> memref<128xi32, #tpu.memory_space<hbm>>
        %dma_start3A_249 = arith.constant 0 : i32
        %dma_start3A_250 = tpu.memref_slice %arg8[%dma_start3A_244, %dma_start3A_249] : memref<3x128xi32, #tpu.memory_space<vmem>> -> memref<1x128xi32, #tpu.memory_space<vmem>>
        %dma_start3A_251 = tpu.memref_squeeze %dma_start3A_250 : memref<1x128xi32, #tpu.memory_space<vmem>> -> memref<128xi32, #tpu.memory_space<vmem>>
        %dma_start3A_252 = tpu.memref_slice %arg3[%mul3A_243] : memref<100000xi32, #tpu.memory_space<hbm>> -> memref<128xi32, #tpu.memory_space<hbm>>
        tpu.enqueue_dma source(%dma_start3A_252 : memref<128xi32, #tpu.memory_space<hbm>>) target(%dma_start3A_251 : memref<128xi32, #tpu.memory_space<vmem>>) target_semaphore(%arg18 : memref<!tpu.dma_semaphore, #tpu.memory_space<semaphore_mem>>)
        %mul3A_253 = arith.constant 8 : i32
        %mul3A_254 = arith.muli %add3A_241, %mul3A_253 : i32
        %dma_start3A_255 = arith.constant 0 : i32
        %dma_start3A_256 = tpu.memref_slice %arg10[%dma_start3A_255] : memref<16xi32, #tpu.memory_space<vmem>> -> memref<8xi32, #tpu.memory_space<vmem>>
        %dma_start3A_257 = tpu.memref_slice %arg5[%mul3A_254] : memref<6256xi32, #tpu.memory_space<hbm>> -> memref<8xi32, #tpu.memory_space<hbm>>
        %dma_start3A_258 = arith.constant 0 : i32
        %dma_start3A_259 = tpu.memref_slice %arg10[%dma_start3A_258] : memref<16xi32, #tpu.memory_space<vmem>> -> memref<8xi32, #tpu.memory_space<vmem>>
        %dma_start3A_260 = tpu.memref_slice %arg5[%mul3A_254] : memref<6256xi32, #tpu.memory_space<hbm>> -> memref<8xi32, #tpu.memory_space<hbm>>
        tpu.enqueue_dma source(%dma_start3A_260 : memref<8xi32, #tpu.memory_space<hbm>>) target(%dma_start3A_259 : memref<8xi32, #tpu.memory_space<vmem>>) target_semaphore(%arg18 : memref<!tpu.dma_semaphore, #tpu.memory_space<semaphore_mem>>)
        %add3A_261 = arith.constant 64 : i32
        %add3A_262 = arith.addi %add3A, %add3A_261 : i32
        %mul3A_263 = arith.constant 128 : i32
        %mul3A_264 = arith.muli %add3A_262, %mul3A_263 : i32
        %dma_start3A_265 = arith.constant 2 : i32
        %dma_start3A_266 = arith.constant 0 : i32
        %dma_start3A_267 = tpu.memref_slice %arg8[%dma_start3A_265, %dma_start3A_266] : memref<3x128xi32, #tpu.memory_space<vmem>> -> memref<1x128xi32, #tpu.memory_space<vmem>>
        %dma_start3A_268 = tpu.memref_squeeze %dma_start3A_267 : memref<1x128xi32, #tpu.memory_space<vmem>> -> memref<128xi32, #tpu.memory_space<vmem>>
        %dma_start3A_269 = tpu.memref_slice %arg3[%mul3A_264] : memref<100000xi32, #tpu.memory_space<hbm>> -> memref<128xi32, #tpu.memory_space<hbm>>
        %dma_start3A_270 = arith.constant 0 : i32
        %dma_start3A_271 = tpu.memref_slice %arg8[%dma_start3A_265, %dma_start3A_270] : memref<3x128xi32, #tpu.memory_space<vmem>> -> memref<1x128xi32, #tpu.memory_space<vmem>>
        %dma_start3A_272 = tpu.memref_squeeze %dma_start3A_271 : memref<1x128xi32, #tpu.memory_space<vmem>> -> memref<128xi32, #tpu.memory_space<vmem>>
        %dma_start3A_273 = tpu.memref_slice %arg3[%mul3A_264] : memref<100000xi32, #tpu.memory_space<hbm>> -> memref<128xi32, #tpu.memory_space<hbm>>
        tpu.enqueue_dma source(%dma_start3A_273 : memref<128xi32, #tpu.memory_space<hbm>>) target(%dma_start3A_272 : memref<128xi32, #tpu.memory_space<vmem>>) target_semaphore(%arg19 : memref<!tpu.dma_semaphore, #tpu.memory_space<semaphore_mem>>)
        %mul3A_274 = arith.constant 8 : i32
        %mul3A_275 = arith.muli %add3A_262, %mul3A_274 : i32
        %dma_start3A_276 = arith.constant 0 : i32
        %dma_start3A_277 = tpu.memref_slice %arg11[%dma_start3A_276] : memref<16xi32, #tpu.memory_space<vmem>> -> memref<8xi32, #tpu.memory_space<vmem>>
        %dma_start3A_278 = tpu.memref_slice %arg5[%mul3A_275] : memref<6256xi32, #tpu.memory_space<hbm>> -> memref<8xi32, #tpu.memory_space<hbm>>
        %dma_start3A_279 = arith.constant 0 : i32
        %dma_start3A_280 = tpu.memref_slice %arg11[%dma_start3A_279] : memref<16xi32, #tpu.memory_space<vmem>> -> memref<8xi32, #tpu.memory_space<vmem>>
        %dma_start3A_281 = tpu.memref_slice %arg5[%mul3A_275] : memref<6256xi32, #tpu.memory_space<hbm>> -> memref<8xi32, #tpu.memory_space<hbm>>
        tpu.enqueue_dma source(%dma_start3A_281 : memref<8xi32, #tpu.memory_space<hbm>>) target(%dma_start3A_280 : memref<8xi32, #tpu.memory_space<vmem>>) target_semaphore(%arg19 : memref<!tpu.dma_semaphore, #tpu.memory_space<semaphore_mem>>)
      } else {
      }
      %dma_wait3A_126 = arith.constant 1 : i32
      %dma_wait3A_127 = arith.constant 0 : i32
      %dma_wait3A_128 = tpu.memref_slice %arg8[%dma_wait3A_126, %dma_wait3A_127] : memref<3x128xi32, #tpu.memory_space<vmem>> -> memref<1x128xi32, #tpu.memory_space<vmem>>
      %dma_wait3A_129 = tpu.memref_squeeze %dma_wait3A_128 : memref<1x128xi32, #tpu.memory_space<vmem>> -> memref<128xi32, #tpu.memory_space<vmem>>
      %dma_wait3A_130 = arith.constant 0 : i32
      %dma_wait3A_131 = tpu.memref_slice %arg3[%dma_wait3A_130] : memref<100000xi32, #tpu.memory_space<hbm>> -> memref<128xi32, #tpu.memory_space<hbm>>
      %dma_wait3A_132 = arith.constant 0 : i32
      %dma_wait3A_133 = tpu.memref_slice %arg8[%dma_wait3A_126, %dma_wait3A_132] : memref<3x128xi32, #tpu.memory_space<vmem>> -> memref<1x128xi32, #tpu.memory_space<vmem>>
      %dma_wait3A_134 = tpu.memref_squeeze %dma_wait3A_133 : memref<1x128xi32, #tpu.memory_space<vmem>> -> memref<128xi32, #tpu.memory_space<vmem>>
      %dma_wait3A_135 = arith.constant 0 : i32
      %dma_wait3A_136 = tpu.memref_slice %arg3[%dma_wait3A_135] : memref<100000xi32, #tpu.memory_space<hbm>> -> memref<128xi32, #tpu.memory_space<hbm>>
      tpu.wait_dma2 semaphore(%arg18 : memref<!tpu.dma_semaphore, #tpu.memory_space<semaphore_mem>>) src(%dma_wait3A_136 : memref<128xi32, #tpu.memory_space<hbm>>) dst(%dma_wait3A_134 : memref<128xi32, #tpu.memory_space<vmem>>)
      %dma_wait3A_137 = arith.constant 0 : i32
      %dma_wait3A_138 = tpu.memref_slice %arg10[%dma_wait3A_137] : memref<16xi32, #tpu.memory_space<vmem>> -> memref<8xi32, #tpu.memory_space<vmem>>
      %dma_wait3A_139 = arith.constant 0 : i32
      %dma_wait3A_140 = tpu.memref_slice %arg5[%dma_wait3A_139] : memref<6256xi32, #tpu.memory_space<hbm>> -> memref<8xi32, #tpu.memory_space<hbm>>
      %dma_wait3A_141 = arith.constant 0 : i32
      %dma_wait3A_142 = tpu.memref_slice %arg10[%dma_wait3A_141] : memref<16xi32, #tpu.memory_space<vmem>> -> memref<8xi32, #tpu.memory_space<vmem>>
      %dma_wait3A_143 = arith.constant 0 : i32
      %dma_wait3A_144 = tpu.memref_slice %arg5[%dma_wait3A_143] : memref<6256xi32, #tpu.memory_space<hbm>> -> memref<8xi32, #tpu.memory_space<hbm>>
      tpu.wait_dma2 semaphore(%arg18 : memref<!tpu.dma_semaphore, #tpu.memory_space<semaphore_mem>>) src(%dma_wait3A_144 : memref<8xi32, #tpu.memory_space<hbm>>) dst(%dma_wait3A_142 : memref<8xi32, #tpu.memory_space<vmem>>)
      %ge3A_145 = arith.constant 3 : i32
      %ge3A_146 = arith.cmpi sge, %add3A_120, %ge3A_145 : i32
      %convert_element_type3A_147 = arith.extui %ge3A_146 : i1 to i32
      %cond3A_148 = arith.constant 1 : i32
      %cond3A_149 = arith.constant 0 : i32
      %cond3A_150 = arith.cmpi ne, %convert_element_type3A_147, %cond3A_149 : i32
      scf.if %cond3A_150 {
        %dma_wait3A_219 = arith.constant 0 : i32
        %dma_wait3A_220 = arith.constant 0 : i32
        %dma_wait3A_221 = tpu.memref_slice %arg12[%cond3A_148, %dma_wait3A_219, %dma_wait3A_220] : memref<3x128x128xf32, #tpu.memory_space<vmem>> -> memref<1x128x128xf32, #tpu.memory_space<vmem>>
        %dma_wait3A_222 = tpu.memref_squeeze %dma_wait3A_221 : memref<1x128x128xf32, #tpu.memory_space<vmem>> -> memref<128x128xf32, #tpu.memory_space<vmem>>
        %dma_wait3A_223 = arith.constant 0 : i32
        %dma_wait3A_224 = arith.constant 0 : i32
        %dma_wait3A_225 = tpu.memref_slice %arg7[%dma_wait3A_223, %dma_wait3A_224] : memref<100000x128xf32, #tpu.memory_space<hbm>> -> memref<128x128xf32, #tpu.memory_space<hbm>>
        %dma_wait3A_226 = arith.constant 0 : i32
        %dma_wait3A_227 = arith.constant 0 : i32
        %dma_wait3A_228 = tpu.memref_slice %arg7[%dma_wait3A_226, %dma_wait3A_227] : memref<100000x128xf32, #tpu.memory_space<hbm>> -> memref<128x128xf32, #tpu.memory_space<hbm>>
        %dma_wait3A_229 = arith.constant 0 : i32
        %dma_wait3A_230 = arith.constant 0 : i32
        %dma_wait3A_231 = tpu.memref_slice %arg12[%cond3A_148, %dma_wait3A_229, %dma_wait3A_230] : memref<3x128x128xf32, #tpu.memory_space<vmem>> -> memref<1x128x128xf32, #tpu.memory_space<vmem>>
        %dma_wait3A_232 = tpu.memref_squeeze %dma_wait3A_231 : memref<1x128x128xf32, #tpu.memory_space<vmem>> -> memref<128x128xf32, #tpu.memory_space<vmem>>
        tpu.wait_dma2 semaphore(%arg24 : memref<!tpu.dma_semaphore, #tpu.memory_space<semaphore_mem>>) src(%dma_wait3A_232 : memref<128x128xf32, #tpu.memory_space<vmem>>) dst(%dma_wait3A_228 : memref<128x128xf32, #tpu.memory_space<hbm>>)
      } else {
      }
      %dma_start3A_151 = arith.constant 1 : i32
      %dma_start3A_152 = arith.constant 1 : i32
      %dma_start3A_153 = arith.constant 0 : i32
      %dma_start3A_154 = arith.constant 0 : i32
      %dma_start3A_155 = tpu.memref_slice %arg12[%dma_start3A_152, %dma_start3A_153, %dma_start3A_154] : memref<3x128x128xf32, #tpu.memory_space<vmem>> -> memref<1x128x128xf32, #tpu.memory_space<vmem>>
      %dma_start3A_156 = tpu.memref_squeeze %dma_start3A_155 : memref<1x128x128xf32, #tpu.memory_space<vmem>> -> memref<128x128xf32, #tpu.memory_space<vmem>>
      %dma_start3A_157 = arith.constant 0 : i32
      %dma_start3A_158 = tpu.memref_slice %arg8[%dma_start3A_151, %dma_start3A_157] : memref<3x128xi32, #tpu.memory_space<vmem>> -> memref<1x128xi32, #tpu.memory_space<vmem>>
      %dma_start3A_159 = tpu.memref_squeeze %dma_start3A_158 : memref<1x128xi32, #tpu.memory_space<vmem>> -> memref<128xi32, #tpu.memory_space<vmem>>
      %dma_start3A_160 = arith.constant 0 : i32
      %dma_start3A_161 = arith.constant 0 : i32
      %dma_start3A_162 = tpu.memref_slice %arg2[%dma_start3A_160, %dma_start3A_161] : memref<50000x128xf32, #tpu.memory_space<hbm>> -> memref<50000x128xf32, #tpu.memory_space<hbm>>
      tpu.enqueue_indirect_dma source(%dma_start3A_162 : memref<50000x128xf32, #tpu.memory_space<hbm>>) target(%dma_start3A_156 : memref<128x128xf32, #tpu.memory_space<vmem>>) offsets(%dma_start3A_159 : memref<128xi32, #tpu.memory_space<vmem>>) semaphore(%arg21 : memref<!tpu.dma_semaphore, #tpu.memory_space<semaphore_mem>>)
      %ge3A_163 = arith.constant 1 : i32
      %ge3A_164 = arith.cmpi sge, %add3A_120, %ge3A_163 : i32
      %convert_element_type3A_165 = arith.extui %ge3A_164 : i1 to i32
      %cond3A_166 = arith.constant 0 : i32
      %cond3A_167 = arith.cmpi ne, %convert_element_type3A_165, %cond3A_166 : i32
      scf.if %cond3A_167 {
        %sub3A = arith.constant 1 : i32
        %sub3A_219 = arith.subi %add3A_120, %sub3A : i32
        %mul3A_220 = arith.constant 32 : i32
        %mul3A_221 = arith.muli %sub3A_219, %mul3A_220 : i32
        %add3A_222 = arith.addi %add3A, %mul3A_221 : i32
        %mul3A_223 = arith.constant 128 : i32
        %mul3A_224 = arith.muli %add3A_222, %mul3A_223 : i32
        %dma_wait3A_225 = arith.constant 0 : i32
        %dma_wait3A_226 = arith.constant 0 : i32
        %dma_wait3A_227 = arith.constant 0 : i32
        %dma_wait3A_228 = arith.constant 0 : i32
        %dma_wait3A_229 = tpu.memref_slice %arg12[%dma_wait3A_226, %dma_wait3A_227, %dma_wait3A_228] : memref<3x128x128xf32, #tpu.memory_space<vmem>> -> memref<1x128x128xf32, #tpu.memory_space<vmem>>
        %dma_wait3A_230 = tpu.memref_squeeze %dma_wait3A_229 : memref<1x128x128xf32, #tpu.memory_space<vmem>> -> memref<128x128xf32, #tpu.memory_space<vmem>>
        %dma_wait3A_231 = arith.constant 0 : i32
        %dma_wait3A_232 = tpu.memref_slice %arg8[%dma_wait3A_225, %dma_wait3A_231] : memref<3x128xi32, #tpu.memory_space<vmem>> -> memref<1x128xi32, #tpu.memory_space<vmem>>
        %dma_wait3A_233 = tpu.memref_squeeze %dma_wait3A_232 : memref<1x128xi32, #tpu.memory_space<vmem>> -> memref<128xi32, #tpu.memory_space<vmem>>
        %dma_wait3A_234 = arith.constant 0 : i32
        %dma_wait3A_235 = arith.constant 0 : i32
        %dma_wait3A_236 = tpu.memref_slice %arg2[%dma_wait3A_234, %dma_wait3A_235] : memref<50000x128xf32, #tpu.memory_space<hbm>> -> memref<50000x128xf32, #tpu.memory_space<hbm>>
        tpu.wait_indirect_dma semaphore(%arg20 : memref<!tpu.dma_semaphore, #tpu.memory_space<semaphore_mem>>) src(%dma_wait3A_236 : memref<50000x128xf32, #tpu.memory_space<hbm>>) dst(%dma_wait3A_230 : memref<128x128xf32, #tpu.memory_space<vmem>>)
        %get3A = arith.constant 0 : index
        %get3A_237 = tpu.vector_load %arg9[%get3A] {strides = array<i32>} : memref<16xi32, #tpu.memory_space<vmem>>, vector<16xi32>,
        %get3A_238 = vector.shape_cast %get3A_237 : vector<16xi32> to vector<16xi32>
        %slice3A = vector.extract_strided_slice %get3A_238 {offsets = [0], sizes = [1], strides = [1]} : vector<16xi32> to vector<1xi32>
        %squeeze3A = vector.extract %slice3A[0] : i32 from vector<1xi32>
        %ne3A = arith.constant 0 : i32
        %ne3A_239 = arith.cmpi ne, %squeeze3A, %ne3A : i32
        %convert_element_type3A_240 = arith.extui %ne3A_239 : i1 to i32
        %cond3A_241 = arith.constant 0 : i32
        %cond3A_242 = arith.constant 0 : i32
        %cond3A_243 = arith.cmpi ne, %convert_element_type3A_240, %cond3A_242 : i32
        scf.if %cond3A_243 {
          "tpu.region"() ({
            %run_scoped3A = tpu.sem_alloc : memref<!tpu.dma_semaphore, #tpu.memory_space<semaphore_mem>>
            %dma_start3A_268 = arith.constant 0 : i32
            %dma_start3A_269 = tpu.memref_slice %arg13[%dma_start3A_268] : memref<144xi32, #tpu.memory_space<vmem>> -> memref<128xi32, #tpu.memory_space<vmem>>
            %dma_start3A_270 = tpu.memref_slice %arg4[%mul3A_224] : memref<100000xi32, #tpu.memory_space<hbm>> -> memref<128xi32, #tpu.memory_space<hbm>>
            %dma_start3A_271 = arith.constant 0 : i32
            %dma_start3A_272 = tpu.memref_slice %arg13[%dma_start3A_271] : memref<144xi32, #tpu.memory_space<vmem>> -> memref<128xi32, #tpu.memory_space<vmem>>
            %dma_start3A_273 = tpu.memref_slice %arg4[%mul3A_224] : memref<100000xi32, #tpu.memory_space<hbm>> -> memref<128xi32, #tpu.memory_space<hbm>>
            tpu.enqueue_dma source(%dma_start3A_273 : memref<128xi32, #tpu.memory_space<hbm>>) target(%dma_start3A_272 : memref<128xi32, #tpu.memory_space<vmem>>) target_semaphore(%run_scoped3A : memref<!tpu.dma_semaphore, #tpu.memory_space<semaphore_mem>>)
            %dma_wait3A_274 = arith.constant 0 : i32
            %dma_wait3A_275 = tpu.memref_slice %arg13[%dma_wait3A_274] : memref<144xi32, #tpu.memory_space<vmem>> -> memref<128xi32, #tpu.memory_space<vmem>>
            %dma_wait3A_276 = tpu.memref_slice %arg4[%mul3A_224] : memref<100000xi32, #tpu.memory_space<hbm>> -> memref<128xi32, #tpu.memory_space<hbm>>
            %dma_wait3A_277 = arith.constant 0 : i32
            %dma_wait3A_278 = tpu.memref_slice %arg13[%dma_wait3A_277] : memref<144xi32, #tpu.memory_space<vmem>> -> memref<128xi32, #tpu.memory_space<vmem>>
            %dma_wait3A_279 = tpu.memref_slice %arg4[%mul3A_224] : memref<100000xi32, #tpu.memory_space<hbm>> -> memref<128xi32, #tpu.memory_space<hbm>>
            tpu.wait_dma2 semaphore(%run_scoped3A : memref<!tpu.dma_semaphore, #tpu.memory_space<semaphore_mem>>) src(%dma_wait3A_279 : memref<128xi32, #tpu.memory_space<hbm>>) dst(%dma_wait3A_278 : memref<128xi32, #tpu.memory_space<vmem>>)
            tpu.yield
          }) : () -> ()
          %scan3A_262 = arith.constant 0 : i32
          %scan3A_263 = arith.constant 0 : i32
          %scan3A_264 = arith.constant 128 : i32
          %scan3A_265 = arith.addi %scan3A_263, %scan3A_264 : i32
          %scan3A_266 = arith.constant 1 : i32
          scf.for %scan3A_268 = %scan3A_263 to %scan3A_265 step %scan3A_266  : i32 {
            %get3A_269 = arith.index_cast %scan3A_268 : i32 to index
            %get3A_270 = tpu.vector_load %arg13[%get3A_269] {strides = array<i32>} : memref<144xi32, #tpu.memory_space<vmem>>, vector<16xi32>,
            %get3A_271 = vector.shape_cast %get3A_270 : vector<16xi32> to vector<16xi32>
            %slice3A_272 = vector.extract_strided_slice %get3A_271 {offsets = [0], sizes = [1], strides = [1]} : vector<16xi32> to vector<1xi32>
            %squeeze3A_273 = vector.extract %slice3A_272[0] : i32 from vector<1xi32>
            %eq3A_274 = arith.constant 50000 : i32
            %eq3A_275 = arith.cmpi eq, %squeeze3A_273, %eq3A_274 : i32
            %convert_element_type3A_276 = arith.extui %eq3A_275 : i1 to i32
            %cond3A_277 = arith.constant 0 : i32
            %cond3A_278 = arith.cmpi ne, %convert_element_type3A_276, %cond3A_277 : i32
            scf.if %cond3A_278 {
              "tpu.region"() ({
                %run_scoped3A = tpu.sem_alloc : memref<!tpu.dma_semaphore, #tpu.memory_space<semaphore_mem>>
                %dma_start3A_279 = arith.constant 0 : i32
                %dma_start3A_280 = arith.constant 0 : i32
                %dma_start3A_281 = tpu.memref_slice %arg12[%cond3A_241, %dma_start3A_279, %dma_start3A_280] : memref<3x128x128xf32, #tpu.memory_space<vmem>> -> memref<1x128x128xf32, #tpu.memory_space<vmem>>
                %dma_start3A_282 = tpu.memref_squeeze %dma_start3A_281 : memref<1x128x128xf32, #tpu.memory_space<vmem>> -> memref<128x128xf32, #tpu.memory_space<vmem>>
                %dma_start3A_283 = arith.constant 0 : i32
                %dma_start3A_284 = tpu.memref_slice %dma_start3A_282[%scan3A_268, %dma_start3A_283] : memref<128x128xf32, #tpu.memory_space<vmem>> -> memref<1x128xf32, #tpu.memory_space<vmem>>
                %dma_start3A_285 = arith.constant 0 : i32
                %dma_start3A_286 = arith.constant 0 : i32
                %dma_start3A_287 = tpu.memref_slice %arg6[%dma_start3A_285, %dma_start3A_286] : memref<1x128xf32, #tpu.memory_space<hbm>> -> memref<1x128xf32, #tpu.memory_space<hbm>>
                %dma_start3A_288 = arith.constant 0 : i32
                %dma_start3A_289 = arith.constant 0 : i32
                %dma_start3A_290 = tpu.memref_slice %arg12[%cond3A_241, %dma_start3A_288, %dma_start3A_289] : memref<3x128x128xf32, #tpu.memory_space<vmem>> -> memref<1x128x128xf32, #tpu.memory_space<vmem>>
                %dma_start3A_291 = tpu.memref_squeeze %dma_start3A_290 : memref<1x128x128xf32, #tpu.memory_space<vmem>> -> memref<128x128xf32, #tpu.memory_space<vmem>>
                %dma_start3A_292 = arith.constant 0 : i32
                %dma_start3A_293 = tpu.memref_slice %dma_start3A_291[%scan3A_268, %dma_start3A_292] : memref<128x128xf32, #tpu.memory_space<vmem>> -> memref<1x128xf32, #tpu.memory_space<vmem>>
                %dma_start3A_294 = arith.constant 0 : i32
                %dma_start3A_295 = arith.constant 0 : i32
                %dma_start3A_296 = tpu.memref_slice %arg6[%dma_start3A_294, %dma_start3A_295] : memref<1x128xf32, #tpu.memory_space<hbm>> -> memref<1x128xf32, #tpu.memory_space<hbm>>
                tpu.enqueue_dma source(%dma_start3A_296 : memref<1x128xf32, #tpu.memory_space<hbm>>) target(%dma_start3A_293 : memref<1x128xf32, #tpu.memory_space<vmem>>) target_semaphore(%run_scoped3A : memref<!tpu.dma_semaphore, #tpu.memory_space<semaphore_mem>>)
                %dma_wait3A_297 = arith.constant 0 : i32
                %dma_wait3A_298 = arith.constant 0 : i32
                %dma_wait3A_299 = tpu.memref_slice %arg12[%cond3A_241, %dma_wait3A_297, %dma_wait3A_298] : memref<3x128x128xf32, #tpu.memory_space<vmem>> -> memref<1x128x128xf32, #tpu.memory_space<vmem>>
                %dma_wait3A_300 = tpu.memref_squeeze %dma_wait3A_299 : memref<1x128x128xf32, #tpu.memory_space<vmem>> -> memref<128x128xf32, #tpu.memory_space<vmem>>
                %dma_wait3A_301 = arith.constant 0 : i32
                %dma_wait3A_302 = tpu.memref_slice %dma_wait3A_300[%scan3A_268, %dma_wait3A_301] : memref<128x128xf32, #tpu.memory_space<vmem>> -> memref<1x128xf32, #tpu.memory_space<vmem>>
                %dma_wait3A_303 = arith.constant 0 : i32
                %dma_wait3A_304 = arith.constant 0 : i32
                %dma_wait3A_305 = tpu.memref_slice %arg6[%dma_wait3A_303, %dma_wait3A_304] : memref<1x128xf32, #tpu.memory_space<hbm>> -> memref<1x128xf32, #tpu.memory_space<hbm>>
                %dma_wait3A_306 = arith.constant 0 : i32
                %dma_wait3A_307 = arith.constant 0 : i32
                %dma_wait3A_308 = tpu.memref_slice %arg12[%cond3A_241, %dma_wait3A_306, %dma_wait3A_307] : memref<3x128x128xf32, #tpu.memory_space<vmem>> -> memref<1x128x128xf32, #tpu.memory_space<vmem>>
                %dma_wait3A_309 = tpu.memref_squeeze %dma_wait3A_308 : memref<1x128x128xf32, #tpu.memory_space<vmem>> -> memref<128x128xf32, #tpu.memory_space<vmem>>
                %dma_wait3A_310 = arith.constant 0 : i32
                %dma_wait3A_311 = tpu.memref_slice %dma_wait3A_309[%scan3A_268, %dma_wait3A_310] : memref<128x128xf32, #tpu.memory_space<vmem>> -> memref<1x128xf32, #tpu.memory_space<vmem>>
                %dma_wait3A_312 = arith.constant 0 : i32
                %dma_wait3A_313 = arith.constant 0 : i32
                %dma_wait3A_314 = tpu.memref_slice %arg6[%dma_wait3A_312, %dma_wait3A_313] : memref<1x128xf32, #tpu.memory_space<hbm>> -> memref<1x128xf32, #tpu.memory_space<hbm>>
                tpu.wait_dma2 semaphore(%run_scoped3A : memref<!tpu.dma_semaphore, #tpu.memory_space<semaphore_mem>>) src(%dma_wait3A_314 : memref<1x128xf32, #tpu.memory_space<hbm>>) dst(%dma_wait3A_311 : memref<1x128xf32, #tpu.memory_space<vmem>>)
                tpu.yield
              }) : () -> ()
            } else {
            }
          }
          %scan3A_267 = arith.constant 128 : i32
        } else {
        }
        %dma_start3A_244 = arith.constant 0 : i32
        %dma_start3A_245 = arith.constant 0 : i32
        %dma_start3A_246 = arith.constant 0 : i32
        %dma_start3A_247 = tpu.memref_slice %arg12[%dma_start3A_244, %dma_start3A_245, %dma_start3A_246] : memref<3x128x128xf32, #tpu.memory_space<vmem>> -> memref<1x128x128xf32, #tpu.memory_space<vmem>>
        %dma_start3A_248 = tpu.memref_squeeze %dma_start3A_247 : memref<1x128x128xf32, #tpu.memory_space<vmem>> -> memref<128x128xf32, #tpu.memory_space<vmem>>
        %dma_start3A_249 = arith.constant 0 : i32
        %dma_start3A_250 = tpu.memref_slice %arg7[%mul3A_224, %dma_start3A_249] : memref<100000x128xf32, #tpu.memory_space<hbm>> -> memref<128x128xf32, #tpu.memory_space<hbm>>
        %dma_start3A_251 = arith.constant 0 : i32
        %dma_start3A_252 = tpu.memref_slice %arg7[%mul3A_224, %dma_start3A_251] : memref<100000x128xf32, #tpu.memory_space<hbm>> -> memref<128x128xf32, #tpu.memory_space<hbm>>
        %dma_start3A_253 = arith.constant 0 : i32
        %dma_start3A_254 = arith.constant 0 : i32
        %dma_start3A_255 = tpu.memref_slice %arg12[%dma_start3A_244, %dma_start3A_253, %dma_start3A_254] : memref<3x128x128xf32, #tpu.memory_space<vmem>> -> memref<1x128x128xf32, #tpu.memory_space<vmem>>
        %dma_start3A_256 = tpu.memref_squeeze %dma_start3A_255 : memref<1x128x128xf32, #tpu.memory_space<vmem>> -> memref<128x128xf32, #tpu.memory_space<vmem>>
        tpu.enqueue_dma source(%dma_start3A_256 : memref<128x128xf32, #tpu.memory_space<vmem>>) target(%dma_start3A_252 : memref<128x128xf32, #tpu.memory_space<hbm>>) target_semaphore(%arg23 : memref<!tpu.dma_semaphore, #tpu.memory_space<semaphore_mem>>)
        %add3A_257 = arith.constant 3 : i32
        %add3A_258 = arith.addi %sub3A_219, %add3A_257 : i32
        %lt3A = arith.cmpi slt, %add3A_258, %select_n3A : i32
        %convert_element_type3A_259 = arith.extui %lt3A : i1 to i32
        %cond3A_260 = arith.constant 0 : i32
        %cond3A_261 = arith.cmpi ne, %convert_element_type3A_259, %cond3A_260 : i32
        scf.if %cond3A_261 {
          %add3A_262 = arith.constant 3 : i32
          %add3A_263 = arith.addi %sub3A_219, %add3A_262 : i32
          %mul3A_264 = arith.constant 32 : i32
          %mul3A_265 = arith.muli %add3A_263, %mul3A_264 : i32
          %add3A_266 = arith.addi %add3A, %mul3A_265 : i32
          %mul3A_267 = arith.constant 128 : i32
          %mul3A_268 = arith.muli %add3A_266, %mul3A_267 : i32
          %dma_start3A_269 = arith.constant 0 : i32
          %dma_start3A_270 = arith.constant 0 : i32
          %dma_start3A_271 = tpu.memref_slice %arg8[%dma_start3A_269, %dma_start3A_270] : memref<3x128xi32, #tpu.memory_space<vmem>> -> memref<1x128xi32, #tpu.memory_space<vmem>>
          %dma_start3A_272 = tpu.memref_squeeze %dma_start3A_271 : memref<1x128xi32, #tpu.memory_space<vmem>> -> memref<128xi32, #tpu.memory_space<vmem>>
          %dma_start3A_273 = tpu.memref_slice %arg3[%mul3A_268] : memref<100000xi32, #tpu.memory_space<hbm>> -> memref<128xi32, #tpu.memory_space<hbm>>
          %dma_start3A_274 = arith.constant 0 : i32
          %dma_start3A_275 = tpu.memref_slice %arg8[%dma_start3A_269, %dma_start3A_274] : memref<3x128xi32, #tpu.memory_space<vmem>> -> memref<1x128xi32, #tpu.memory_space<vmem>>
          %dma_start3A_276 = tpu.memref_squeeze %dma_start3A_275 : memref<1x128xi32, #tpu.memory_space<vmem>> -> memref<128xi32, #tpu.memory_space<vmem>>
          %dma_start3A_277 = tpu.memref_slice %arg3[%mul3A_268] : memref<100000xi32, #tpu.memory_space<hbm>> -> memref<128xi32, #tpu.memory_space<hbm>>
          tpu.enqueue_dma source(%dma_start3A_277 : memref<128xi32, #tpu.memory_space<hbm>>) target(%dma_start3A_276 : memref<128xi32, #tpu.memory_space<vmem>>) target_semaphore(%arg17 : memref<!tpu.dma_semaphore, #tpu.memory_space<semaphore_mem>>)
          %mul3A_278 = arith.constant 8 : i32
          %mul3A_279 = arith.muli %add3A_266, %mul3A_278 : i32
          %dma_start3A_280 = arith.constant 0 : i32
          %dma_start3A_281 = tpu.memref_slice %arg9[%dma_start3A_280] : memref<16xi32, #tpu.memory_space<vmem>> -> memref<8xi32, #tpu.memory_space<vmem>>
          %dma_start3A_282 = tpu.memref_slice %arg5[%mul3A_279] : memref<6256xi32, #tpu.memory_space<hbm>> -> memref<8xi32, #tpu.memory_space<hbm>>
          %dma_start3A_283 = arith.constant 0 : i32
          %dma_start3A_284 = tpu.memref_slice %arg9[%dma_start3A_283] : memref<16xi32, #tpu.memory_space<vmem>> -> memref<8xi32, #tpu.memory_space<vmem>>
          %dma_start3A_285 = tpu.memref_slice %arg5[%mul3A_279] : memref<6256xi32, #tpu.memory_space<hbm>> -> memref<8xi32, #tpu.memory_space<hbm>>
          tpu.enqueue_dma source(%dma_start3A_285 : memref<8xi32, #tpu.memory_space<hbm>>) target(%dma_start3A_284 : memref<8xi32, #tpu.memory_space<vmem>>) target_semaphore(%arg17 : memref<!tpu.dma_semaphore, #tpu.memory_space<semaphore_mem>>)
        } else {
        }
      } else {
      }
      %mul3A_168 = arith.constant 3 : i32
      %mul3A_169 = arith.muli %mul3A_168, %scan3A_69 : i32
      %add3A_170 = arith.constant 2 : i32
      %add3A_171 = arith.addi %mul3A_169, %add3A_170 : i32
      %eq3A_172 = arith.constant 0 : i32
      %eq3A_173 = arith.cmpi eq, %add3A_171, %eq3A_172 : i32
      %convert_element_type3A_174 = arith.extui %eq3A_173 : i1 to i32
      %cond3A_175 = arith.constant 0 : i32
      %cond3A_176 = arith.cmpi ne, %convert_element_type3A_174, %cond3A_175 : i32
      scf.if %cond3A_176 {
        %add3A_219 = arith.constant 0 : i32
        %add3A_220 = arith.addi %add3A, %add3A_219 : i32
        %mul3A_221 = arith.constant 128 : i32
        %mul3A_222 = arith.muli %add3A_220, %mul3A_221 : i32
        %dma_start3A_223 = arith.constant 0 : i32
        %dma_start3A_224 = arith.constant 0 : i32
        %dma_start3A_225 = tpu.memref_slice %arg8[%dma_start3A_223, %dma_start3A_224] : memref<3x128xi32, #tpu.memory_space<vmem>> -> memref<1x128xi32, #tpu.memory_space<vmem>>
        %dma_start3A_226 = tpu.memref_squeeze %dma_start3A_225 : memref<1x128xi32, #tpu.memory_space<vmem>> -> memref<128xi32, #tpu.memory_space<vmem>>
        %dma_start3A_227 = tpu.memref_slice %arg3[%mul3A_222] : memref<100000xi32, #tpu.memory_space<hbm>> -> memref<128xi32, #tpu.memory_space<hbm>>
        %dma_start3A_228 = arith.constant 0 : i32
        %dma_start3A_229 = tpu.memref_slice %arg8[%dma_start3A_223, %dma_start3A_228] : memref<3x128xi32, #tpu.memory_space<vmem>> -> memref<1x128xi32, #tpu.memory_space<vmem>>
        %dma_start3A_230 = tpu.memref_squeeze %dma_start3A_229 : memref<1x128xi32, #tpu.memory_space<vmem>> -> memref<128xi32, #tpu.memory_space<vmem>>
        %dma_start3A_231 = tpu.memref_slice %arg3[%mul3A_222] : memref<100000xi32, #tpu.memory_space<hbm>> -> memref<128xi32, #tpu.memory_space<hbm>>
        tpu.enqueue_dma source(%dma_start3A_231 : memref<128xi32, #tpu.memory_space<hbm>>) target(%dma_start3A_230 : memref<128xi32, #tpu.memory_space<vmem>>) target_semaphore(%arg17 : memref<!tpu.dma_semaphore, #tpu.memory_space<semaphore_mem>>)
        %mul3A_232 = arith.constant 8 : i32
        %mul3A_233 = arith.muli %add3A_220, %mul3A_232 : i32
        %dma_start3A_234 = arith.constant 0 : i32
        %dma_start3A_235 = tpu.memref_slice %arg9[%dma_start3A_234] : memref<16xi32, #tpu.memory_space<vmem>> -> memref<8xi32, #tpu.memory_space<vmem>>
        %dma_start3A_236 = tpu.memref_slice %arg5[%mul3A_233] : memref<6256xi32, #tpu.memory_space<hbm>> -> memref<8xi32, #tpu.memory_space<hbm>>
        %dma_start3A_237 = arith.constant 0 : i32
        %dma_start3A_238 = tpu.memref_slice %arg9[%dma_start3A_237] : memref<16xi32, #tpu.memory_space<vmem>> -> memref<8xi32, #tpu.memory_space<vmem>>
        %dma_start3A_239 = tpu.memref_slice %arg5[%mul3A_233] : memref<6256xi32, #tpu.memory_space<hbm>> -> memref<8xi32, #tpu.memory_space<hbm>>
        tpu.enqueue_dma source(%dma_start3A_239 : memref<8xi32, #tpu.memory_space<hbm>>) target(%dma_start3A_238 : memref<8xi32, #tpu.memory_space<vmem>>) target_semaphore(%arg17 : memref<!tpu.dma_semaphore, #tpu.memory_space<semaphore_mem>>)
        %add3A_240 = arith.constant 32 : i32
        %add3A_241 = arith.addi %add3A, %add3A_240 : i32
        %mul3A_242 = arith.constant 128 : i32
        %mul3A_243 = arith.muli %add3A_241, %mul3A_242 : i32
        %dma_start3A_244 = arith.constant 1 : i32
        %dma_start3A_245 = arith.constant 0 : i32
        %dma_start3A_246 = tpu.memref_slice %arg8[%dma_start3A_244, %dma_start3A_245] : memref<3x128xi32, #tpu.memory_space<vmem>> -> memref<1x128xi32, #tpu.memory_space<vmem>>
        %dma_start3A_247 = tpu.memref_squeeze %dma_start3A_246 : memref<1x128xi32, #tpu.memory_space<vmem>> -> memref<128xi32, #tpu.memory_space<vmem>>
        %dma_start3A_248 = tpu.memref_slice %arg3[%mul3A_243] : memref<100000xi32, #tpu.memory_space<hbm>> -> memref<128xi32, #tpu.memory_space<hbm>>
        %dma_start3A_249 = arith.constant 0 : i32
        %dma_start3A_250 = tpu.memref_slice %arg8[%dma_start3A_244, %dma_start3A_249] : memref<3x128xi32, #tpu.memory_space<vmem>> -> memref<1x128xi32, #tpu.memory_space<vmem>>
        %dma_start3A_251 = tpu.memref_squeeze %dma_start3A_250 : memref<1x128xi32, #tpu.memory_space<vmem>> -> memref<128xi32, #tpu.memory_space<vmem>>
        %dma_start3A_252 = tpu.memref_slice %arg3[%mul3A_243] : memref<100000xi32, #tpu.memory_space<hbm>> -> memref<128xi32, #tpu.memory_space<hbm>>
        tpu.enqueue_dma source(%dma_start3A_252 : memref<128xi32, #tpu.memory_space<hbm>>) target(%dma_start3A_251 : memref<128xi32, #tpu.memory_space<vmem>>) target_semaphore(%arg18 : memref<!tpu.dma_semaphore, #tpu.memory_space<semaphore_mem>>)
        %mul3A_253 = arith.constant 8 : i32
        %mul3A_254 = arith.muli %add3A_241, %mul3A_253 : i32
        %dma_start3A_255 = arith.constant 0 : i32
        %dma_start3A_256 = tpu.memref_slice %arg10[%dma_start3A_255] : memref<16xi32, #tpu.memory_space<vmem>> -> memref<8xi32, #tpu.memory_space<vmem>>
        %dma_start3A_257 = tpu.memref_slice %arg5[%mul3A_254] : memref<6256xi32, #tpu.memory_space<hbm>> -> memref<8xi32, #tpu.memory_space<hbm>>
        %dma_start3A_258 = arith.constant 0 : i32
        %dma_start3A_259 = tpu.memref_slice %arg10[%dma_start3A_258] : memref<16xi32, #tpu.memory_space<vmem>> -> memref<8xi32, #tpu.memory_space<vmem>>
        %dma_start3A_260 = tpu.memref_slice %arg5[%mul3A_254] : memref<6256xi32, #tpu.memory_space<hbm>> -> memref<8xi32, #tpu.memory_space<hbm>>
        tpu.enqueue_dma source(%dma_start3A_260 : memref<8xi32, #tpu.memory_space<hbm>>) target(%dma_start3A_259 : memref<8xi32, #tpu.memory_space<vmem>>) target_semaphore(%arg18 : memref<!tpu.dma_semaphore, #tpu.memory_space<semaphore_mem>>)
        %add3A_261 = arith.constant 64 : i32
        %add3A_262 = arith.addi %add3A, %add3A_261 : i32
        %mul3A_263 = arith.constant 128 : i32
        %mul3A_264 = arith.muli %add3A_262, %mul3A_263 : i32
        %dma_start3A_265 = arith.constant 2 : i32
        %dma_start3A_266 = arith.constant 0 : i32
        %dma_start3A_267 = tpu.memref_slice %arg8[%dma_start3A_265, %dma_start3A_266] : memref<3x128xi32, #tpu.memory_space<vmem>> -> memref<1x128xi32, #tpu.memory_space<vmem>>
        %dma_start3A_268 = tpu.memref_squeeze %dma_start3A_267 : memref<1x128xi32, #tpu.memory_space<vmem>> -> memref<128xi32, #tpu.memory_space<vmem>>
        %dma_start3A_269 = tpu.memref_slice %arg3[%mul3A_264] : memref<100000xi32, #tpu.memory_space<hbm>> -> memref<128xi32, #tpu.memory_space<hbm>>
        %dma_start3A_270 = arith.constant 0 : i32
        %dma_start3A_271 = tpu.memref_slice %arg8[%dma_start3A_265, %dma_start3A_270] : memref<3x128xi32, #tpu.memory_space<vmem>> -> memref<1x128xi32, #tpu.memory_space<vmem>>
        %dma_start3A_272 = tpu.memref_squeeze %dma_start3A_271 : memref<1x128xi32, #tpu.memory_space<vmem>> -> memref<128xi32, #tpu.memory_space<vmem>>
        %dma_start3A_273 = tpu.memref_slice %arg3[%mul3A_264] : memref<100000xi32, #tpu.memory_space<hbm>> -> memref<128xi32, #tpu.memory_space<hbm>>
        tpu.enqueue_dma source(%dma_start3A_273 : memref<128xi32, #tpu.memory_space<hbm>>) target(%dma_start3A_272 : memref<128xi32, #tpu.memory_space<vmem>>) target_semaphore(%arg19 : memref<!tpu.dma_semaphore, #tpu.memory_space<semaphore_mem>>)
        %mul3A_274 = arith.constant 8 : i32
        %mul3A_275 = arith.muli %add3A_262, %mul3A_274 : i32
        %dma_start3A_276 = arith.constant 0 : i32
        %dma_start3A_277 = tpu.memref_slice %arg11[%dma_start3A_276] : memref<16xi32, #tpu.memory_space<vmem>> -> memref<8xi32, #tpu.memory_space<vmem>>
        %dma_start3A_278 = tpu.memref_slice %arg5[%mul3A_275] : memref<6256xi32, #tpu.memory_space<hbm>> -> memref<8xi32, #tpu.memory_space<hbm>>
        %dma_start3A_279 = arith.constant 0 : i32
        %dma_start3A_280 = tpu.memref_slice %arg11[%dma_start3A_279] : memref<16xi32, #tpu.memory_space<vmem>> -> memref<8xi32, #tpu.memory_space<vmem>>
        %dma_start3A_281 = tpu.memref_slice %arg5[%mul3A_275] : memref<6256xi32, #tpu.memory_space<hbm>> -> memref<8xi32, #tpu.memory_space<hbm>>
        tpu.enqueue_dma source(%dma_start3A_281 : memref<8xi32, #tpu.memory_space<hbm>>) target(%dma_start3A_280 : memref<8xi32, #tpu.memory_space<vmem>>) target_semaphore(%arg19 : memref<!tpu.dma_semaphore, #tpu.memory_space<semaphore_mem>>)
      } else {
      }
      %dma_wait3A_177 = arith.constant 2 : i32
      %dma_wait3A_178 = arith.constant 0 : i32
      %dma_wait3A_179 = tpu.memref_slice %arg8[%dma_wait3A_177, %dma_wait3A_178] : memref<3x128xi32, #tpu.memory_space<vmem>> -> memref<1x128xi32, #tpu.memory_space<vmem>>
      %dma_wait3A_180 = tpu.memref_squeeze %dma_wait3A_179 : memref<1x128xi32, #tpu.memory_space<vmem>> -> memref<128xi32, #tpu.memory_space<vmem>>
      %dma_wait3A_181 = arith.constant 0 : i32
      %dma_wait3A_182 = tpu.memref_slice %arg3[%dma_wait3A_181] : memref<100000xi32, #tpu.memory_space<hbm>> -> memref<128xi32, #tpu.memory_space<hbm>>
      %dma_wait3A_183 = arith.constant 0 : i32
      %dma_wait3A_184 = tpu.memref_slice %arg8[%dma_wait3A_177, %dma_wait3A_183] : memref<3x128xi32, #tpu.memory_space<vmem>> -> memref<1x128xi32, #tpu.memory_space<vmem>>
      %dma_wait3A_185 = tpu.memref_squeeze %dma_wait3A_184 : memref<1x128xi32, #tpu.memory_space<vmem>> -> memref<128xi32, #tpu.memory_space<vmem>>
      %dma_wait3A_186 = arith.constant 0 : i32
      %dma_wait3A_187 = tpu.memref_slice %arg3[%dma_wait3A_186] : memref<100000xi32, #tpu.memory_space<hbm>> -> memref<128xi32, #tpu.memory_space<hbm>>
      tpu.wait_dma2 semaphore(%arg19 : memref<!tpu.dma_semaphore, #tpu.memory_space<semaphore_mem>>) src(%dma_wait3A_187 : memref<128xi32, #tpu.memory_space<hbm>>) dst(%dma_wait3A_185 : memref<128xi32, #tpu.memory_space<vmem>>)
      %dma_wait3A_188 = arith.constant 0 : i32
      %dma_wait3A_189 = tpu.memref_slice %arg11[%dma_wait3A_188] : memref<16xi32, #tpu.memory_space<vmem>> -> memref<8xi32, #tpu.memory_space<vmem>>
      %dma_wait3A_190 = arith.constant 0 : i32
      %dma_wait3A_191 = tpu.memref_slice %arg5[%dma_wait3A_190] : memref<6256xi32, #tpu.memory_space<hbm>> -> memref<8xi32, #tpu.memory_space<hbm>>
      %dma_wait3A_192 = arith.constant 0 : i32
      %dma_wait3A_193 = tpu.memref_slice %arg11[%dma_wait3A_192] : memref<16xi32, #tpu.memory_space<vmem>> -> memref<8xi32, #tpu.memory_space<vmem>>
      %dma_wait3A_194 = arith.constant 0 : i32
      %dma_wait3A_195 = tpu.memref_slice %arg5[%dma_wait3A_194] : memref<6256xi32, #tpu.memory_space<hbm>> -> memref<8xi32, #tpu.memory_space<hbm>>
      tpu.wait_dma2 semaphore(%arg19 : memref<!tpu.dma_semaphore, #tpu.memory_space<semaphore_mem>>) src(%dma_wait3A_195 : memref<8xi32, #tpu.memory_space<hbm>>) dst(%dma_wait3A_193 : memref<8xi32, #tpu.memory_space<vmem>>)
      %ge3A_196 = arith.constant 3 : i32
      %ge3A_197 = arith.cmpi sge, %add3A_171, %ge3A_196 : i32
      %convert_element_type3A_198 = arith.extui %ge3A_197 : i1 to i32
      %cond3A_199 = arith.constant 2 : i32
      %cond3A_200 = arith.constant 0 : i32
      %cond3A_201 = arith.cmpi ne, %convert_element_type3A_198, %cond3A_200 : i32
      scf.if %cond3A_201 {
        %dma_wait3A_219 = arith.constant 0 : i32
        %dma_wait3A_220 = arith.constant 0 : i32
        %dma_wait3A_221 = tpu.memref_slice %arg12[%cond3A_199, %dma_wait3A_219, %dma_wait3A_220] : memref<3x128x128xf32, #tpu.memory_space<vmem>> -> memref<1x128x128xf32, #tpu.memory_space<vmem>>
        %dma_wait3A_222 = tpu.memref_squeeze %dma_wait3A_221 : memref<1x128x128xf32, #tpu.memory_space<vmem>> -> memref<128x128xf32, #tpu.memory_space<vmem>>
        %dma_wait3A_223 = arith.constant 0 : i32
        %dma_wait3A_224 = arith.constant 0 : i32
        %dma_wait3A_225 = tpu.memref_slice %arg7[%dma_wait3A_223, %dma_wait3A_224] : memref<100000x128xf32, #tpu.memory_space<hbm>> -> memref<128x128xf32, #tpu.memory_space<hbm>>
        %dma_wait3A_226 = arith.constant 0 : i32
        %dma_wait3A_227 = arith.constant 0 : i32
        %dma_wait3A_228 = tpu.memref_slice %arg7[%dma_wait3A_226, %dma_wait3A_227] : memref<100000x128xf32, #tpu.memory_space<hbm>> -> memref<128x128xf32, #tpu.memory_space<hbm>>
        %dma_wait3A_229 = arith.constant 0 : i32
        %dma_wait3A_230 = arith.constant 0 : i32
        %dma_wait3A_231 = tpu.memref_slice %arg12[%cond3A_199, %dma_wait3A_229, %dma_wait3A_230] : memref<3x128x128xf32, #tpu.memory_space<vmem>> -> memref<1x128x128xf32, #tpu.memory_space<vmem>>
        %dma_wait3A_232 = tpu.memref_squeeze %dma_wait3A_231 : memref<1x128x128xf32, #tpu.memory_space<vmem>> -> memref<128x128xf32, #tpu.memory_space<vmem>>
        tpu.wait_dma2 semaphore(%arg25 : memref<!tpu.dma_semaphore, #tpu.memory_space<semaphore_mem>>) src(%dma_wait3A_232 : memref<128x128xf32, #tpu.memory_space<vmem>>) dst(%dma_wait3A_228 : memref<128x128xf32, #tpu.memory_space<hbm>>)
      } else {
      }
      %dma_start3A_202 = arith.constant 2 : i32
      %dma_start3A_203 = arith.constant 2 : i32
      %dma_start3A_204 = arith.constant 0 : i32
      %dma_start3A_205 = arith.constant 0 : i32
      %dma_start3A_206 = tpu.memref_slice %arg12[%dma_start3A_203, %dma_start3A_204, %dma_start3A_205] : memref<3x128x128xf32, #tpu.memory_space<vmem>> -> memref<1x128x128xf32, #tpu.memory_space<vmem>>
      %dma_start3A_207 = tpu.memref_squeeze %dma_start3A_206 : memref<1x128x128xf32, #tpu.memory_space<vmem>> -> memref<128x128xf32, #tpu.memory_space<vmem>>
      %dma_start3A_208 = arith.constant 0 : i32
      %dma_start3A_209 = tpu.memref_slice %arg8[%dma_start3A_202, %dma_start3A_208] : memref<3x128xi32, #tpu.memory_space<vmem>> -> memref<1x128xi32, #tpu.memory_space<vmem>>
      %dma_start3A_210 = tpu.memref_squeeze %dma_start3A_209 : memref<1x128xi32, #tpu.memory_space<vmem>> -> memref<128xi32, #tpu.memory_space<vmem>>
      %dma_start3A_211 = arith.constant 0 : i32
      %dma_start3A_212 = arith.constant 0 : i32
      %dma_start3A_213 = tpu.memref_slice %arg2[%dma_start3A_211, %dma_start3A_212] : memref<50000x128xf32, #tpu.memory_space<hbm>> -> memref<50000x128xf32, #tpu.memory_space<hbm>>
      tpu.enqueue_indirect_dma source(%dma_start3A_213 : memref<50000x128xf32, #tpu.memory_space<hbm>>) target(%dma_start3A_207 : memref<128x128xf32, #tpu.memory_space<vmem>>) offsets(%dma_start3A_210 : memref<128xi32, #tpu.memory_space<vmem>>) semaphore(%arg22 : memref<!tpu.dma_semaphore, #tpu.memory_space<semaphore_mem>>)
      %ge3A_214 = arith.constant 1 : i32
      %ge3A_215 = arith.cmpi sge, %add3A_171, %ge3A_214 : i32
      %convert_element_type3A_216 = arith.extui %ge3A_215 : i1 to i32
      %cond3A_217 = arith.constant 0 : i32
      %cond3A_218 = arith.cmpi ne, %convert_element_type3A_216, %cond3A_217 : i32
      scf.if %cond3A_218 {
        %sub3A = arith.constant 1 : i32
        %sub3A_219 = arith.subi %add3A_171, %sub3A : i32
        %mul3A_220 = arith.constant 32 : i32
        %mul3A_221 = arith.muli %sub3A_219, %mul3A_220 : i32
        %add3A_222 = arith.addi %add3A, %mul3A_221 : i32
        %mul3A_223 = arith.constant 128 : i32
        %mul3A_224 = arith.muli %add3A_222, %mul3A_223 : i32
        %dma_wait3A_225 = arith.constant 1 : i32
        %dma_wait3A_226 = arith.constant 1 : i32
        %dma_wait3A_227 = arith.constant 0 : i32
        %dma_wait3A_228 = arith.constant 0 : i32
        %dma_wait3A_229 = tpu.memref_slice %arg12[%dma_wait3A_226, %dma_wait3A_227, %dma_wait3A_228] : memref<3x128x128xf32, #tpu.memory_space<vmem>> -> memref<1x128x128xf32, #tpu.memory_space<vmem>>
        %dma_wait3A_230 = tpu.memref_squeeze %dma_wait3A_229 : memref<1x128x128xf32, #tpu.memory_space<vmem>> -> memref<128x128xf32, #tpu.memory_space<vmem>>
        %dma_wait3A_231 = arith.constant 0 : i32
        %dma_wait3A_232 = tpu.memref_slice %arg8[%dma_wait3A_225, %dma_wait3A_231] : memref<3x128xi32, #tpu.memory_space<vmem>> -> memref<1x128xi32, #tpu.memory_space<vmem>>
        %dma_wait3A_233 = tpu.memref_squeeze %dma_wait3A_232 : memref<1x128xi32, #tpu.memory_space<vmem>> -> memref<128xi32, #tpu.memory_space<vmem>>
        %dma_wait3A_234 = arith.constant 0 : i32
        %dma_wait3A_235 = arith.constant 0 : i32
        %dma_wait3A_236 = tpu.memref_slice %arg2[%dma_wait3A_234, %dma_wait3A_235] : memref<50000x128xf32, #tpu.memory_space<hbm>> -> memref<50000x128xf32, #tpu.memory_space<hbm>>
        tpu.wait_indirect_dma semaphore(%arg21 : memref<!tpu.dma_semaphore, #tpu.memory_space<semaphore_mem>>) src(%dma_wait3A_236 : memref<50000x128xf32, #tpu.memory_space<hbm>>) dst(%dma_wait3A_230 : memref<128x128xf32, #tpu.memory_space<vmem>>)
        %get3A = arith.constant 0 : index
        %get3A_237 = tpu.vector_load %arg10[%get3A] {strides = array<i32>} : memref<16xi32, #tpu.memory_space<vmem>>, vector<16xi32>,
        %get3A_238 = vector.shape_cast %get3A_237 : vector<16xi32> to vector<16xi32>
        %slice3A = vector.extract_strided_slice %get3A_238 {offsets = [0], sizes = [1], strides = [1]} : vector<16xi32> to vector<1xi32>
        %squeeze3A = vector.extract %slice3A[0] : i32 from vector<1xi32>
        %ne3A = arith.constant 0 : i32
        %ne3A_239 = arith.cmpi ne, %squeeze3A, %ne3A : i32
        %convert_element_type3A_240 = arith.extui %ne3A_239 : i1 to i32
        %cond3A_241 = arith.constant 1 : i32
        %cond3A_242 = arith.constant 0 : i32
        %cond3A_243 = arith.cmpi ne, %convert_element_type3A_240, %cond3A_242 : i32
        scf.if %cond3A_243 {
          "tpu.region"() ({
            %run_scoped3A = tpu.sem_alloc : memref<!tpu.dma_semaphore, #tpu.memory_space<semaphore_mem>>
            %dma_start3A_268 = arith.constant 0 : i32
            %dma_start3A_269 = tpu.memref_slice %arg13[%dma_start3A_268] : memref<144xi32, #tpu.memory_space<vmem>> -> memref<128xi32, #tpu.memory_space<vmem>>
            %dma_start3A_270 = tpu.memref_slice %arg4[%mul3A_224] : memref<100000xi32, #tpu.memory_space<hbm>> -> memref<128xi32, #tpu.memory_space<hbm>>
            %dma_start3A_271 = arith.constant 0 : i32
            %dma_start3A_272 = tpu.memref_slice %arg13[%dma_start3A_271] : memref<144xi32, #tpu.memory_space<vmem>> -> memref<128xi32, #tpu.memory_space<vmem>>
            %dma_start3A_273 = tpu.memref_slice %arg4[%mul3A_224] : memref<100000xi32, #tpu.memory_space<hbm>> -> memref<128xi32, #tpu.memory_space<hbm>>
            tpu.enqueue_dma source(%dma_start3A_273 : memref<128xi32, #tpu.memory_space<hbm>>) target(%dma_start3A_272 : memref<128xi32, #tpu.memory_space<vmem>>) target_semaphore(%run_scoped3A : memref<!tpu.dma_semaphore, #tpu.memory_space<semaphore_mem>>)
            %dma_wait3A_274 = arith.constant 0 : i32
            %dma_wait3A_275 = tpu.memref_slice %arg13[%dma_wait3A_274] : memref<144xi32, #tpu.memory_space<vmem>> -> memref<128xi32, #tpu.memory_space<vmem>>
            %dma_wait3A_276 = tpu.memref_slice %arg4[%mul3A_224] : memref<100000xi32, #tpu.memory_space<hbm>> -> memref<128xi32, #tpu.memory_space<hbm>>
            %dma_wait3A_277 = arith.constant 0 : i32
            %dma_wait3A_278 = tpu.memref_slice %arg13[%dma_wait3A_277] : memref<144xi32, #tpu.memory_space<vmem>> -> memref<128xi32, #tpu.memory_space<vmem>>
            %dma_wait3A_279 = tpu.memref_slice %arg4[%mul3A_224] : memref<100000xi32, #tpu.memory_space<hbm>> -> memref<128xi32, #tpu.memory_space<hbm>>
            tpu.wait_dma2 semaphore(%run_scoped3A : memref<!tpu.dma_semaphore, #tpu.memory_space<semaphore_mem>>) src(%dma_wait3A_279 : memref<128xi32, #tpu.memory_space<hbm>>) dst(%dma_wait3A_278 : memref<128xi32, #tpu.memory_space<vmem>>)
            tpu.yield
          }) : () -> ()
          %scan3A_262 = arith.constant 0 : i32
          %scan3A_263 = arith.constant 0 : i32
          %scan3A_264 = arith.constant 128 : i32
          %scan3A_265 = arith.addi %scan3A_263, %scan3A_264 : i32
          %scan3A_266 = arith.constant 1 : i32
          scf.for %scan3A_268 = %scan3A_263 to %scan3A_265 step %scan3A_266  : i32 {
            %get3A_269 = arith.index_cast %scan3A_268 : i32 to index
            %get3A_270 = tpu.vector_load %arg13[%get3A_269] {strides = array<i32>} : memref<144xi32, #tpu.memory_space<vmem>>, vector<16xi32>,
            %get3A_271 = vector.shape_cast %get3A_270 : vector<16xi32> to vector<16xi32>
            %slice3A_272 = vector.extract_strided_slice %get3A_271 {offsets = [0], sizes = [1], strides = [1]} : vector<16xi32> to vector<1xi32>
            %squeeze3A_273 = vector.extract %slice3A_272[0] : i32 from vector<1xi32>
            %eq3A_274 = arith.constant 50000 : i32
            %eq3A_275 = arith.cmpi eq, %squeeze3A_273, %eq3A_274 : i32
            %convert_element_type3A_276 = arith.extui %eq3A_275 : i1 to i32
            %cond3A_277 = arith.constant 0 : i32
            %cond3A_278 = arith.cmpi ne, %convert_element_type3A_276, %cond3A_277 : i32
            scf.if %cond3A_278 {
              "tpu.region"() ({
                %run_scoped3A = tpu.sem_alloc : memref<!tpu.dma_semaphore, #tpu.memory_space<semaphore_mem>>
                %dma_start3A_279 = arith.constant 0 : i32
                %dma_start3A_280 = arith.constant 0 : i32
                %dma_start3A_281 = tpu.memref_slice %arg12[%cond3A_241, %dma_start3A_279, %dma_start3A_280] : memref<3x128x128xf32, #tpu.memory_space<vmem>> -> memref<1x128x128xf32, #tpu.memory_space<vmem>>
                %dma_start3A_282 = tpu.memref_squeeze %dma_start3A_281 : memref<1x128x128xf32, #tpu.memory_space<vmem>> -> memref<128x128xf32, #tpu.memory_space<vmem>>
                %dma_start3A_283 = arith.constant 0 : i32
                %dma_start3A_284 = tpu.memref_slice %dma_start3A_282[%scan3A_268, %dma_start3A_283] : memref<128x128xf32, #tpu.memory_space<vmem>> -> memref<1x128xf32, #tpu.memory_space<vmem>>
                %dma_start3A_285 = arith.constant 0 : i32
                %dma_start3A_286 = arith.constant 0 : i32
                %dma_start3A_287 = tpu.memref_slice %arg6[%dma_start3A_285, %dma_start3A_286] : memref<1x128xf32, #tpu.memory_space<hbm>> -> memref<1x128xf32, #tpu.memory_space<hbm>>
                %dma_start3A_288 = arith.constant 0 : i32
                %dma_start3A_289 = arith.constant 0 : i32
                %dma_start3A_290 = tpu.memref_slice %arg12[%cond3A_241, %dma_start3A_288, %dma_start3A_289] : memref<3x128x128xf32, #tpu.memory_space<vmem>> -> memref<1x128x128xf32, #tpu.memory_space<vmem>>
                %dma_start3A_291 = tpu.memref_squeeze %dma_start3A_290 : memref<1x128x128xf32, #tpu.memory_space<vmem>> -> memref<128x128xf32, #tpu.memory_space<vmem>>
                %dma_start3A_292 = arith.constant 0 : i32
                %dma_start3A_293 = tpu.memref_slice %dma_start3A_291[%scan3A_268, %dma_start3A_292] : memref<128x128xf32, #tpu.memory_space<vmem>> -> memref<1x128xf32, #tpu.memory_space<vmem>>
                %dma_start3A_294 = arith.constant 0 : i32
                %dma_start3A_295 = arith.constant 0 : i32
                %dma_start3A_296 = tpu.memref_slice %arg6[%dma_start3A_294, %dma_start3A_295] : memref<1x128xf32, #tpu.memory_space<hbm>> -> memref<1x128xf32, #tpu.memory_space<hbm>>
                tpu.enqueue_dma source(%dma_start3A_296 : memref<1x128xf32, #tpu.memory_space<hbm>>) target(%dma_start3A_293 : memref<1x128xf32, #tpu.memory_space<vmem>>) target_semaphore(%run_scoped3A : memref<!tpu.dma_semaphore, #tpu.memory_space<semaphore_mem>>)
                %dma_wait3A_297 = arith.constant 0 : i32
                %dma_wait3A_298 = arith.constant 0 : i32
                %dma_wait3A_299 = tpu.memref_slice %arg12[%cond3A_241, %dma_wait3A_297, %dma_wait3A_298] : memref<3x128x128xf32, #tpu.memory_space<vmem>> -> memref<1x128x128xf32, #tpu.memory_space<vmem>>
                %dma_wait3A_300 = tpu.memref_squeeze %dma_wait3A_299 : memref<1x128x128xf32, #tpu.memory_space<vmem>> -> memref<128x128xf32, #tpu.memory_space<vmem>>
                %dma_wait3A_301 = arith.constant 0 : i32
                %dma_wait3A_302 = tpu.memref_slice %dma_wait3A_300[%scan3A_268, %dma_wait3A_301] : memref<128x128xf32, #tpu.memory_space<vmem>> -> memref<1x128xf32, #tpu.memory_space<vmem>>
                %dma_wait3A_303 = arith.constant 0 : i32
                %dma_wait3A_304 = arith.constant 0 : i32
                %dma_wait3A_305 = tpu.memref_slice %arg6[%dma_wait3A_303, %dma_wait3A_304] : memref<1x128xf32, #tpu.memory_space<hbm>> -> memref<1x128xf32, #tpu.memory_space<hbm>>
                %dma_wait3A_306 = arith.constant 0 : i32
                %dma_wait3A_307 = arith.constant 0 : i32
                %dma_wait3A_308 = tpu.memref_slice %arg12[%cond3A_241, %dma_wait3A_306, %dma_wait3A_307] : memref<3x128x128xf32, #tpu.memory_space<vmem>> -> memref<1x128x128xf32, #tpu.memory_space<vmem>>
                %dma_wait3A_309 = tpu.memref_squeeze %dma_wait3A_308 : memref<1x128x128xf32, #tpu.memory_space<vmem>> -> memref<128x128xf32, #tpu.memory_space<vmem>>
                %dma_wait3A_310 = arith.constant 0 : i32
                %dma_wait3A_311 = tpu.memref_slice %dma_wait3A_309[%scan3A_268, %dma_wait3A_310] : memref<128x128xf32, #tpu.memory_space<vmem>> -> memref<1x128xf32, #tpu.memory_space<vmem>>
                %dma_wait3A_312 = arith.constant 0 : i32
                %dma_wait3A_313 = arith.constant 0 : i32
                %dma_wait3A_314 = tpu.memref_slice %arg6[%dma_wait3A_312, %dma_wait3A_313] : memref<1x128xf32, #tpu.memory_space<hbm>> -> memref<1x128xf32, #tpu.memory_space<hbm>>
                tpu.wait_dma2 semaphore(%run_scoped3A : memref<!tpu.dma_semaphore, #tpu.memory_space<semaphore_mem>>) src(%dma_wait3A_314 : memref<1x128xf32, #tpu.memory_space<hbm>>) dst(%dma_wait3A_311 : memref<1x128xf32, #tpu.memory_space<vmem>>)
                tpu.yield
              }) : () -> ()
            } else {
            }
          }
          %scan3A_267 = arith.constant 128 : i32
        } else {
        }
        %dma_start3A_244 = arith.constant 1 : i32
        %dma_start3A_245 = arith.constant 0 : i32
        %dma_start3A_246 = arith.constant 0 : i32
        %dma_start3A_247 = tpu.memref_slice %arg12[%dma_start3A_244, %dma_start3A_245, %dma_start3A_246] : memref<3x128x128xf32, #tpu.memory_space<vmem>> -> memref<1x128x128xf32, #tpu.memory_space<vmem>>
        %dma_start3A_248 = tpu.memref_squeeze %dma_start3A_247 : memref<1x128x128xf32, #tpu.memory_space<vmem>> -> memref<128x128xf32, #tpu.memory_space<vmem>>
        %dma_start3A_249 = arith.constant 0 : i32
        %dma_start3A_250 = tpu.memref_slice %arg7[%mul3A_224, %dma_start3A_249] : memref<100000x128xf32, #tpu.memory_space<hbm>> -> memref<128x128xf32, #tpu.memory_space<hbm>>
        %dma_start3A_251 = arith.constant 0 : i32
        %dma_start3A_252 = tpu.memref_slice %arg7[%mul3A_224, %dma_start3A_251] : memref<100000x128xf32, #tpu.memory_space<hbm>> -> memref<128x128xf32, #tpu.memory_space<hbm>>
        %dma_start3A_253 = arith.constant 0 : i32
        %dma_start3A_254 = arith.constant 0 : i32
        %dma_start3A_255 = tpu.memref_slice %arg12[%dma_start3A_244, %dma_start3A_253, %dma_start3A_254] : memref<3x128x128xf32, #tpu.memory_space<vmem>> -> memref<1x128x128xf32, #tpu.memory_space<vmem>>
        %dma_start3A_256 = tpu.memref_squeeze %dma_start3A_255 : memref<1x128x128xf32, #tpu.memory_space<vmem>> -> memref<128x128xf32, #tpu.memory_space<vmem>>
        tpu.enqueue_dma source(%dma_start3A_256 : memref<128x128xf32, #tpu.memory_space<vmem>>) target(%dma_start3A_252 : memref<128x128xf32, #tpu.memory_space<hbm>>) target_semaphore(%arg24 : memref<!tpu.dma_semaphore, #tpu.memory_space<semaphore_mem>>)
        %add3A_257 = arith.constant 3 : i32
        %add3A_258 = arith.addi %sub3A_219, %add3A_257 : i32
        %lt3A = arith.cmpi slt, %add3A_258, %select_n3A : i32
        %convert_element_type3A_259 = arith.extui %lt3A : i1 to i32
        %cond3A_260 = arith.constant 0 : i32
        %cond3A_261 = arith.cmpi ne, %convert_element_type3A_259, %cond3A_260 : i32
        scf.if %cond3A_261 {
          %add3A_262 = arith.constant 3 : i32
          %add3A_263 = arith.addi %sub3A_219, %add3A_262 : i32
          %mul3A_264 = arith.constant 32 : i32
          %mul3A_265 = arith.muli %add3A_263, %mul3A_264 : i32
          %add3A_266 = arith.addi %add3A, %mul3A_265 : i32
          %mul3A_267 = arith.constant 128 : i32
          %mul3A_268 = arith.muli %add3A_266, %mul3A_267 : i32
          %dma_start3A_269 = arith.constant 1 : i32
          %dma_start3A_270 = arith.constant 0 : i32
          %dma_start3A_271 = tpu.memref_slice %arg8[%dma_start3A_269, %dma_start3A_270] : memref<3x128xi32, #tpu.memory_space<vmem>> -> memref<1x128xi32, #tpu.memory_space<vmem>>
          %dma_start3A_272 = tpu.memref_squeeze %dma_start3A_271 : memref<1x128xi32, #tpu.memory_space<vmem>> -> memref<128xi32, #tpu.memory_space<vmem>>
          %dma_start3A_273 = tpu.memref_slice %arg3[%mul3A_268] : memref<100000xi32, #tpu.memory_space<hbm>> -> memref<128xi32, #tpu.memory_space<hbm>>
          %dma_start3A_274 = arith.constant 0 : i32
          %dma_start3A_275 = tpu.memref_slice %arg8[%dma_start3A_269, %dma_start3A_274] : memref<3x128xi32, #tpu.memory_space<vmem>> -> memref<1x128xi32, #tpu.memory_space<vmem>>
          %dma_start3A_276 = tpu.memref_squeeze %dma_start3A_275 : memref<1x128xi32, #tpu.memory_space<vmem>> -> memref<128xi32, #tpu.memory_space<vmem>>
          %dma_start3A_277 = tpu.memref_slice %arg3[%mul3A_268] : memref<100000xi32, #tpu.memory_space<hbm>> -> memref<128xi32, #tpu.memory_space<hbm>>
          tpu.enqueue_dma source(%dma_start3A_277 : memref<128xi32, #tpu.memory_space<hbm>>) target(%dma_start3A_276 : memref<128xi32, #tpu.memory_space<vmem>>) target_semaphore(%arg18 : memref<!tpu.dma_semaphore, #tpu.memory_space<semaphore_mem>>)
          %mul3A_278 = arith.constant 8 : i32
          %mul3A_279 = arith.muli %add3A_266, %mul3A_278 : i32
          %dma_start3A_280 = arith.constant 0 : i32
          %dma_start3A_281 = tpu.memref_slice %arg10[%dma_start3A_280] : memref<16xi32, #tpu.memory_space<vmem>> -> memref<8xi32, #tpu.memory_space<vmem>>
          %dma_start3A_282 = tpu.memref_slice %arg5[%mul3A_279] : memref<6256xi32, #tpu.memory_space<hbm>> -> memref<8xi32, #tpu.memory_space<hbm>>
          %dma_start3A_283 = arith.constant 0 : i32
          %dma_start3A_284 = tpu.memref_slice %arg10[%dma_start3A_283] : memref<16xi32, #tpu.memory_space<vmem>> -> memref<8xi32, #tpu.memory_space<vmem>>
          %dma_start3A_285 = tpu.memref_slice %arg5[%mul3A_279] : memref<6256xi32, #tpu.memory_space<hbm>> -> memref<8xi32, #tpu.memory_space<hbm>>
          tpu.enqueue_dma source(%dma_start3A_285 : memref<8xi32, #tpu.memory_space<hbm>>) target(%dma_start3A_284 : memref<8xi32, #tpu.memory_space<vmem>>) target_semaphore(%arg18 : memref<!tpu.dma_semaphore, #tpu.memory_space<semaphore_mem>>)
        } else {
        }
      } else {
      }
    }
    %scan3A_7 = arith.constant 8 : i32
    %eq3A = arith.constant 25 : i32
    %eq3A_8 = arith.cmpi eq, %select_n3A, %eq3A : i32
    %convert_element_type3A = arith.extui %eq3A_8 : i1 to i32
    %cond3A = arith.constant 0 : i32
    %cond3A_9 = arith.cmpi ne, %convert_element_type3A, %cond3A : i32
    scf.if %cond3A_9 {
      %eq3A_69 = arith.constant 24 : i32
      %eq3A_70 = arith.constant 0 : i32
      %eq3A_71 = arith.cmpi eq, %eq3A_69, %eq3A_70 : i32
      %convert_element_type3A_72 = arith.extui %eq3A_71 : i1 to i32
      %cond3A_73 = arith.constant 0 : i32
      %cond3A_74 = arith.cmpi ne, %convert_element_type3A_72, %cond3A_73 : i32
      scf.if %cond3A_74 {
        %add3A_118 = arith.constant 0 : i32
        %add3A_119 = arith.addi %add3A, %add3A_118 : i32
        %mul3A_120 = arith.constant 128 : i32
        %mul3A_121 = arith.muli %add3A_119, %mul3A_120 : i32
        %dma_start3A_122 = arith.constant 0 : i32
        %dma_start3A_123 = arith.constant 0 : i32
        %dma_start3A_124 = tpu.memref_slice %arg8[%dma_start3A_122, %dma_start3A_123] : memref<3x128xi32, #tpu.memory_space<vmem>> -> memref<1x128xi32, #tpu.memory_space<vmem>>
        %dma_start3A_125 = tpu.memref_squeeze %dma_start3A_124 : memref<1x128xi32, #tpu.memory_space<vmem>> -> memref<128xi32, #tpu.memory_space<vmem>>
        %dma_start3A_126 = tpu.memref_slice %arg3[%mul3A_121] : memref<100000xi32, #tpu.memory_space<hbm>> -> memref<128xi32, #tpu.memory_space<hbm>>
        %dma_start3A_127 = arith.constant 0 : i32
        %dma_start3A_128 = tpu.memref_slice %arg8[%dma_start3A_122, %dma_start3A_127] : memref<3x128xi32, #tpu.memory_space<vmem>> -> memref<1x128xi32, #tpu.memory_space<vmem>>
        %dma_start3A_129 = tpu.memref_squeeze %dma_start3A_128 : memref<1x128xi32, #tpu.memory_space<vmem>> -> memref<128xi32, #tpu.memory_space<vmem>>
        %dma_start3A_130 = tpu.memref_slice %arg3[%mul3A_121] : memref<100000xi32, #tpu.memory_space<hbm>> -> memref<128xi32, #tpu.memory_space<hbm>>
        tpu.enqueue_dma source(%dma_start3A_130 : memref<128xi32, #tpu.memory_space<hbm>>) target(%dma_start3A_129 : memref<128xi32, #tpu.memory_space<vmem>>) target_semaphore(%arg17 : memref<!tpu.dma_semaphore, #tpu.memory_space<semaphore_mem>>)
        %mul3A_131 = arith.constant 8 : i32
        %mul3A_132 = arith.muli %add3A_119, %mul3A_131 : i32
        %dma_start3A_133 = arith.constant 0 : i32
        %dma_start3A_134 = tpu.memref_slice %arg9[%dma_start3A_133] : memref<16xi32, #tpu.memory_space<vmem>> -> memref<8xi32, #tpu.memory_space<vmem>>
        %dma_start3A_135 = tpu.memref_slice %arg5[%mul3A_132] : memref<6256xi32, #tpu.memory_space<hbm>> -> memref<8xi32, #tpu.memory_space<hbm>>
        %dma_start3A_136 = arith.constant 0 : i32
        %dma_start3A_137 = tpu.memref_slice %arg9[%dma_start3A_136] : memref<16xi32, #tpu.memory_space<vmem>> -> memref<8xi32, #tpu.memory_space<vmem>>
        %dma_start3A_138 = tpu.memref_slice %arg5[%mul3A_132] : memref<6256xi32, #tpu.memory_space<hbm>> -> memref<8xi32, #tpu.memory_space<hbm>>
        tpu.enqueue_dma source(%dma_start3A_138 : memref<8xi32, #tpu.memory_space<hbm>>) target(%dma_start3A_137 : memref<8xi32, #tpu.memory_space<vmem>>) target_semaphore(%arg17 : memref<!tpu.dma_semaphore, #tpu.memory_space<semaphore_mem>>)
        %add3A_139 = arith.constant 32 : i32
        %add3A_140 = arith.addi %add3A, %add3A_139 : i32
        %mul3A_141 = arith.constant 128 : i32
        %mul3A_142 = arith.muli %add3A_140, %mul3A_141 : i32
        %dma_start3A_143 = arith.constant 1 : i32
        %dma_start3A_144 = arith.constant 0 : i32
        %dma_start3A_145 = tpu.memref_slice %arg8[%dma_start3A_143, %dma_start3A_144] : memref<3x128xi32, #tpu.memory_space<vmem>> -> memref<1x128xi32, #tpu.memory_space<vmem>>
        %dma_start3A_146 = tpu.memref_squeeze %dma_start3A_145 : memref<1x128xi32, #tpu.memory_space<vmem>> -> memref<128xi32, #tpu.memory_space<vmem>>
        %dma_start3A_147 = tpu.memref_slice %arg3[%mul3A_142] : memref<100000xi32, #tpu.memory_space<hbm>> -> memref<128xi32, #tpu.memory_space<hbm>>
        %dma_start3A_148 = arith.constant 0 : i32
        %dma_start3A_149 = tpu.memref_slice %arg8[%dma_start3A_143, %dma_start3A_148] : memref<3x128xi32, #tpu.memory_space<vmem>> -> memref<1x128xi32, #tpu.memory_space<vmem>>
        %dma_start3A_150 = tpu.memref_squeeze %dma_start3A_149 : memref<1x128xi32, #tpu.memory_space<vmem>> -> memref<128xi32, #tpu.memory_space<vmem>>
        %dma_start3A_151 = tpu.memref_slice %arg3[%mul3A_142] : memref<100000xi32, #tpu.memory_space<hbm>> -> memref<128xi32, #tpu.memory_space<hbm>>
        tpu.enqueue_dma source(%dma_start3A_151 : memref<128xi32, #tpu.memory_space<hbm>>) target(%dma_start3A_150 : memref<128xi32, #tpu.memory_space<vmem>>) target_semaphore(%arg18 : memref<!tpu.dma_semaphore, #tpu.memory_space<semaphore_mem>>)
        %mul3A_152 = arith.constant 8 : i32
        %mul3A_153 = arith.muli %add3A_140, %mul3A_152 : i32
        %dma_start3A_154 = arith.constant 0 : i32
        %dma_start3A_155 = tpu.memref_slice %arg10[%dma_start3A_154] : memref<16xi32, #tpu.memory_space<vmem>> -> memref<8xi32, #tpu.memory_space<vmem>>
        %dma_start3A_156 = tpu.memref_slice %arg5[%mul3A_153] : memref<6256xi32, #tpu.memory_space<hbm>> -> memref<8xi32, #tpu.memory_space<hbm>>
        %dma_start3A_157 = arith.constant 0 : i32
        %dma_start3A_158 = tpu.memref_slice %arg10[%dma_start3A_157] : memref<16xi32, #tpu.memory_space<vmem>> -> memref<8xi32, #tpu.memory_space<vmem>>
        %dma_start3A_159 = tpu.memref_slice %arg5[%mul3A_153] : memref<6256xi32, #tpu.memory_space<hbm>> -> memref<8xi32, #tpu.memory_space<hbm>>
        tpu.enqueue_dma source(%dma_start3A_159 : memref<8xi32, #tpu.memory_space<hbm>>) target(%dma_start3A_158 : memref<8xi32, #tpu.memory_space<vmem>>) target_semaphore(%arg18 : memref<!tpu.dma_semaphore, #tpu.memory_space<semaphore_mem>>)
        %add3A_160 = arith.constant 64 : i32
        %add3A_161 = arith.addi %add3A, %add3A_160 : i32
        %mul3A_162 = arith.constant 128 : i32
        %mul3A_163 = arith.muli %add3A_161, %mul3A_162 : i32
        %dma_start3A_164 = arith.constant 2 : i32
        %dma_start3A_165 = arith.constant 0 : i32
        %dma_start3A_166 = tpu.memref_slice %arg8[%dma_start3A_164, %dma_start3A_165] : memref<3x128xi32, #tpu.memory_space<vmem>> -> memref<1x128xi32, #tpu.memory_space<vmem>>
        %dma_start3A_167 = tpu.memref_squeeze %dma_start3A_166 : memref<1x128xi32, #tpu.memory_space<vmem>> -> memref<128xi32, #tpu.memory_space<vmem>>
        %dma_start3A_168 = tpu.memref_slice %arg3[%mul3A_163] : memref<100000xi32, #tpu.memory_space<hbm>> -> memref<128xi32, #tpu.memory_space<hbm>>
        %dma_start3A_169 = arith.constant 0 : i32
        %dma_start3A_170 = tpu.memref_slice %arg8[%dma_start3A_164, %dma_start3A_169] : memref<3x128xi32, #tpu.memory_space<vmem>> -> memref<1x128xi32, #tpu.memory_space<vmem>>
        %dma_start3A_171 = tpu.memref_squeeze %dma_start3A_170 : memref<1x128xi32, #tpu.memory_space<vmem>> -> memref<128xi32, #tpu.memory_space<vmem>>
        %dma_start3A_172 = tpu.memref_slice %arg3[%mul3A_163] : memref<100000xi32, #tpu.memory_space<hbm>> -> memref<128xi32, #tpu.memory_space<hbm>>
        tpu.enqueue_dma source(%dma_start3A_172 : memref<128xi32, #tpu.memory_space<hbm>>) target(%dma_start3A_171 : memref<128xi32, #tpu.memory_space<vmem>>) target_semaphore(%arg19 : memref<!tpu.dma_semaphore, #tpu.memory_space<semaphore_mem>>)
        %mul3A_173 = arith.constant 8 : i32
        %mul3A_174 = arith.muli %add3A_161, %mul3A_173 : i32
        %dma_start3A_175 = arith.constant 0 : i32
        %dma_start3A_176 = tpu.memref_slice %arg11[%dma_start3A_175] : memref<16xi32, #tpu.memory_space<vmem>> -> memref<8xi32, #tpu.memory_space<vmem>>
        %dma_start3A_177 = tpu.memref_slice %arg5[%mul3A_174] : memref<6256xi32, #tpu.memory_space<hbm>> -> memref<8xi32, #tpu.memory_space<hbm>>
        %dma_start3A_178 = arith.constant 0 : i32
        %dma_start3A_179 = tpu.memref_slice %arg11[%dma_start3A_178] : memref<16xi32, #tpu.memory_space<vmem>> -> memref<8xi32, #tpu.memory_space<vmem>>
        %dma_start3A_180 = tpu.memref_slice %arg5[%mul3A_174] : memref<6256xi32, #tpu.memory_space<hbm>> -> memref<8xi32, #tpu.memory_space<hbm>>
        tpu.enqueue_dma source(%dma_start3A_180 : memref<8xi32, #tpu.memory_space<hbm>>) target(%dma_start3A_179 : memref<8xi32, #tpu.memory_space<vmem>>) target_semaphore(%arg19 : memref<!tpu.dma_semaphore, #tpu.memory_space<semaphore_mem>>)
      } else {
      }
      %dma_wait3A_75 = arith.constant 0 : i32
      %dma_wait3A_76 = arith.constant 0 : i32
      %dma_wait3A_77 = tpu.memref_slice %arg8[%dma_wait3A_75, %dma_wait3A_76] : memref<3x128xi32, #tpu.memory_space<vmem>> -> memref<1x128xi32, #tpu.memory_space<vmem>>
      %dma_wait3A_78 = tpu.memref_squeeze %dma_wait3A_77 : memref<1x128xi32, #tpu.memory_space<vmem>> -> memref<128xi32, #tpu.memory_space<vmem>>
      %dma_wait3A_79 = arith.constant 0 : i32
      %dma_wait3A_80 = tpu.memref_slice %arg3[%dma_wait3A_79] : memref<100000xi32, #tpu.memory_space<hbm>> -> memref<128xi32, #tpu.memory_space<hbm>>
      %dma_wait3A_81 = arith.constant 0 : i32
      %dma_wait3A_82 = tpu.memref_slice %arg8[%dma_wait3A_75, %dma_wait3A_81] : memref<3x128xi32, #tpu.memory_space<vmem>> -> memref<1x128xi32, #tpu.memory_space<vmem>>
      %dma_wait3A_83 = tpu.memref_squeeze %dma_wait3A_82 : memref<1x128xi32, #tpu.memory_space<vmem>> -> memref<128xi32, #tpu.memory_space<vmem>>
      %dma_wait3A_84 = arith.constant 0 : i32
      %dma_wait3A_85 = tpu.memref_slice %arg3[%dma_wait3A_84] : memref<100000xi32, #tpu.memory_space<hbm>> -> memref<128xi32, #tpu.memory_space<hbm>>
      tpu.wait_dma2 semaphore(%arg17 : memref<!tpu.dma_semaphore, #tpu.memory_space<semaphore_mem>>) src(%dma_wait3A_85 : memref<128xi32, #tpu.memory_space<hbm>>) dst(%dma_wait3A_83 : memref<128xi32, #tpu.memory_space<vmem>>)
      %dma_wait3A_86 = arith.constant 0 : i32
      %dma_wait3A_87 = tpu.memref_slice %arg9[%dma_wait3A_86] : memref<16xi32, #tpu.memory_space<vmem>> -> memref<8xi32, #tpu.memory_space<vmem>>
      %dma_wait3A_88 = arith.constant 0 : i32
      %dma_wait3A_89 = tpu.memref_slice %arg5[%dma_wait3A_88] : memref<6256xi32, #tpu.memory_space<hbm>> -> memref<8xi32, #tpu.memory_space<hbm>>
      %dma_wait3A_90 = arith.constant 0 : i32
      %dma_wait3A_91 = tpu.memref_slice %arg9[%dma_wait3A_90] : memref<16xi32, #tpu.memory_space<vmem>> -> memref<8xi32, #tpu.memory_space<vmem>>
      %dma_wait3A_92 = arith.constant 0 : i32
      %dma_wait3A_93 = tpu.memref_slice %arg5[%dma_wait3A_92] : memref<6256xi32, #tpu.memory_space<hbm>> -> memref<8xi32, #tpu.memory_space<hbm>>
      tpu.wait_dma2 semaphore(%arg17 : memref<!tpu.dma_semaphore, #tpu.memory_space<semaphore_mem>>) src(%dma_wait3A_93 : memref<8xi32, #tpu.memory_space<hbm>>) dst(%dma_wait3A_91 : memref<8xi32, #tpu.memory_space<vmem>>)
      %ge3A = arith.constant 24 : i32
      %ge3A_94 = arith.constant 3 : i32
      %ge3A_95 = arith.cmpi sge, %ge3A, %ge3A_94 : i32
      %convert_element_type3A_96 = arith.extui %ge3A_95 : i1 to i32
      %cond3A_97 = arith.constant 0 : i32
      %cond3A_98 = arith.constant 0 : i32
      %cond3A_99 = arith.cmpi ne, %convert_element_type3A_96, %cond3A_98 : i32
      scf.if %cond3A_99 {
        %dma_wait3A_118 = arith.constant 0 : i32
        %dma_wait3A_119 = arith.constant 0 : i32
        %dma_wait3A_120 = tpu.memref_slice %arg12[%cond3A_97, %dma_wait3A_118, %dma_wait3A_119] : memref<3x128x128xf32, #tpu.memory_space<vmem>> -> memref<1x128x128xf32, #tpu.memory_space<vmem>>
        %dma_wait3A_121 = tpu.memref_squeeze %dma_wait3A_120 : memref<1x128x128xf32, #tpu.memory_space<vmem>> -> memref<128x128xf32, #tpu.memory_space<vmem>>
        %dma_wait3A_122 = arith.constant 0 : i32
        %dma_wait3A_123 = arith.constant 0 : i32
        %dma_wait3A_124 = tpu.memref_slice %arg7[%dma_wait3A_122, %dma_wait3A_123] : memref<100000x128xf32, #tpu.memory_space<hbm>> -> memref<128x128xf32, #tpu.memory_space<hbm>>
        %dma_wait3A_125 = arith.constant 0 : i32
        %dma_wait3A_126 = arith.constant 0 : i32
        %dma_wait3A_127 = tpu.memref_slice %arg7[%dma_wait3A_125, %dma_wait3A_126] : memref<100000x128xf32, #tpu.memory_space<hbm>> -> memref<128x128xf32, #tpu.memory_space<hbm>>
        %dma_wait3A_128 = arith.constant 0 : i32
        %dma_wait3A_129 = arith.constant 0 : i32
        %dma_wait3A_130 = tpu.memref_slice %arg12[%cond3A_97, %dma_wait3A_128, %dma_wait3A_129] : memref<3x128x128xf32, #tpu.memory_space<vmem>> -> memref<1x128x128xf32, #tpu.memory_space<vmem>>
        %dma_wait3A_131 = tpu.memref_squeeze %dma_wait3A_130 : memref<1x128x128xf32, #tpu.memory_space<vmem>> -> memref<128x128xf32, #tpu.memory_space<vmem>>
        tpu.wait_dma2 semaphore(%arg23 : memref<!tpu.dma_semaphore, #tpu.memory_space<semaphore_mem>>) src(%dma_wait3A_131 : memref<128x128xf32, #tpu.memory_space<vmem>>) dst(%dma_wait3A_127 : memref<128x128xf32, #tpu.memory_space<hbm>>)
      } else {
      }
      %dma_start3A = arith.constant 0 : i32
      %dma_start3A_100 = arith.constant 0 : i32
      %dma_start3A_101 = arith.constant 0 : i32
      %dma_start3A_102 = arith.constant 0 : i32
      %dma_start3A_103 = tpu.memref_slice %arg12[%dma_start3A_100, %dma_start3A_101, %dma_start3A_102] : memref<3x128x128xf32, #tpu.memory_space<vmem>> -> memref<1x128x128xf32, #tpu.memory_space<vmem>>
      %dma_start3A_104 = tpu.memref_squeeze %dma_start3A_103 : memref<1x128x128xf32, #tpu.memory_space<vmem>> -> memref<128x128xf32, #tpu.memory_space<vmem>>
      %dma_start3A_105 = arith.constant 0 : i32
      %dma_start3A_106 = tpu.memref_slice %arg8[%dma_start3A, %dma_start3A_105] : memref<3x128xi32, #tpu.memory_space<vmem>> -> memref<1x128xi32, #tpu.memory_space<vmem>>
      %dma_start3A_107 = tpu.memref_squeeze %dma_start3A_106 : memref<1x128xi32, #tpu.memory_space<vmem>> -> memref<128xi32, #tpu.memory_space<vmem>>
      %dma_start3A_108 = arith.constant 0 : i32
      %dma_start3A_109 = arith.constant 0 : i32
      %dma_start3A_110 = tpu.memref_slice %arg2[%dma_start3A_108, %dma_start3A_109] : memref<50000x128xf32, #tpu.memory_space<hbm>> -> memref<50000x128xf32, #tpu.memory_space<hbm>>
      tpu.enqueue_indirect_dma source(%dma_start3A_110 : memref<50000x128xf32, #tpu.memory_space<hbm>>) target(%dma_start3A_104 : memref<128x128xf32, #tpu.memory_space<vmem>>) offsets(%dma_start3A_107 : memref<128xi32, #tpu.memory_space<vmem>>) semaphore(%arg20 : memref<!tpu.dma_semaphore, #tpu.memory_space<semaphore_mem>>)
      %ge3A_111 = arith.constant 24 : i32
      %ge3A_112 = arith.constant 1 : i32
      %ge3A_113 = arith.cmpi sge, %ge3A_111, %ge3A_112 : i32
      %convert_element_type3A_114 = arith.extui %ge3A_113 : i1 to i32
      %cond3A_115 = arith.constant 24 : i32
      %cond3A_116 = arith.constant 0 : i32
      %cond3A_117 = arith.cmpi ne, %convert_element_type3A_114, %cond3A_116 : i32
      scf.if %cond3A_117 {
        %sub3A = arith.constant 1 : i32
        %sub3A_118 = arith.subi %cond3A_115, %sub3A : i32
        %mul3A_119 = arith.constant 32 : i32
        %mul3A_120 = arith.muli %sub3A_118, %mul3A_119 : i32
        %add3A_121 = arith.addi %add3A, %mul3A_120 : i32
        %mul3A_122 = arith.constant 128 : i32
        %mul3A_123 = arith.muli %add3A_121, %mul3A_122 : i32
        %dma_wait3A_124 = arith.constant 2 : i32
        %dma_wait3A_125 = arith.constant 2 : i32
        %dma_wait3A_126 = arith.constant 0 : i32
        %dma_wait3A_127 = arith.constant 0 : i32
        %dma_wait3A_128 = tpu.memref_slice %arg12[%dma_wait3A_125, %dma_wait3A_126, %dma_wait3A_127] : memref<3x128x128xf32, #tpu.memory_space<vmem>> -> memref<1x128x128xf32, #tpu.memory_space<vmem>>
        %dma_wait3A_129 = tpu.memref_squeeze %dma_wait3A_128 : memref<1x128x128xf32, #tpu.memory_space<vmem>> -> memref<128x128xf32, #tpu.memory_space<vmem>>
        %dma_wait3A_130 = arith.constant 0 : i32
        %dma_wait3A_131 = tpu.memref_slice %arg8[%dma_wait3A_124, %dma_wait3A_130] : memref<3x128xi32, #tpu.memory_space<vmem>> -> memref<1x128xi32, #tpu.memory_space<vmem>>
        %dma_wait3A_132 = tpu.memref_squeeze %dma_wait3A_131 : memref<1x128xi32, #tpu.memory_space<vmem>> -> memref<128xi32, #tpu.memory_space<vmem>>
        %dma_wait3A_133 = arith.constant 0 : i32
        %dma_wait3A_134 = arith.constant 0 : i32
        %dma_wait3A_135 = tpu.memref_slice %arg2[%dma_wait3A_133, %dma_wait3A_134] : memref<50000x128xf32, #tpu.memory_space<hbm>> -> memref<50000x128xf32, #tpu.memory_space<hbm>>
        tpu.wait_indirect_dma semaphore(%arg22 : memref<!tpu.dma_semaphore, #tpu.memory_space<semaphore_mem>>) src(%dma_wait3A_135 : memref<50000x128xf32, #tpu.memory_space<hbm>>) dst(%dma_wait3A_129 : memref<128x128xf32, #tpu.memory_space<vmem>>)
        %get3A = arith.constant 0 : index
        %get3A_136 = tpu.vector_load %arg11[%get3A] {strides = array<i32>} : memref<16xi32, #tpu.memory_space<vmem>>, vector<16xi32>,
        %get3A_137 = vector.shape_cast %get3A_136 : vector<16xi32> to vector<16xi32>
        %slice3A = vector.extract_strided_slice %get3A_137 {offsets = [0], sizes = [1], strides = [1]} : vector<16xi32> to vector<1xi32>
        %squeeze3A = vector.extract %slice3A[0] : i32 from vector<1xi32>
        %ne3A = arith.constant 0 : i32
        %ne3A_138 = arith.cmpi ne, %squeeze3A, %ne3A : i32
        %convert_element_type3A_139 = arith.extui %ne3A_138 : i1 to i32
        %cond3A_140 = arith.constant 2 : i32
        %cond3A_141 = arith.constant 0 : i32
        %cond3A_142 = arith.cmpi ne, %convert_element_type3A_139, %cond3A_141 : i32
        scf.if %cond3A_142 {
          "tpu.region"() ({
            %run_scoped3A = tpu.sem_alloc : memref<!tpu.dma_semaphore, #tpu.memory_space<semaphore_mem>>
            %dma_start3A_167 = arith.constant 0 : i32
            %dma_start3A_168 = tpu.memref_slice %arg13[%dma_start3A_167] : memref<144xi32, #tpu.memory_space<vmem>> -> memref<128xi32, #tpu.memory_space<vmem>>
            %dma_start3A_169 = tpu.memref_slice %arg4[%mul3A_123] : memref<100000xi32, #tpu.memory_space<hbm>> -> memref<128xi32, #tpu.memory_space<hbm>>
            %dma_start3A_170 = arith.constant 0 : i32
            %dma_start3A_171 = tpu.memref_slice %arg13[%dma_start3A_170] : memref<144xi32, #tpu.memory_space<vmem>> -> memref<128xi32, #tpu.memory_space<vmem>>
            %dma_start3A_172 = tpu.memref_slice %arg4[%mul3A_123] : memref<100000xi32, #tpu.memory_space<hbm>> -> memref<128xi32, #tpu.memory_space<hbm>>
            tpu.enqueue_dma source(%dma_start3A_172 : memref<128xi32, #tpu.memory_space<hbm>>) target(%dma_start3A_171 : memref<128xi32, #tpu.memory_space<vmem>>) target_semaphore(%run_scoped3A : memref<!tpu.dma_semaphore, #tpu.memory_space<semaphore_mem>>)
            %dma_wait3A_173 = arith.constant 0 : i32
            %dma_wait3A_174 = tpu.memref_slice %arg13[%dma_wait3A_173] : memref<144xi32, #tpu.memory_space<vmem>> -> memref<128xi32, #tpu.memory_space<vmem>>
            %dma_wait3A_175 = tpu.memref_slice %arg4[%mul3A_123] : memref<100000xi32, #tpu.memory_space<hbm>> -> memref<128xi32, #tpu.memory_space<hbm>>
            %dma_wait3A_176 = arith.constant 0 : i32
            %dma_wait3A_177 = tpu.memref_slice %arg13[%dma_wait3A_176] : memref<144xi32, #tpu.memory_space<vmem>> -> memref<128xi32, #tpu.memory_space<vmem>>
            %dma_wait3A_178 = tpu.memref_slice %arg4[%mul3A_123] : memref<100000xi32, #tpu.memory_space<hbm>> -> memref<128xi32, #tpu.memory_space<hbm>>
            tpu.wait_dma2 semaphore(%run_scoped3A : memref<!tpu.dma_semaphore, #tpu.memory_space<semaphore_mem>>) src(%dma_wait3A_178 : memref<128xi32, #tpu.memory_space<hbm>>) dst(%dma_wait3A_177 : memref<128xi32, #tpu.memory_space<vmem>>)
            tpu.yield
          }) : () -> ()
          %scan3A_161 = arith.constant 0 : i32
          %scan3A_162 = arith.constant 0 : i32
          %scan3A_163 = arith.constant 128 : i32
          %scan3A_164 = arith.addi %scan3A_162, %scan3A_163 : i32
          %scan3A_165 = arith.constant 1 : i32
          scf.for %scan3A_167 = %scan3A_162 to %scan3A_164 step %scan3A_165  : i32 {
            %get3A_168 = arith.index_cast %scan3A_167 : i32 to index
            %get3A_169 = tpu.vector_load %arg13[%get3A_168] {strides = array<i32>} : memref<144xi32, #tpu.memory_space<vmem>>, vector<16xi32>,
            %get3A_170 = vector.shape_cast %get3A_169 : vector<16xi32> to vector<16xi32>
            %slice3A_171 = vector.extract_strided_slice %get3A_170 {offsets = [0], sizes = [1], strides = [1]} : vector<16xi32> to vector<1xi32>
            %squeeze3A_172 = vector.extract %slice3A_171[0] : i32 from vector<1xi32>
            %eq3A_173 = arith.constant 50000 : i32
            %eq3A_174 = arith.cmpi eq, %squeeze3A_172, %eq3A_173 : i32
            %convert_element_type3A_175 = arith.extui %eq3A_174 : i1 to i32
            %cond3A_176 = arith.constant 0 : i32
            %cond3A_177 = arith.cmpi ne, %convert_element_type3A_175, %cond3A_176 : i32
            scf.if %cond3A_177 {
              "tpu.region"() ({
                %run_scoped3A = tpu.sem_alloc : memref<!tpu.dma_semaphore, #tpu.memory_space<semaphore_mem>>
                %dma_start3A_178 = arith.constant 0 : i32
                %dma_start3A_179 = arith.constant 0 : i32
                %dma_start3A_180 = tpu.memref_slice %arg12[%cond3A_140, %dma_start3A_178, %dma_start3A_179] : memref<3x128x128xf32, #tpu.memory_space<vmem>> -> memref<1x128x128xf32, #tpu.memory_space<vmem>>
                %dma_start3A_181 = tpu.memref_squeeze %dma_start3A_180 : memref<1x128x128xf32, #tpu.memory_space<vmem>> -> memref<128x128xf32, #tpu.memory_space<vmem>>
                %dma_start3A_182 = arith.constant 0 : i32
                %dma_start3A_183 = tpu.memref_slice %dma_start3A_181[%scan3A_167, %dma_start3A_182] : memref<128x128xf32, #tpu.memory_space<vmem>> -> memref<1x128xf32, #tpu.memory_space<vmem>>
                %dma_start3A_184 = arith.constant 0 : i32
                %dma_start3A_185 = arith.constant 0 : i32
                %dma_start3A_186 = tpu.memref_slice %arg6[%dma_start3A_184, %dma_start3A_185] : memref<1x128xf32, #tpu.memory_space<hbm>> -> memref<1x128xf32, #tpu.memory_space<hbm>>
                %dma_start3A_187 = arith.constant 0 : i32
                %dma_start3A_188 = arith.constant 0 : i32
                %dma_start3A_189 = tpu.memref_slice %arg12[%cond3A_140, %dma_start3A_187, %dma_start3A_188] : memref<3x128x128xf32, #tpu.memory_space<vmem>> -> memref<1x128x128xf32, #tpu.memory_space<vmem>>
                %dma_start3A_190 = tpu.memref_squeeze %dma_start3A_189 : memref<1x128x128xf32, #tpu.memory_space<vmem>> -> memref<128x128xf32, #tpu.memory_space<vmem>>
                %dma_start3A_191 = arith.constant 0 : i32
                %dma_start3A_192 = tpu.memref_slice %dma_start3A_190[%scan3A_167, %dma_start3A_191] : memref<128x128xf32, #tpu.memory_space<vmem>> -> memref<1x128xf32, #tpu.memory_space<vmem>>
                %dma_start3A_193 = arith.constant 0 : i32
                %dma_start3A_194 = arith.constant 0 : i32
                %dma_start3A_195 = tpu.memref_slice %arg6[%dma_start3A_193, %dma_start3A_194] : memref<1x128xf32, #tpu.memory_space<hbm>> -> memref<1x128xf32, #tpu.memory_space<hbm>>
                tpu.enqueue_dma source(%dma_start3A_195 : memref<1x128xf32, #tpu.memory_space<hbm>>) target(%dma_start3A_192 : memref<1x128xf32, #tpu.memory_space<vmem>>) target_semaphore(%run_scoped3A : memref<!tpu.dma_semaphore, #tpu.memory_space<semaphore_mem>>)
                %dma_wait3A_196 = arith.constant 0 : i32
                %dma_wait3A_197 = arith.constant 0 : i32
                %dma_wait3A_198 = tpu.memref_slice %arg12[%cond3A_140, %dma_wait3A_196, %dma_wait3A_197] : memref<3x128x128xf32, #tpu.memory_space<vmem>> -> memref<1x128x128xf32, #tpu.memory_space<vmem>>
                %dma_wait3A_199 = tpu.memref_squeeze %dma_wait3A_198 : memref<1x128x128xf32, #tpu.memory_space<vmem>> -> memref<128x128xf32, #tpu.memory_space<vmem>>
                %dma_wait3A_200 = arith.constant 0 : i32
                %dma_wait3A_201 = tpu.memref_slice %dma_wait3A_199[%scan3A_167, %dma_wait3A_200] : memref<128x128xf32, #tpu.memory_space<vmem>> -> memref<1x128xf32, #tpu.memory_space<vmem>>
                %dma_wait3A_202 = arith.constant 0 : i32
                %dma_wait3A_203 = arith.constant 0 : i32
                %dma_wait3A_204 = tpu.memref_slice %arg6[%dma_wait3A_202, %dma_wait3A_203] : memref<1x128xf32, #tpu.memory_space<hbm>> -> memref<1x128xf32, #tpu.memory_space<hbm>>
                %dma_wait3A_205 = arith.constant 0 : i32
                %dma_wait3A_206 = arith.constant 0 : i32
                %dma_wait3A_207 = tpu.memref_slice %arg12[%cond3A_140, %dma_wait3A_205, %dma_wait3A_206] : memref<3x128x128xf32, #tpu.memory_space<vmem>> -> memref<1x128x128xf32, #tpu.memory_space<vmem>>
                %dma_wait3A_208 = tpu.memref_squeeze %dma_wait3A_207 : memref<1x128x128xf32, #tpu.memory_space<vmem>> -> memref<128x128xf32, #tpu.memory_space<vmem>>
                %dma_wait3A_209 = arith.constant 0 : i32
                %dma_wait3A_210 = tpu.memref_slice %dma_wait3A_208[%scan3A_167, %dma_wait3A_209] : memref<128x128xf32, #tpu.memory_space<vmem>> -> memref<1x128xf32, #tpu.memory_space<vmem>>
                %dma_wait3A_211 = arith.constant 0 : i32
                %dma_wait3A_212 = arith.constant 0 : i32
                %dma_wait3A_213 = tpu.memref_slice %arg6[%dma_wait3A_211, %dma_wait3A_212] : memref<1x128xf32, #tpu.memory_space<hbm>> -> memref<1x128xf32, #tpu.memory_space<hbm>>
                tpu.wait_dma2 semaphore(%run_scoped3A : memref<!tpu.dma_semaphore, #tpu.memory_space<semaphore_mem>>) src(%dma_wait3A_213 : memref<1x128xf32, #tpu.memory_space<hbm>>) dst(%dma_wait3A_210 : memref<1x128xf32, #tpu.memory_space<vmem>>)
                tpu.yield
              }) : () -> ()
            } else {
            }
          }
          %scan3A_166 = arith.constant 128 : i32
        } else {
        }
        %dma_start3A_143 = arith.constant 2 : i32
        %dma_start3A_144 = arith.constant 0 : i32
        %dma_start3A_145 = arith.constant 0 : i32
        %dma_start3A_146 = tpu.memref_slice %arg12[%dma_start3A_143, %dma_start3A_144, %dma_start3A_145] : memref<3x128x128xf32, #tpu.memory_space<vmem>> -> memref<1x128x128xf32, #tpu.memory_space<vmem>>
        %dma_start3A_147 = tpu.memref_squeeze %dma_start3A_146 : memref<1x128x128xf32, #tpu.memory_space<vmem>> -> memref<128x128xf32, #tpu.memory_space<vmem>>
        %dma_start3A_148 = arith.constant 0 : i32
        %dma_start3A_149 = tpu.memref_slice %arg7[%mul3A_123, %dma_start3A_148] : memref<100000x128xf32, #tpu.memory_space<hbm>> -> memref<128x128xf32, #tpu.memory_space<hbm>>
        %dma_start3A_150 = arith.constant 0 : i32
        %dma_start3A_151 = tpu.memref_slice %arg7[%mul3A_123, %dma_start3A_150] : memref<100000x128xf32, #tpu.memory_space<hbm>> -> memref<128x128xf32, #tpu.memory_space<hbm>>
        %dma_start3A_152 = arith.constant 0 : i32
        %dma_start3A_153 = arith.constant 0 : i32
        %dma_start3A_154 = tpu.memref_slice %arg12[%dma_start3A_143, %dma_start3A_152, %dma_start3A_153] : memref<3x128x128xf32, #tpu.memory_space<vmem>> -> memref<1x128x128xf32, #tpu.memory_space<vmem>>
        %dma_start3A_155 = tpu.memref_squeeze %dma_start3A_154 : memref<1x128x128xf32, #tpu.memory_space<vmem>> -> memref<128x128xf32, #tpu.memory_space<vmem>>
        tpu.enqueue_dma source(%dma_start3A_155 : memref<128x128xf32, #tpu.memory_space<vmem>>) target(%dma_start3A_151 : memref<128x128xf32, #tpu.memory_space<hbm>>) target_semaphore(%arg25 : memref<!tpu.dma_semaphore, #tpu.memory_space<semaphore_mem>>)
        %add3A_156 = arith.constant 3 : i32
        %add3A_157 = arith.addi %sub3A_118, %add3A_156 : i32
        %lt3A = arith.cmpi slt, %add3A_157, %select_n3A : i32
        %convert_element_type3A_158 = arith.extui %lt3A : i1 to i32
        %cond3A_159 = arith.constant 0 : i32
        %cond3A_160 = arith.cmpi ne, %convert_element_type3A_158, %cond3A_159 : i32
        scf.if %cond3A_160 {
          %add3A_161 = arith.constant 3 : i32
          %add3A_162 = arith.addi %sub3A_118, %add3A_161 : i32
          %mul3A_163 = arith.constant 32 : i32
          %mul3A_164 = arith.muli %add3A_162, %mul3A_163 : i32
          %add3A_165 = arith.addi %add3A, %mul3A_164 : i32
          %mul3A_166 = arith.constant 128 : i32
          %mul3A_167 = arith.muli %add3A_165, %mul3A_166 : i32
          %dma_start3A_168 = arith.constant 2 : i32
          %dma_start3A_169 = arith.constant 0 : i32
          %dma_start3A_170 = tpu.memref_slice %arg8[%dma_start3A_168, %dma_start3A_169] : memref<3x128xi32, #tpu.memory_space<vmem>> -> memref<1x128xi32, #tpu.memory_space<vmem>>
          %dma_start3A_171 = tpu.memref_squeeze %dma_start3A_170 : memref<1x128xi32, #tpu.memory_space<vmem>> -> memref<128xi32, #tpu.memory_space<vmem>>
          %dma_start3A_172 = tpu.memref_slice %arg3[%mul3A_167] : memref<100000xi32, #tpu.memory_space<hbm>> -> memref<128xi32, #tpu.memory_space<hbm>>
          %dma_start3A_173 = arith.constant 0 : i32
          %dma_start3A_174 = tpu.memref_slice %arg8[%dma_start3A_168, %dma_start3A_173] : memref<3x128xi32, #tpu.memory_space<vmem>> -> memref<1x128xi32, #tpu.memory_space<vmem>>
          %dma_start3A_175 = tpu.memref_squeeze %dma_start3A_174 : memref<1x128xi32, #tpu.memory_space<vmem>> -> memref<128xi32, #tpu.memory_space<vmem>>
          %dma_start3A_176 = tpu.memref_slice %arg3[%mul3A_167] : memref<100000xi32, #tpu.memory_space<hbm>> -> memref<128xi32, #tpu.memory_space<hbm>>
          tpu.enqueue_dma source(%dma_start3A_176 : memref<128xi32, #tpu.memory_space<hbm>>) target(%dma_start3A_175 : memref<128xi32, #tpu.memory_space<vmem>>) target_semaphore(%arg19 : memref<!tpu.dma_semaphore, #tpu.memory_space<semaphore_mem>>)
          %mul3A_177 = arith.constant 8 : i32
          %mul3A_178 = arith.muli %add3A_165, %mul3A_177 : i32
          %dma_start3A_179 = arith.constant 0 : i32
          %dma_start3A_180 = tpu.memref_slice %arg11[%dma_start3A_179] : memref<16xi32, #tpu.memory_space<vmem>> -> memref<8xi32, #tpu.memory_space<vmem>>
          %dma_start3A_181 = tpu.memref_slice %arg5[%mul3A_178] : memref<6256xi32, #tpu.memory_space<hbm>> -> memref<8xi32, #tpu.memory_space<hbm>>
          %dma_start3A_182 = arith.constant 0 : i32
          %dma_start3A_183 = tpu.memref_slice %arg11[%dma_start3A_182] : memref<16xi32, #tpu.memory_space<vmem>> -> memref<8xi32, #tpu.memory_space<vmem>>
          %dma_start3A_184 = tpu.memref_slice %arg5[%mul3A_178] : memref<6256xi32, #tpu.memory_space<hbm>> -> memref<8xi32, #tpu.memory_space<hbm>>
          tpu.enqueue_dma source(%dma_start3A_184 : memref<8xi32, #tpu.memory_space<hbm>>) target(%dma_start3A_183 : memref<8xi32, #tpu.memory_space<vmem>>) target_semaphore(%arg19 : memref<!tpu.dma_semaphore, #tpu.memory_space<semaphore_mem>>)
        } else {
        }
      } else {
      }
    } else {
    }
    %eq3A_10 = arith.constant 25 : i32
    %eq3A_11 = arith.cmpi eq, %select_n3A, %eq3A_10 : i32
    %convert_element_type3A_12 = arith.extui %eq3A_11 : i1 to i32
    %cond3A_13 = arith.constant 0 : i32
    %cond3A_14 = arith.cmpi ne, %convert_element_type3A_12, %cond3A_13 : i32
    scf.if %cond3A_14 {
      %mul3A_69 = arith.constant 24 : i32
      %mul3A_70 = arith.constant 32 : i32
      %mul3A_71 = arith.muli %mul3A_69, %mul3A_70 : i32
      %add3A_72 = arith.addi %add3A, %mul3A_71 : i32
      %mul3A_73 = arith.constant 128 : i32
      %mul3A_74 = arith.muli %add3A_72, %mul3A_73 : i32
      %dma_wait3A_75 = arith.constant 0 : i32
      %dma_wait3A_76 = arith.constant 0 : i32
      %dma_wait3A_77 = arith.constant 0 : i32
      %dma_wait3A_78 = arith.constant 0 : i32
      %dma_wait3A_79 = tpu.memref_slice %arg12[%dma_wait3A_76, %dma_wait3A_77, %dma_wait3A_78] : memref<3x128x128xf32, #tpu.memory_space<vmem>> -> memref<1x128x128xf32, #tpu.memory_space<vmem>>
      %dma_wait3A_80 = tpu.memref_squeeze %dma_wait3A_79 : memref<1x128x128xf32, #tpu.memory_space<vmem>> -> memref<128x128xf32, #tpu.memory_space<vmem>>
      %dma_wait3A_81 = arith.constant 0 : i32
      %dma_wait3A_82 = tpu.memref_slice %arg8[%dma_wait3A_75, %dma_wait3A_81] : memref<3x128xi32, #tpu.memory_space<vmem>> -> memref<1x128xi32, #tpu.memory_space<vmem>>
      %dma_wait3A_83 = tpu.memref_squeeze %dma_wait3A_82 : memref<1x128xi32, #tpu.memory_space<vmem>> -> memref<128xi32, #tpu.memory_space<vmem>>
      %dma_wait3A_84 = arith.constant 0 : i32
      %dma_wait3A_85 = arith.constant 0 : i32
      %dma_wait3A_86 = tpu.memref_slice %arg2[%dma_wait3A_84, %dma_wait3A_85] : memref<50000x128xf32, #tpu.memory_space<hbm>> -> memref<50000x128xf32, #tpu.memory_space<hbm>>
      tpu.wait_indirect_dma semaphore(%arg20 : memref<!tpu.dma_semaphore, #tpu.memory_space<semaphore_mem>>) src(%dma_wait3A_86 : memref<50000x128xf32, #tpu.memory_space<hbm>>) dst(%dma_wait3A_80 : memref<128x128xf32, #tpu.memory_space<vmem>>)
      %get3A = arith.constant 0 : index
      %get3A_87 = tpu.vector_load %arg9[%get3A] {strides = array<i32>} : memref<16xi32, #tpu.memory_space<vmem>>, vector<16xi32>,
      %get3A_88 = vector.shape_cast %get3A_87 : vector<16xi32> to vector<16xi32>
      %slice3A = vector.extract_strided_slice %get3A_88 {offsets = [0], sizes = [1], strides = [1]} : vector<16xi32> to vector<1xi32>
      %squeeze3A = vector.extract %slice3A[0] : i32 from vector<1xi32>
      %ne3A = arith.constant 0 : i32
      %ne3A_89 = arith.cmpi ne, %squeeze3A, %ne3A : i32
      %convert_element_type3A_90 = arith.extui %ne3A_89 : i1 to i32
      %cond3A_91 = arith.constant 0 : i32
      %cond3A_92 = arith.constant 0 : i32
      %cond3A_93 = arith.cmpi ne, %convert_element_type3A_90, %cond3A_92 : i32
      scf.if %cond3A_93 {
        "tpu.region"() ({
          %run_scoped3A = tpu.sem_alloc : memref<!tpu.dma_semaphore, #tpu.memory_space<semaphore_mem>>
          %dma_start3A_119 = arith.constant 0 : i32
          %dma_start3A_120 = tpu.memref_slice %arg13[%dma_start3A_119] : memref<144xi32, #tpu.memory_space<vmem>> -> memref<128xi32, #tpu.memory_space<vmem>>
          %dma_start3A_121 = tpu.memref_slice %arg4[%mul3A_74] : memref<100000xi32, #tpu.memory_space<hbm>> -> memref<128xi32, #tpu.memory_space<hbm>>
          %dma_start3A_122 = arith.constant 0 : i32
          %dma_start3A_123 = tpu.memref_slice %arg13[%dma_start3A_122] : memref<144xi32, #tpu.memory_space<vmem>> -> memref<128xi32, #tpu.memory_space<vmem>>
          %dma_start3A_124 = tpu.memref_slice %arg4[%mul3A_74] : memref<100000xi32, #tpu.memory_space<hbm>> -> memref<128xi32, #tpu.memory_space<hbm>>
          tpu.enqueue_dma source(%dma_start3A_124 : memref<128xi32, #tpu.memory_space<hbm>>) target(%dma_start3A_123 : memref<128xi32, #tpu.memory_space<vmem>>) target_semaphore(%run_scoped3A : memref<!tpu.dma_semaphore, #tpu.memory_space<semaphore_mem>>)
          %dma_wait3A_125 = arith.constant 0 : i32
          %dma_wait3A_126 = tpu.memref_slice %arg13[%dma_wait3A_125] : memref<144xi32, #tpu.memory_space<vmem>> -> memref<128xi32, #tpu.memory_space<vmem>>
          %dma_wait3A_127 = tpu.memref_slice %arg4[%mul3A_74] : memref<100000xi32, #tpu.memory_space<hbm>> -> memref<128xi32, #tpu.memory_space<hbm>>
          %dma_wait3A_128 = arith.constant 0 : i32
          %dma_wait3A_129 = tpu.memref_slice %arg13[%dma_wait3A_128] : memref<144xi32, #tpu.memory_space<vmem>> -> memref<128xi32, #tpu.memory_space<vmem>>
          %dma_wait3A_130 = tpu.memref_slice %arg4[%mul3A_74] : memref<100000xi32, #tpu.memory_space<hbm>> -> memref<128xi32, #tpu.memory_space<hbm>>
          tpu.wait_dma2 semaphore(%run_scoped3A : memref<!tpu.dma_semaphore, #tpu.memory_space<semaphore_mem>>) src(%dma_wait3A_130 : memref<128xi32, #tpu.memory_space<hbm>>) dst(%dma_wait3A_129 : memref<128xi32, #tpu.memory_space<vmem>>)
          tpu.yield
        }) : () -> ()
        %scan3A_113 = arith.constant 0 : i32
        %scan3A_114 = arith.constant 0 : i32
        %scan3A_115 = arith.constant 128 : i32
        %scan3A_116 = arith.addi %scan3A_114, %scan3A_115 : i32
        %scan3A_117 = arith.constant 1 : i32
        scf.for %scan3A_119 = %scan3A_114 to %scan3A_116 step %scan3A_117  : i32 {
          %get3A_120 = arith.index_cast %scan3A_119 : i32 to index
          %get3A_121 = tpu.vector_load %arg13[%get3A_120] {strides = array<i32>} : memref<144xi32, #tpu.memory_space<vmem>>, vector<16xi32>,
          %get3A_122 = vector.shape_cast %get3A_121 : vector<16xi32> to vector<16xi32>
          %slice3A_123 = vector.extract_strided_slice %get3A_122 {offsets = [0], sizes = [1], strides = [1]} : vector<16xi32> to vector<1xi32>
          %squeeze3A_124 = vector.extract %slice3A_123[0] : i32 from vector<1xi32>
          %eq3A_125 = arith.constant 50000 : i32
          %eq3A_126 = arith.cmpi eq, %squeeze3A_124, %eq3A_125 : i32
          %convert_element_type3A_127 = arith.extui %eq3A_126 : i1 to i32
          %cond3A_128 = arith.constant 0 : i32
          %cond3A_129 = arith.cmpi ne, %convert_element_type3A_127, %cond3A_128 : i32
          scf.if %cond3A_129 {
            "tpu.region"() ({
              %run_scoped3A = tpu.sem_alloc : memref<!tpu.dma_semaphore, #tpu.memory_space<semaphore_mem>>
              %dma_start3A_130 = arith.constant 0 : i32
              %dma_start3A_131 = arith.constant 0 : i32
              %dma_start3A_132 = tpu.memref_slice %arg12[%cond3A_91, %dma_start3A_130, %dma_start3A_131] : memref<3x128x128xf32, #tpu.memory_space<vmem>> -> memref<1x128x128xf32, #tpu.memory_space<vmem>>
              %dma_start3A_133 = tpu.memref_squeeze %dma_start3A_132 : memref<1x128x128xf32, #tpu.memory_space<vmem>> -> memref<128x128xf32, #tpu.memory_space<vmem>>
              %dma_start3A_134 = arith.constant 0 : i32
              %dma_start3A_135 = tpu.memref_slice %dma_start3A_133[%scan3A_119, %dma_start3A_134] : memref<128x128xf32, #tpu.memory_space<vmem>> -> memref<1x128xf32, #tpu.memory_space<vmem>>
              %dma_start3A_136 = arith.constant 0 : i32
              %dma_start3A_137 = arith.constant 0 : i32
              %dma_start3A_138 = tpu.memref_slice %arg6[%dma_start3A_136, %dma_start3A_137] : memref<1x128xf32, #tpu.memory_space<hbm>> -> memref<1x128xf32, #tpu.memory_space<hbm>>
              %dma_start3A_139 = arith.constant 0 : i32
              %dma_start3A_140 = arith.constant 0 : i32
              %dma_start3A_141 = tpu.memref_slice %arg12[%cond3A_91, %dma_start3A_139, %dma_start3A_140] : memref<3x128x128xf32, #tpu.memory_space<vmem>> -> memref<1x128x128xf32, #tpu.memory_space<vmem>>
              %dma_start3A_142 = tpu.memref_squeeze %dma_start3A_141 : memref<1x128x128xf32, #tpu.memory_space<vmem>> -> memref<128x128xf32, #tpu.memory_space<vmem>>
              %dma_start3A_143 = arith.constant 0 : i32
              %dma_start3A_144 = tpu.memref_slice %dma_start3A_142[%scan3A_119, %dma_start3A_143] : memref<128x128xf32, #tpu.memory_space<vmem>> -> memref<1x128xf32, #tpu.memory_space<vmem>>
              %dma_start3A_145 = arith.constant 0 : i32
              %dma_start3A_146 = arith.constant 0 : i32
              %dma_start3A_147 = tpu.memref_slice %arg6[%dma_start3A_145, %dma_start3A_146] : memref<1x128xf32, #tpu.memory_space<hbm>> -> memref<1x128xf32, #tpu.memory_space<hbm>>
              tpu.enqueue_dma source(%dma_start3A_147 : memref<1x128xf32, #tpu.memory_space<hbm>>) target(%dma_start3A_144 : memref<1x128xf32, #tpu.memory_space<vmem>>) target_semaphore(%run_scoped3A : memref<!tpu.dma_semaphore, #tpu.memory_space<semaphore_mem>>)
              %dma_wait3A_148 = arith.constant 0 : i32
              %dma_wait3A_149 = arith.constant 0 : i32
              %dma_wait3A_150 = tpu.memref_slice %arg12[%cond3A_91, %dma_wait3A_148, %dma_wait3A_149] : memref<3x128x128xf32, #tpu.memory_space<vmem>> -> memref<1x128x128xf32, #tpu.memory_space<vmem>>
              %dma_wait3A_151 = tpu.memref_squeeze %dma_wait3A_150 : memref<1x128x128xf32, #tpu.memory_space<vmem>> -> memref<128x128xf32, #tpu.memory_space<vmem>>
              %dma_wait3A_152 = arith.constant 0 : i32
              %dma_wait3A_153 = tpu.memref_slice %dma_wait3A_151[%scan3A_119, %dma_wait3A_152] : memref<128x128xf32, #tpu.memory_space<vmem>> -> memref<1x128xf32, #tpu.memory_space<vmem>>
              %dma_wait3A_154 = arith.constant 0 : i32
              %dma_wait3A_155 = arith.constant 0 : i32
              %dma_wait3A_156 = tpu.memref_slice %arg6[%dma_wait3A_154, %dma_wait3A_155] : memref<1x128xf32, #tpu.memory_space<hbm>> -> memref<1x128xf32, #tpu.memory_space<hbm>>
              %dma_wait3A_157 = arith.constant 0 : i32
              %dma_wait3A_158 = arith.constant 0 : i32
              %dma_wait3A_159 = tpu.memref_slice %arg12[%cond3A_91, %dma_wait3A_157, %dma_wait3A_158] : memref<3x128x128xf32, #tpu.memory_space<vmem>> -> memref<1x128x128xf32, #tpu.memory_space<vmem>>
              %dma_wait3A_160 = tpu.memref_squeeze %dma_wait3A_159 : memref<1x128x128xf32, #tpu.memory_space<vmem>> -> memref<128x128xf32, #tpu.memory_space<vmem>>
              %dma_wait3A_161 = arith.constant 0 : i32
              %dma_wait3A_162 = tpu.memref_slice %dma_wait3A_160[%scan3A_119, %dma_wait3A_161] : memref<128x128xf32, #tpu.memory_space<vmem>> -> memref<1x128xf32, #tpu.memory_space<vmem>>
              %dma_wait3A_163 = arith.constant 0 : i32
              %dma_wait3A_164 = arith.constant 0 : i32
              %dma_wait3A_165 = tpu.memref_slice %arg6[%dma_wait3A_163, %dma_wait3A_164] : memref<1x128xf32, #tpu.memory_space<hbm>> -> memref<1x128xf32, #tpu.memory_space<hbm>>
              tpu.wait_dma2 semaphore(%run_scoped3A : memref<!tpu.dma_semaphore, #tpu.memory_space<semaphore_mem>>) src(%dma_wait3A_165 : memref<1x128xf32, #tpu.memory_space<hbm>>) dst(%dma_wait3A_162 : memref<1x128xf32, #tpu.memory_space<vmem>>)
              tpu.yield
            }) : () -> ()
          } else {
          }
        }
        %scan3A_118 = arith.constant 128 : i32
      } else {
      }
      %dma_start3A = arith.constant 0 : i32
      %dma_start3A_94 = arith.constant 0 : i32
      %dma_start3A_95 = arith.constant 0 : i32
      %dma_start3A_96 = tpu.memref_slice %arg12[%dma_start3A, %dma_start3A_94, %dma_start3A_95] : memref<3x128x128xf32, #tpu.memory_space<vmem>> -> memref<1x128x128xf32, #tpu.memory_space<vmem>>
      %dma_start3A_97 = tpu.memref_squeeze %dma_start3A_96 : memref<1x128x128xf32, #tpu.memory_space<vmem>> -> memref<128x128xf32, #tpu.memory_space<vmem>>
      %dma_start3A_98 = arith.constant 0 : i32
      %dma_start3A_99 = tpu.memref_slice %arg7[%mul3A_74, %dma_start3A_98] : memref<100000x128xf32, #tpu.memory_space<hbm>> -> memref<128x128xf32, #tpu.memory_space<hbm>>
      %dma_start3A_100 = arith.constant 0 : i32
      %dma_start3A_101 = tpu.memref_slice %arg7[%mul3A_74, %dma_start3A_100] : memref<100000x128xf32, #tpu.memory_space<hbm>> -> memref<128x128xf32, #tpu.memory_space<hbm>>
      %dma_start3A_102 = arith.constant 0 : i32
      %dma_start3A_103 = arith.constant 0 : i32
      %dma_start3A_104 = tpu.memref_slice %arg12[%dma_start3A, %dma_start3A_102, %dma_start3A_103] : memref<3x128x128xf32, #tpu.memory_space<vmem>> -> memref<1x128x128xf32, #tpu.memory_space<vmem>>
      %dma_start3A_105 = tpu.memref_squeeze %dma_start3A_104 : memref<1x128x128xf32, #tpu.memory_space<vmem>> -> memref<128x128xf32, #tpu.memory_space<vmem>>
      tpu.enqueue_dma source(%dma_start3A_105 : memref<128x128xf32, #tpu.memory_space<vmem>>) target(%dma_start3A_101 : memref<128x128xf32, #tpu.memory_space<hbm>>) target_semaphore(%arg23 : memref<!tpu.dma_semaphore, #tpu.memory_space<semaphore_mem>>)
      %add3A_106 = arith.constant 24 : i32
      %add3A_107 = arith.constant 3 : i32
      %add3A_108 = arith.addi %add3A_106, %add3A_107 : i32
      %lt3A = arith.cmpi slt, %add3A_108, %select_n3A : i32
      %convert_element_type3A_109 = arith.extui %lt3A : i1 to i32
      %cond3A_110 = arith.constant 24 : i32
      %cond3A_111 = arith.constant 0 : i32
      %cond3A_112 = arith.cmpi ne, %convert_element_type3A_109, %cond3A_111 : i32
      scf.if %cond3A_112 {
        %add3A_113 = arith.constant 3 : i32
        %add3A_114 = arith.addi %cond3A_110, %add3A_113 : i32
        %mul3A_115 = arith.constant 32 : i32
        %mul3A_116 = arith.muli %add3A_114, %mul3A_115 : i32
        %add3A_117 = arith.addi %add3A, %mul3A_116 : i32
        %mul3A_118 = arith.constant 128 : i32
        %mul3A_119 = arith.muli %add3A_117, %mul3A_118 : i32
        %dma_start3A_120 = arith.constant 0 : i32
        %dma_start3A_121 = arith.constant 0 : i32
        %dma_start3A_122 = tpu.memref_slice %arg8[%dma_start3A_120, %dma_start3A_121] : memref<3x128xi32, #tpu.memory_space<vmem>> -> memref<1x128xi32, #tpu.memory_space<vmem>>
        %dma_start3A_123 = tpu.memref_squeeze %dma_start3A_122 : memref<1x128xi32, #tpu.memory_space<vmem>> -> memref<128xi32, #tpu.memory_space<vmem>>
        %dma_start3A_124 = tpu.memref_slice %arg3[%mul3A_119] : memref<100000xi32, #tpu.memory_space<hbm>> -> memref<128xi32, #tpu.memory_space<hbm>>
        %dma_start3A_125 = arith.constant 0 : i32
        %dma_start3A_126 = tpu.memref_slice %arg8[%dma_start3A_120, %dma_start3A_125] : memref<3x128xi32, #tpu.memory_space<vmem>> -> memref<1x128xi32, #tpu.memory_space<vmem>>
        %dma_start3A_127 = tpu.memref_squeeze %dma_start3A_126 : memref<1x128xi32, #tpu.memory_space<vmem>> -> memref<128xi32, #tpu.memory_space<vmem>>
        %dma_start3A_128 = tpu.memref_slice %arg3[%mul3A_119] : memref<100000xi32, #tpu.memory_space<hbm>> -> memref<128xi32, #tpu.memory_space<hbm>>
        tpu.enqueue_dma source(%dma_start3A_128 : memref<128xi32, #tpu.memory_space<hbm>>) target(%dma_start3A_127 : memref<128xi32, #tpu.memory_space<vmem>>) target_semaphore(%arg17 : memref<!tpu.dma_semaphore, #tpu.memory_space<semaphore_mem>>)
        %mul3A_129 = arith.constant 8 : i32
        %mul3A_130 = arith.muli %add3A_117, %mul3A_129 : i32
        %dma_start3A_131 = arith.constant 0 : i32
        %dma_start3A_132 = tpu.memref_slice %arg9[%dma_start3A_131] : memref<16xi32, #tpu.memory_space<vmem>> -> memref<8xi32, #tpu.memory_space<vmem>>
        %dma_start3A_133 = tpu.memref_slice %arg5[%mul3A_130] : memref<6256xi32, #tpu.memory_space<hbm>> -> memref<8xi32, #tpu.memory_space<hbm>>
        %dma_start3A_134 = arith.constant 0 : i32
        %dma_start3A_135 = tpu.memref_slice %arg9[%dma_start3A_134] : memref<16xi32, #tpu.memory_space<vmem>> -> memref<8xi32, #tpu.memory_space<vmem>>
        %dma_start3A_136 = tpu.memref_slice %arg5[%mul3A_130] : memref<6256xi32, #tpu.memory_space<hbm>> -> memref<8xi32, #tpu.memory_space<hbm>>
        tpu.enqueue_dma source(%dma_start3A_136 : memref<8xi32, #tpu.memory_space<hbm>>) target(%dma_start3A_135 : memref<8xi32, #tpu.memory_space<vmem>>) target_semaphore(%arg17 : memref<!tpu.dma_semaphore, #tpu.memory_space<semaphore_mem>>)
      } else {
      }
    } else {
    }
    %eq3A_15 = arith.constant 24 : i32
    %eq3A_16 = arith.cmpi eq, %select_n3A, %eq3A_15 : i32
    %convert_element_type3A_17 = arith.extui %eq3A_16 : i1 to i32
    %cond3A_18 = arith.constant 0 : i32
    %cond3A_19 = arith.cmpi ne, %convert_element_type3A_17, %cond3A_18 : i32
    scf.if %cond3A_19 {
      %mul3A_69 = arith.constant 23 : i32
      %mul3A_70 = arith.constant 32 : i32
      %mul3A_71 = arith.muli %mul3A_69, %mul3A_70 : i32
      %add3A_72 = arith.addi %add3A, %mul3A_71 : i32
      %mul3A_73 = arith.constant 128 : i32
      %mul3A_74 = arith.muli %add3A_72, %mul3A_73 : i32
      %dma_wait3A_75 = arith.constant 2 : i32
      %dma_wait3A_76 = arith.constant 2 : i32
      %dma_wait3A_77 = arith.constant 0 : i32
      %dma_wait3A_78 = arith.constant 0 : i32
      %dma_wait3A_79 = tpu.memref_slice %arg12[%dma_wait3A_76, %dma_wait3A_77, %dma_wait3A_78] : memref<3x128x128xf32, #tpu.memory_space<vmem>> -> memref<1x128x128xf32, #tpu.memory_space<vmem>>
      %dma_wait3A_80 = tpu.memref_squeeze %dma_wait3A_79 : memref<1x128x128xf32, #tpu.memory_space<vmem>> -> memref<128x128xf32, #tpu.memory_space<vmem>>
      %dma_wait3A_81 = arith.constant 0 : i32
      %dma_wait3A_82 = tpu.memref_slice %arg8[%dma_wait3A_75, %dma_wait3A_81] : memref<3x128xi32, #tpu.memory_space<vmem>> -> memref<1x128xi32, #tpu.memory_space<vmem>>
      %dma_wait3A_83 = tpu.memref_squeeze %dma_wait3A_82 : memref<1x128xi32, #tpu.memory_space<vmem>> -> memref<128xi32, #tpu.memory_space<vmem>>
      %dma_wait3A_84 = arith.constant 0 : i32
      %dma_wait3A_85 = arith.constant 0 : i32
      %dma_wait3A_86 = tpu.memref_slice %arg2[%dma_wait3A_84, %dma_wait3A_85] : memref<50000x128xf32, #tpu.memory_space<hbm>> -> memref<50000x128xf32, #tpu.memory_space<hbm>>
      tpu.wait_indirect_dma semaphore(%arg22 : memref<!tpu.dma_semaphore, #tpu.memory_space<semaphore_mem>>) src(%dma_wait3A_86 : memref<50000x128xf32, #tpu.memory_space<hbm>>) dst(%dma_wait3A_80 : memref<128x128xf32, #tpu.memory_space<vmem>>)
      %get3A = arith.constant 0 : index
      %get3A_87 = tpu.vector_load %arg11[%get3A] {strides = array<i32>} : memref<16xi32, #tpu.memory_space<vmem>>, vector<16xi32>,
      %get3A_88 = vector.shape_cast %get3A_87 : vector<16xi32> to vector<16xi32>
      %slice3A = vector.extract_strided_slice %get3A_88 {offsets = [0], sizes = [1], strides = [1]} : vector<16xi32> to vector<1xi32>
      %squeeze3A = vector.extract %slice3A[0] : i32 from vector<1xi32>
      %ne3A = arith.constant 0 : i32
      %ne3A_89 = arith.cmpi ne, %squeeze3A, %ne3A : i32
      %convert_element_type3A_90 = arith.extui %ne3A_89 : i1 to i32
      %cond3A_91 = arith.constant 2 : i32
      %cond3A_92 = arith.constant 0 : i32
      %cond3A_93 = arith.cmpi ne, %convert_element_type3A_90, %cond3A_92 : i32
      scf.if %cond3A_93 {
        "tpu.region"() ({
          %run_scoped3A = tpu.sem_alloc : memref<!tpu.dma_semaphore, #tpu.memory_space<semaphore_mem>>
          %dma_start3A_119 = arith.constant 0 : i32
          %dma_start3A_120 = tpu.memref_slice %arg13[%dma_start3A_119] : memref<144xi32, #tpu.memory_space<vmem>> -> memref<128xi32, #tpu.memory_space<vmem>>
          %dma_start3A_121 = tpu.memref_slice %arg4[%mul3A_74] : memref<100000xi32, #tpu.memory_space<hbm>> -> memref<128xi32, #tpu.memory_space<hbm>>
          %dma_start3A_122 = arith.constant 0 : i32
          %dma_start3A_123 = tpu.memref_slice %arg13[%dma_start3A_122] : memref<144xi32, #tpu.memory_space<vmem>> -> memref<128xi32, #tpu.memory_space<vmem>>
          %dma_start3A_124 = tpu.memref_slice %arg4[%mul3A_74] : memref<100000xi32, #tpu.memory_space<hbm>> -> memref<128xi32, #tpu.memory_space<hbm>>
          tpu.enqueue_dma source(%dma_start3A_124 : memref<128xi32, #tpu.memory_space<hbm>>) target(%dma_start3A_123 : memref<128xi32, #tpu.memory_space<vmem>>) target_semaphore(%run_scoped3A : memref<!tpu.dma_semaphore, #tpu.memory_space<semaphore_mem>>)
          %dma_wait3A_125 = arith.constant 0 : i32
          %dma_wait3A_126 = tpu.memref_slice %arg13[%dma_wait3A_125] : memref<144xi32, #tpu.memory_space<vmem>> -> memref<128xi32, #tpu.memory_space<vmem>>
          %dma_wait3A_127 = tpu.memref_slice %arg4[%mul3A_74] : memref<100000xi32, #tpu.memory_space<hbm>> -> memref<128xi32, #tpu.memory_space<hbm>>
          %dma_wait3A_128 = arith.constant 0 : i32
          %dma_wait3A_129 = tpu.memref_slice %arg13[%dma_wait3A_128] : memref<144xi32, #tpu.memory_space<vmem>> -> memref<128xi32, #tpu.memory_space<vmem>>
          %dma_wait3A_130 = tpu.memref_slice %arg4[%mul3A_74] : memref<100000xi32, #tpu.memory_space<hbm>> -> memref<128xi32, #tpu.memory_space<hbm>>
          tpu.wait_dma2 semaphore(%run_scoped3A : memref<!tpu.dma_semaphore, #tpu.memory_space<semaphore_mem>>) src(%dma_wait3A_130 : memref<128xi32, #tpu.memory_space<hbm>>) dst(%dma_wait3A_129 : memref<128xi32, #tpu.memory_space<vmem>>)
          tpu.yield
        }) : () -> ()
        %scan3A_113 = arith.constant 0 : i32
        %scan3A_114 = arith.constant 0 : i32
        %scan3A_115 = arith.constant 128 : i32
        %scan3A_116 = arith.addi %scan3A_114, %scan3A_115 : i32
        %scan3A_117 = arith.constant 1 : i32
        scf.for %scan3A_119 = %scan3A_114 to %scan3A_116 step %scan3A_117  : i32 {
          %get3A_120 = arith.index_cast %scan3A_119 : i32 to index
          %get3A_121 = tpu.vector_load %arg13[%get3A_120] {strides = array<i32>} : memref<144xi32, #tpu.memory_space<vmem>>, vector<16xi32>,
          %get3A_122 = vector.shape_cast %get3A_121 : vector<16xi32> to vector<16xi32>
          %slice3A_123 = vector.extract_strided_slice %get3A_122 {offsets = [0], sizes = [1], strides = [1]} : vector<16xi32> to vector<1xi32>
          %squeeze3A_124 = vector.extract %slice3A_123[0] : i32 from vector<1xi32>
          %eq3A_125 = arith.constant 50000 : i32
          %eq3A_126 = arith.cmpi eq, %squeeze3A_124, %eq3A_125 : i32
          %convert_element_type3A_127 = arith.extui %eq3A_126 : i1 to i32
          %cond3A_128 = arith.constant 0 : i32
          %cond3A_129 = arith.cmpi ne, %convert_element_type3A_127, %cond3A_128 : i32
          scf.if %cond3A_129 {
            "tpu.region"() ({
              %run_scoped3A = tpu.sem_alloc : memref<!tpu.dma_semaphore, #tpu.memory_space<semaphore_mem>>
              %dma_start3A_130 = arith.constant 0 : i32
              %dma_start3A_131 = arith.constant 0 : i32
              %dma_start3A_132 = tpu.memref_slice %arg12[%cond3A_91, %dma_start3A_130, %dma_start3A_131] : memref<3x128x128xf32, #tpu.memory_space<vmem>> -> memref<1x128x128xf32, #tpu.memory_space<vmem>>
              %dma_start3A_133 = tpu.memref_squeeze %dma_start3A_132 : memref<1x128x128xf32, #tpu.memory_space<vmem>> -> memref<128x128xf32, #tpu.memory_space<vmem>>
              %dma_start3A_134 = arith.constant 0 : i32
              %dma_start3A_135 = tpu.memref_slice %dma_start3A_133[%scan3A_119, %dma_start3A_134] : memref<128x128xf32, #tpu.memory_space<vmem>> -> memref<1x128xf32, #tpu.memory_space<vmem>>
              %dma_start3A_136 = arith.constant 0 : i32
              %dma_start3A_137 = arith.constant 0 : i32
              %dma_start3A_138 = tpu.memref_slice %arg6[%dma_start3A_136, %dma_start3A_137] : memref<1x128xf32, #tpu.memory_space<hbm>> -> memref<1x128xf32, #tpu.memory_space<hbm>>
              %dma_start3A_139 = arith.constant 0 : i32
              %dma_start3A_140 = arith.constant 0 : i32
              %dma_start3A_141 = tpu.memref_slice %arg12[%cond3A_91, %dma_start3A_139, %dma_start3A_140] : memref<3x128x128xf32, #tpu.memory_space<vmem>> -> memref<1x128x128xf32, #tpu.memory_space<vmem>>
              %dma_start3A_142 = tpu.memref_squeeze %dma_start3A_141 : memref<1x128x128xf32, #tpu.memory_space<vmem>> -> memref<128x128xf32, #tpu.memory_space<vmem>>
              %dma_start3A_143 = arith.constant 0 : i32
              %dma_start3A_144 = tpu.memref_slice %dma_start3A_142[%scan3A_119, %dma_start3A_143] : memref<128x128xf32, #tpu.memory_space<vmem>> -> memref<1x128xf32, #tpu.memory_space<vmem>>
              %dma_start3A_145 = arith.constant 0 : i32
              %dma_start3A_146 = arith.constant 0 : i32
              %dma_start3A_147 = tpu.memref_slice %arg6[%dma_start3A_145, %dma_start3A_146] : memref<1x128xf32, #tpu.memory_space<hbm>> -> memref<1x128xf32, #tpu.memory_space<hbm>>
              tpu.enqueue_dma source(%dma_start3A_147 : memref<1x128xf32, #tpu.memory_space<hbm>>) target(%dma_start3A_144 : memref<1x128xf32, #tpu.memory_space<vmem>>) target_semaphore(%run_scoped3A : memref<!tpu.dma_semaphore, #tpu.memory_space<semaphore_mem>>)
              %dma_wait3A_148 = arith.constant 0 : i32
              %dma_wait3A_149 = arith.constant 0 : i32
              %dma_wait3A_150 = tpu.memref_slice %arg12[%cond3A_91, %dma_wait3A_148, %dma_wait3A_149] : memref<3x128x128xf32, #tpu.memory_space<vmem>> -> memref<1x128x128xf32, #tpu.memory_space<vmem>>
              %dma_wait3A_151 = tpu.memref_squeeze %dma_wait3A_150 : memref<1x128x128xf32, #tpu.memory_space<vmem>> -> memref<128x128xf32, #tpu.memory_space<vmem>>
              %dma_wait3A_152 = arith.constant 0 : i32
              %dma_wait3A_153 = tpu.memref_slice %dma_wait3A_151[%scan3A_119, %dma_wait3A_152] : memref<128x128xf32, #tpu.memory_space<vmem>> -> memref<1x128xf32, #tpu.memory_space<vmem>>
              %dma_wait3A_154 = arith.constant 0 : i32
              %dma_wait3A_155 = arith.constant 0 : i32
              %dma_wait3A_156 = tpu.memref_slice %arg6[%dma_wait3A_154, %dma_wait3A_155] : memref<1x128xf32, #tpu.memory_space<hbm>> -> memref<1x128xf32, #tpu.memory_space<hbm>>
              %dma_wait3A_157 = arith.constant 0 : i32
              %dma_wait3A_158 = arith.constant 0 : i32
              %dma_wait3A_159 = tpu.memref_slice %arg12[%cond3A_91, %dma_wait3A_157, %dma_wait3A_158] : memref<3x128x128xf32, #tpu.memory_space<vmem>> -> memref<1x128x128xf32, #tpu.memory_space<vmem>>
              %dma_wait3A_160 = tpu.memref_squeeze %dma_wait3A_159 : memref<1x128x128xf32, #tpu.memory_space<vmem>> -> memref<128x128xf32, #tpu.memory_space<vmem>>
              %dma_wait3A_161 = arith.constant 0 : i32
              %dma_wait3A_162 = tpu.memref_slice %dma_wait3A_160[%scan3A_119, %dma_wait3A_161] : memref<128x128xf32, #tpu.memory_space<vmem>> -> memref<1x128xf32, #tpu.memory_space<vmem>>
              %dma_wait3A_163 = arith.constant 0 : i32
              %dma_wait3A_164 = arith.constant 0 : i32
              %dma_wait3A_165 = tpu.memref_slice %arg6[%dma_wait3A_163, %dma_wait3A_164] : memref<1x128xf32, #tpu.memory_space<hbm>> -> memref<1x128xf32, #tpu.memory_space<hbm>>
              tpu.wait_dma2 semaphore(%run_scoped3A : memref<!tpu.dma_semaphore, #tpu.memory_space<semaphore_mem>>) src(%dma_wait3A_165 : memref<1x128xf32, #tpu.memory_space<hbm>>) dst(%dma_wait3A_162 : memref<1x128xf32, #tpu.memory_space<vmem>>)
              tpu.yield
            }) : () -> ()
          } else {
          }
        }
        %scan3A_118 = arith.constant 128 : i32
      } else {
      }
      %dma_start3A = arith.constant 2 : i32
      %dma_start3A_94 = arith.constant 0 : i32
      %dma_start3A_95 = arith.constant 0 : i32
      %dma_start3A_96 = tpu.memref_slice %arg12[%dma_start3A, %dma_start3A_94, %dma_start3A_95] : memref<3x128x128xf32, #tpu.memory_space<vmem>> -> memref<1x128x128xf32, #tpu.memory_space<vmem>>
      %dma_start3A_97 = tpu.memref_squeeze %dma_start3A_96 : memref<1x128x128xf32, #tpu.memory_space<vmem>> -> memref<128x128xf32, #tpu.memory_space<vmem>>
      %dma_start3A_98 = arith.constant 0 : i32
      %dma_start3A_99 = tpu.memref_slice %arg7[%mul3A_74, %dma_start3A_98] : memref<100000x128xf32, #tpu.memory_space<hbm>> -> memref<128x128xf32, #tpu.memory_space<hbm>>
      %dma_start3A_100 = arith.constant 0 : i32
      %dma_start3A_101 = tpu.memref_slice %arg7[%mul3A_74, %dma_start3A_100] : memref<100000x128xf32, #tpu.memory_space<hbm>> -> memref<128x128xf32, #tpu.memory_space<hbm>>
      %dma_start3A_102 = arith.constant 0 : i32
      %dma_start3A_103 = arith.constant 0 : i32
      %dma_start3A_104 = tpu.memref_slice %arg12[%dma_start3A, %dma_start3A_102, %dma_start3A_103] : memref<3x128x128xf32, #tpu.memory_space<vmem>> -> memref<1x128x128xf32, #tpu.memory_space<vmem>>
      %dma_start3A_105 = tpu.memref_squeeze %dma_start3A_104 : memref<1x128x128xf32, #tpu.memory_space<vmem>> -> memref<128x128xf32, #tpu.memory_space<vmem>>
      tpu.enqueue_dma source(%dma_start3A_105 : memref<128x128xf32, #tpu.memory_space<vmem>>) target(%dma_start3A_101 : memref<128x128xf32, #tpu.memory_space<hbm>>) target_semaphore(%arg25 : memref<!tpu.dma_semaphore, #tpu.memory_space<semaphore_mem>>)
      %add3A_106 = arith.constant 23 : i32
      %add3A_107 = arith.constant 3 : i32
      %add3A_108 = arith.addi %add3A_106, %add3A_107 : i32
      %lt3A = arith.cmpi slt, %add3A_108, %select_n3A : i32
      %convert_element_type3A_109 = arith.extui %lt3A : i1 to i32
      %cond3A_110 = arith.constant 23 : i32
      %cond3A_111 = arith.constant 0 : i32
      %cond3A_112 = arith.cmpi ne, %convert_element_type3A_109, %cond3A_111 : i32
      scf.if %cond3A_112 {
        %add3A_113 = arith.constant 3 : i32
        %add3A_114 = arith.addi %cond3A_110, %add3A_113 : i32
        %mul3A_115 = arith.constant 32 : i32
        %mul3A_116 = arith.muli %add3A_114, %mul3A_115 : i32
        %add3A_117 = arith.addi %add3A, %mul3A_116 : i32
        %mul3A_118 = arith.constant 128 : i32
        %mul3A_119 = arith.muli %add3A_117, %mul3A_118 : i32
        %dma_start3A_120 = arith.constant 2 : i32
        %dma_start3A_121 = arith.constant 0 : i32
        %dma_start3A_122 = tpu.memref_slice %arg8[%dma_start3A_120, %dma_start3A_121] : memref<3x128xi32, #tpu.memory_space<vmem>> -> memref<1x128xi32, #tpu.memory_space<vmem>>
        %dma_start3A_123 = tpu.memref_squeeze %dma_start3A_122 : memref<1x128xi32, #tpu.memory_space<vmem>> -> memref<128xi32, #tpu.memory_space<vmem>>
        %dma_start3A_124 = tpu.memref_slice %arg3[%mul3A_119] : memref<100000xi32, #tpu.memory_space<hbm>> -> memref<128xi32, #tpu.memory_space<hbm>>
        %dma_start3A_125 = arith.constant 0 : i32
        %dma_start3A_126 = tpu.memref_slice %arg8[%dma_start3A_120, %dma_start3A_125] : memref<3x128xi32, #tpu.memory_space<vmem>> -> memref<1x128xi32, #tpu.memory_space<vmem>>
        %dma_start3A_127 = tpu.memref_squeeze %dma_start3A_126 : memref<1x128xi32, #tpu.memory_space<vmem>> -> memref<128xi32, #tpu.memory_space<vmem>>
        %dma_start3A_128 = tpu.memref_slice %arg3[%mul3A_119] : memref<100000xi32, #tpu.memory_space<hbm>> -> memref<128xi32, #tpu.memory_space<hbm>>
        tpu.enqueue_dma source(%dma_start3A_128 : memref<128xi32, #tpu.memory_space<hbm>>) target(%dma_start3A_127 : memref<128xi32, #tpu.memory_space<vmem>>) target_semaphore(%arg19 : memref<!tpu.dma_semaphore, #tpu.memory_space<semaphore_mem>>)
        %mul3A_129 = arith.constant 8 : i32
        %mul3A_130 = arith.muli %add3A_117, %mul3A_129 : i32
        %dma_start3A_131 = arith.constant 0 : i32
        %dma_start3A_132 = tpu.memref_slice %arg11[%dma_start3A_131] : memref<16xi32, #tpu.memory_space<vmem>> -> memref<8xi32, #tpu.memory_space<vmem>>
        %dma_start3A_133 = tpu.memref_slice %arg5[%mul3A_130] : memref<6256xi32, #tpu.memory_space<hbm>> -> memref<8xi32, #tpu.memory_space<hbm>>
        %dma_start3A_134 = arith.constant 0 : i32
        %dma_start3A_135 = tpu.memref_slice %arg11[%dma_start3A_134] : memref<16xi32, #tpu.memory_space<vmem>> -> memref<8xi32, #tpu.memory_space<vmem>>
        %dma_start3A_136 = tpu.memref_slice %arg5[%mul3A_130] : memref<6256xi32, #tpu.memory_space<hbm>> -> memref<8xi32, #tpu.memory_space<hbm>>
        tpu.enqueue_dma source(%dma_start3A_136 : memref<8xi32, #tpu.memory_space<hbm>>) target(%dma_start3A_135 : memref<8xi32, #tpu.memory_space<vmem>>) target_semaphore(%arg19 : memref<!tpu.dma_semaphore, #tpu.memory_space<semaphore_mem>>)
      } else {
      }
    } else {
    }
    %dma_wait3A = arith.constant 0 : i32
    %dma_wait3A_20 = arith.constant 0 : i32
    %dma_wait3A_21 = arith.constant 0 : i32
    %dma_wait3A_22 = tpu.memref_slice %arg12[%dma_wait3A, %dma_wait3A_20, %dma_wait3A_21] : memref<3x128x128xf32, #tpu.memory_space<vmem>> -> memref<1x128x128xf32, #tpu.memory_space<vmem>>
    %dma_wait3A_23 = tpu.memref_squeeze %dma_wait3A_22 : memref<1x128x128xf32, #tpu.memory_space<vmem>> -> memref<128x128xf32, #tpu.memory_space<vmem>>
    %dma_wait3A_24 = arith.constant 0 : i32
    %dma_wait3A_25 = arith.constant 0 : i32
    %dma_wait3A_26 = tpu.memref_slice %arg7[%dma_wait3A_24, %dma_wait3A_25] : memref<100000x128xf32, #tpu.memory_space<hbm>> -> memref<128x128xf32, #tpu.memory_space<hbm>>
    %dma_wait3A_27 = arith.constant 0 : i32
    %dma_wait3A_28 = arith.constant 0 : i32
    %dma_wait3A_29 = tpu.memref_slice %arg7[%dma_wait3A_27, %dma_wait3A_28] : memref<100000x128xf32, #tpu.memory_space<hbm>> -> memref<128x128xf32, #tpu.memory_space<hbm>>
    %dma_wait3A_30 = arith.constant 0 : i32
    %dma_wait3A_31 = arith.constant 0 : i32
    %dma_wait3A_32 = tpu.memref_slice %arg12[%dma_wait3A, %dma_wait3A_30, %dma_wait3A_31] : memref<3x128x128xf32, #tpu.memory_space<vmem>> -> memref<1x128x128xf32, #tpu.memory_space<vmem>>
    %dma_wait3A_33 = tpu.memref_squeeze %dma_wait3A_32 : memref<1x128x128xf32, #tpu.memory_space<vmem>> -> memref<128x128xf32, #tpu.memory_space<vmem>>
    tpu.wait_dma2 semaphore(%arg23 : memref<!tpu.dma_semaphore, #tpu.memory_space<semaphore_mem>>) src(%dma_wait3A_33 : memref<128x128xf32, #tpu.memory_space<vmem>>) dst(%dma_wait3A_29 : memref<128x128xf32, #tpu.memory_space<hbm>>)
    %dma_wait3A_34 = arith.constant 1 : i32
    %dma_wait3A_35 = arith.constant 0 : i32
    %dma_wait3A_36 = arith.constant 0 : i32
    %dma_wait3A_37 = tpu.memref_slice %arg12[%dma_wait3A_34, %dma_wait3A_35, %dma_wait3A_36] : memref<3x128x128xf32, #tpu.memory_space<vmem>> -> memref<1x128x128xf32, #tpu.memory_space<vmem>>
    %dma_wait3A_38 = tpu.memref_squeeze %dma_wait3A_37 : memref<1x128x128xf32, #tpu.memory_space<vmem>> -> memref<128x128xf32, #tpu.memory_space<vmem>>
    %dma_wait3A_39 = arith.constant 0 : i32
    %dma_wait3A_40 = arith.constant 0 : i32
    %dma_wait3A_41 = tpu.memref_slice %arg7[%dma_wait3A_39, %dma_wait3A_40] : memref<100000x128xf32, #tpu.memory_space<hbm>> -> memref<128x128xf32, #tpu.memory_space<hbm>>
    %dma_wait3A_42 = arith.constant 0 : i32
    %dma_wait3A_43 = arith.constant 0 : i32
    %dma_wait3A_44 = tpu.memref_slice %arg7[%dma_wait3A_42, %dma_wait3A_43] : memref<100000x128xf32, #tpu.memory_space<hbm>> -> memref<128x128xf32, #tpu.memory_space<hbm>>
    %dma_wait3A_45 = arith.constant 0 : i32
    %dma_wait3A_46 = arith.constant 0 : i32
    %dma_wait3A_47 = tpu.memref_slice %arg12[%dma_wait3A_34, %dma_wait3A_45, %dma_wait3A_46] : memref<3x128x128xf32, #tpu.memory_space<vmem>> -> memref<1x128x128xf32, #tpu.memory_space<vmem>>
    %dma_wait3A_48 = tpu.memref_squeeze %dma_wait3A_47 : memref<1x128x128xf32, #tpu.memory_space<vmem>> -> memref<128x128xf32, #tpu.memory_space<vmem>>
    tpu.wait_dma2 semaphore(%arg24 : memref<!tpu.dma_semaphore, #tpu.memory_space<semaphore_mem>>) src(%dma_wait3A_48 : memref<128x128xf32, #tpu.memory_space<vmem>>) dst(%dma_wait3A_44 : memref<128x128xf32, #tpu.memory_space<hbm>>)
    %dma_wait3A_49 = arith.constant 2 : i32
    %dma_wait3A_50 = arith.constant 0 : i32
    %dma_wait3A_51 = arith.constant 0 : i32
    %dma_wait3A_52 = tpu.memref_slice %arg12[%dma_wait3A_49, %dma_wait3A_50, %dma_wait3A_51] : memref<3x128x128xf32, #tpu.memory_space<vmem>> -> memref<1x128x128xf32, #tpu.memory_space<vmem>>
    %dma_wait3A_53 = tpu.memref_squeeze %dma_wait3A_52 : memref<1x128x128xf32, #tpu.memory_space<vmem>> -> memref<128x128xf32, #tpu.memory_space<vmem>>
    %dma_wait3A_54 = arith.constant 0 : i32
    %dma_wait3A_55 = arith.constant 0 : i32
    %dma_wait3A_56 = tpu.memref_slice %arg7[%dma_wait3A_54, %dma_wait3A_55] : memref<100000x128xf32, #tpu.memory_space<hbm>> -> memref<128x128xf32, #tpu.memory_space<hbm>>
    %dma_wait3A_57 = arith.constant 0 : i32
    %dma_wait3A_58 = arith.constant 0 : i32
    %dma_wait3A_59 = tpu.memref_slice %arg7[%dma_wait3A_57, %dma_wait3A_58] : memref<100000x128xf32, #tpu.memory_space<hbm>> -> memref<128x128xf32, #tpu.memory_space<hbm>>
    %dma_wait3A_60 = arith.constant 0 : i32
    %dma_wait3A_61 = arith.constant 0 : i32
    %dma_wait3A_62 = tpu.memref_slice %arg12[%dma_wait3A_49, %dma_wait3A_60, %dma_wait3A_61] : memref<3x128x128xf32, #tpu.memory_space<vmem>> -> memref<1x128x128xf32, #tpu.memory_space<vmem>>
    %dma_wait3A_63 = tpu.memref_squeeze %dma_wait3A_62 : memref<1x128x128xf32, #tpu.memory_space<vmem>> -> memref<128x128xf32, #tpu.memory_space<vmem>>
    tpu.wait_dma2 semaphore(%arg25 : memref<!tpu.dma_semaphore, #tpu.memory_space<semaphore_mem>>) src(%dma_wait3A_63 : memref<128x128xf32, #tpu.memory_space<vmem>>) dst(%dma_wait3A_59 : memref<128x128xf32, #tpu.memory_space<hbm>>)
    %eq3A_64 = arith.constant 31 : i32
    %eq3A_65 = arith.cmpi eq, %add3A, %eq3A_64 : i32
    %convert_element_type3A_66 = arith.extui %eq3A_65 : i1 to i32
    %cond3A_67 = arith.constant 0 : i32
    %cond3A_68 = arith.cmpi ne, %convert_element_type3A_66, %cond3A_67 : i32
    scf.if %cond3A_68 {
      "tpu.region"() ({
        %run_scoped3A = tpu.sem_alloc : memref<!tpu.dma_semaphore, #tpu.memory_space<semaphore_mem>>
        %dma_start3A_80 = arith.constant 99968 : i32
        %dma_start3A_81 = tpu.memref_slice %arg3[%dma_start3A_80] : memref<100000xi32, #tpu.memory_space<hbm>> -> memref<32xi32, #tpu.memory_space<hbm>>
        %dma_start3A_82 = arith.constant 99968 : i32
        %dma_start3A_83 = tpu.memref_slice %arg3[%dma_start3A_82] : memref<100000xi32, #tpu.memory_space<hbm>> -> memref<32xi32, #tpu.memory_space<hbm>>
        tpu.enqueue_dma source(%dma_start3A_83 : memref<32xi32, #tpu.memory_space<hbm>>) target(%arg14 : memref<32xi32, #tpu.memory_space<vmem>>) target_semaphore(%run_scoped3A : memref<!tpu.dma_semaphore, #tpu.memory_space<semaphore_mem>>)
        %dma_wait3A_84 = arith.constant 99968 : i32
        %dma_wait3A_85 = tpu.memref_slice %arg3[%dma_wait3A_84] : memref<100000xi32, #tpu.memory_space<hbm>> -> memref<32xi32, #tpu.memory_space<hbm>>
        %dma_wait3A_86 = arith.constant 99968 : i32
        %dma_wait3A_87 = tpu.memref_slice %arg3[%dma_wait3A_86] : memref<100000xi32, #tpu.memory_space<hbm>> -> memref<32xi32, #tpu.memory_space<hbm>>
        tpu.wait_dma2 semaphore(%run_scoped3A : memref<!tpu.dma_semaphore, #tpu.memory_space<semaphore_mem>>) src(%dma_wait3A_87 : memref<32xi32, #tpu.memory_space<hbm>>) dst(%arg14 : memref<32xi32, #tpu.memory_space<vmem>>)
        tpu.yield
      }) : () -> ()
      "tpu.region"() ({
        %run_scoped3A = tpu.sem_alloc : memref<!tpu.dma_semaphore, #tpu.memory_space<semaphore_mem>>
        %dma_start3A_80 = arith.constant 0 : i32
        %dma_start3A_81 = tpu.memref_slice %arg15[%dma_start3A_80] : memref<16xi32, #tpu.memory_space<vmem>> -> memref<8xi32, #tpu.memory_space<vmem>>
        %dma_start3A_82 = arith.constant 6248 : i32
        %dma_start3A_83 = tpu.memref_slice %arg5[%dma_start3A_82] : memref<6256xi32, #tpu.memory_space<hbm>> -> memref<8xi32, #tpu.memory_space<hbm>>
        %dma_start3A_84 = arith.constant 0 : i32
        %dma_start3A_85 = tpu.memref_slice %arg15[%dma_start3A_84] : memref<16xi32, #tpu.memory_space<vmem>> -> memref<8xi32, #tpu.memory_space<vmem>>
        %dma_start3A_86 = arith.constant 6248 : i32
        %dma_start3A_87 = tpu.memref_slice %arg5[%dma_start3A_86] : memref<6256xi32, #tpu.memory_space<hbm>> -> memref<8xi32, #tpu.memory_space<hbm>>
        tpu.enqueue_dma source(%dma_start3A_87 : memref<8xi32, #tpu.memory_space<hbm>>) target(%dma_start3A_85 : memref<8xi32, #tpu.memory_space<vmem>>) target_semaphore(%run_scoped3A : memref<!tpu.dma_semaphore, #tpu.memory_space<semaphore_mem>>)
        %dma_wait3A_88 = arith.constant 0 : i32
        %dma_wait3A_89 = tpu.memref_slice %arg15[%dma_wait3A_88] : memref<16xi32, #tpu.memory_space<vmem>> -> memref<8xi32, #tpu.memory_space<vmem>>
        %dma_wait3A_90 = arith.constant 6248 : i32
        %dma_wait3A_91 = tpu.memref_slice %arg5[%dma_wait3A_90] : memref<6256xi32, #tpu.memory_space<hbm>> -> memref<8xi32, #tpu.memory_space<hbm>>
        %dma_wait3A_92 = arith.constant 0 : i32
        %dma_wait3A_93 = tpu.memref_slice %arg15[%dma_wait3A_92] : memref<16xi32, #tpu.memory_space<vmem>> -> memref<8xi32, #tpu.memory_space<vmem>>
        %dma_wait3A_94 = arith.constant 6248 : i32
        %dma_wait3A_95 = tpu.memref_slice %arg5[%dma_wait3A_94] : memref<6256xi32, #tpu.memory_space<hbm>> -> memref<8xi32, #tpu.memory_space<hbm>>
        tpu.wait_dma2 semaphore(%run_scoped3A : memref<!tpu.dma_semaphore, #tpu.memory_space<semaphore_mem>>) src(%dma_wait3A_95 : memref<8xi32, #tpu.memory_space<hbm>>) dst(%dma_wait3A_93 : memref<8xi32, #tpu.memory_space<vmem>>)
        tpu.yield
      }) : () -> ()
      %dma_start3A = arith.constant 0 : i32
      %dma_start3A_69 = arith.constant 0 : i32
      %dma_start3A_70 = tpu.memref_slice %arg2[%dma_start3A, %dma_start3A_69] : memref<50000x128xf32, #tpu.memory_space<hbm>> -> memref<50000x128xf32, #tpu.memory_space<hbm>>
      tpu.enqueue_indirect_dma source(%dma_start3A_70 : memref<50000x128xf32, #tpu.memory_space<hbm>>) target(%arg16 : memref<32x128xf32, #tpu.memory_space<vmem>>) offsets(%arg14 : memref<32xi32, #tpu.memory_space<vmem>>) semaphore(%arg26 : memref<!tpu.dma_semaphore, #tpu.memory_space<semaphore_mem>>)
      %dma_wait3A_71 = arith.constant 0 : i32
      %dma_wait3A_72 = arith.constant 0 : i32
      %dma_wait3A_73 = tpu.memref_slice %arg2[%dma_wait3A_71, %dma_wait3A_72] : memref<50000x128xf32, #tpu.memory_space<hbm>> -> memref<50000x128xf32, #tpu.memory_space<hbm>>
      tpu.wait_indirect_dma semaphore(%arg26 : memref<!tpu.dma_semaphore, #tpu.memory_space<semaphore_mem>>) src(%dma_wait3A_73 : memref<50000x128xf32, #tpu.memory_space<hbm>>) dst(%arg16 : memref<32x128xf32, #tpu.memory_space<vmem>>)
      %get3A = arith.constant 0 : index
      %get3A_74 = tpu.vector_load %arg15[%get3A] {strides = array<i32>} : memref<16xi32, #tpu.memory_space<vmem>>, vector<16xi32>,
      %get3A_75 = vector.shape_cast %get3A_74 : vector<16xi32> to vector<16xi32>
      %slice3A = vector.extract_strided_slice %get3A_75 {offsets = [0], sizes = [1], strides = [1]} : vector<16xi32> to vector<1xi32>
      %squeeze3A = vector.extract %slice3A[0] : i32 from vector<1xi32>
      %ne3A = arith.constant 0 : i32
      %ne3A_76 = arith.cmpi ne, %squeeze3A, %ne3A : i32
      %convert_element_type3A_77 = arith.extui %ne3A_76 : i1 to i32
      %cond3A_78 = arith.constant 0 : i32
      %cond3A_79 = arith.cmpi ne, %convert_element_type3A_77, %cond3A_78 : i32
      scf.if %cond3A_79 {
        "tpu.region"() ({
          %run_scoped3A = tpu.sem_alloc : memref<!tpu.dma_semaphore, #tpu.memory_space<semaphore_mem>>
          %dma_start3A_86 = arith.constant 0 : i32
          %dma_start3A_87 = tpu.memref_slice %arg13[%dma_start3A_86] : memref<144xi32, #tpu.memory_space<vmem>> -> memref<32xi32, #tpu.memory_space<vmem>>
          %dma_start3A_88 = arith.constant 99968 : i32
          %dma_start3A_89 = tpu.memref_slice %arg4[%dma_start3A_88] : memref<100000xi32, #tpu.memory_space<hbm>> -> memref<32xi32, #tpu.memory_space<hbm>>
          %dma_start3A_90 = arith.constant 0 : i32
          %dma_start3A_91 = tpu.memref_slice %arg13[%dma_start3A_90] : memref<144xi32, #tpu.memory_space<vmem>> -> memref<32xi32, #tpu.memory_space<vmem>>
          %dma_start3A_92 = arith.constant 99968 : i32
          %dma_start3A_93 = tpu.memref_slice %arg4[%dma_start3A_92] : memref<100000xi32, #tpu.memory_space<hbm>> -> memref<32xi32, #tpu.memory_space<hbm>>
          tpu.enqueue_dma source(%dma_start3A_93 : memref<32xi32, #tpu.memory_space<hbm>>) target(%dma_start3A_91 : memref<32xi32, #tpu.memory_space<vmem>>) target_semaphore(%run_scoped3A : memref<!tpu.dma_semaphore, #tpu.memory_space<semaphore_mem>>)
          %dma_wait3A_94 = arith.constant 0 : i32
          %dma_wait3A_95 = tpu.memref_slice %arg13[%dma_wait3A_94] : memref<144xi32, #tpu.memory_space<vmem>> -> memref<32xi32, #tpu.memory_space<vmem>>
          %dma_wait3A_96 = arith.constant 99968 : i32
          %dma_wait3A_97 = tpu.memref_slice %arg4[%dma_wait3A_96] : memref<100000xi32, #tpu.memory_space<hbm>> -> memref<32xi32, #tpu.memory_space<hbm>>
          %dma_wait3A_98 = arith.constant 0 : i32
          %dma_wait3A_99 = tpu.memref_slice %arg13[%dma_wait3A_98] : memref<144xi32, #tpu.memory_space<vmem>> -> memref<32xi32, #tpu.memory_space<vmem>>
          %dma_wait3A_100 = arith.constant 99968 : i32
          %dma_wait3A_101 = tpu.memref_slice %arg4[%dma_wait3A_100] : memref<100000xi32, #tpu.memory_space<hbm>> -> memref<32xi32, #tpu.memory_space<hbm>>
          tpu.wait_dma2 semaphore(%run_scoped3A : memref<!tpu.dma_semaphore, #tpu.memory_space<semaphore_mem>>) src(%dma_wait3A_101 : memref<32xi32, #tpu.memory_space<hbm>>) dst(%dma_wait3A_99 : memref<32xi32, #tpu.memory_space<vmem>>)
          tpu.yield
        }) : () -> ()
        %scan3A_80 = arith.constant 0 : i32
        %scan3A_81 = arith.constant 0 : i32
        %scan3A_82 = arith.constant 32 : i32
        %scan3A_83 = arith.addi %scan3A_81, %scan3A_82 : i32
        %scan3A_84 = arith.constant 1 : i32
        scf.for %scan3A_86 = %scan3A_81 to %scan3A_83 step %scan3A_84  : i32 {
          %get3A_87 = arith.index_cast %scan3A_86 : i32 to index
          %get3A_88 = tpu.vector_load %arg13[%get3A_87] {strides = array<i32>} : memref<144xi32, #tpu.memory_space<vmem>>, vector<16xi32>,
          %get3A_89 = vector.shape_cast %get3A_88 : vector<16xi32> to vector<16xi32>
          %slice3A_90 = vector.extract_strided_slice %get3A_89 {offsets = [0], sizes = [1], strides = [1]} : vector<16xi32> to vector<1xi32>
          %squeeze3A_91 = vector.extract %slice3A_90[0] : i32 from vector<1xi32>
          %eq3A_92 = arith.constant 50000 : i32
          %eq3A_93 = arith.cmpi eq, %squeeze3A_91, %eq3A_92 : i32
          %convert_element_type3A_94 = arith.extui %eq3A_93 : i1 to i32
          %cond3A_95 = arith.constant 0 : i32
          %cond3A_96 = arith.cmpi ne, %convert_element_type3A_94, %cond3A_95 : i32
          scf.if %cond3A_96 {
            "tpu.region"() ({
              %run_scoped3A = tpu.sem_alloc : memref<!tpu.dma_semaphore, #tpu.memory_space<semaphore_mem>>
              %dma_start3A_97 = arith.constant 0 : i32
              %dma_start3A_98 = tpu.memref_slice %arg16[%scan3A_86, %dma_start3A_97] : memref<32x128xf32, #tpu.memory_space<vmem>> -> memref<1x128xf32, #tpu.memory_space<vmem>>
              %dma_start3A_99 = arith.constant 0 : i32
              %dma_start3A_100 = arith.constant 0 : i32
              %dma_start3A_101 = tpu.memref_slice %arg6[%dma_start3A_99, %dma_start3A_100] : memref<1x128xf32, #tpu.memory_space<hbm>> -> memref<1x128xf32, #tpu.memory_space<hbm>>
              %dma_start3A_102 = arith.constant 0 : i32
              %dma_start3A_103 = tpu.memref_slice %arg16[%scan3A_86, %dma_start3A_102] : memref<32x128xf32, #tpu.memory_space<vmem>> -> memref<1x128xf32, #tpu.memory_space<vmem>>
              %dma_start3A_104 = arith.constant 0 : i32
              %dma_start3A_105 = arith.constant 0 : i32
              %dma_start3A_106 = tpu.memref_slice %arg6[%dma_start3A_104, %dma_start3A_105] : memref<1x128xf32, #tpu.memory_space<hbm>> -> memref<1x128xf32, #tpu.memory_space<hbm>>
              tpu.enqueue_dma source(%dma_start3A_106 : memref<1x128xf32, #tpu.memory_space<hbm>>) target(%dma_start3A_103 : memref<1x128xf32, #tpu.memory_space<vmem>>) target_semaphore(%run_scoped3A : memref<!tpu.dma_semaphore, #tpu.memory_space<semaphore_mem>>)
              %dma_wait3A_107 = arith.constant 0 : i32
              %dma_wait3A_108 = tpu.memref_slice %arg16[%scan3A_86, %dma_wait3A_107] : memref<32x128xf32, #tpu.memory_space<vmem>> -> memref<1x128xf32, #tpu.memory_space<vmem>>
              %dma_wait3A_109 = arith.constant 0 : i32
              %dma_wait3A_110 = arith.constant 0 : i32
              %dma_wait3A_111 = tpu.memref_slice %arg6[%dma_wait3A_109, %dma_wait3A_110] : memref<1x128xf32, #tpu.memory_space<hbm>> -> memref<1x128xf32, #tpu.memory_space<hbm>>
              %dma_wait3A_112 = arith.constant 0 : i32
              %dma_wait3A_113 = tpu.memref_slice %arg16[%scan3A_86, %dma_wait3A_112] : memref<32x128xf32, #tpu.memory_space<vmem>> -> memref<1x128xf32, #tpu.memory_space<vmem>>
              %dma_wait3A_114 = arith.constant 0 : i32
              %dma_wait3A_115 = arith.constant 0 : i32
              %dma_wait3A_116 = tpu.memref_slice %arg6[%dma_wait3A_114, %dma_wait3A_115] : memref<1x128xf32, #tpu.memory_space<hbm>> -> memref<1x128xf32, #tpu.memory_space<hbm>>
              tpu.wait_dma2 semaphore(%run_scoped3A : memref<!tpu.dma_semaphore, #tpu.memory_space<semaphore_mem>>) src(%dma_wait3A_116 : memref<1x128xf32, #tpu.memory_space<hbm>>) dst(%dma_wait3A_113 : memref<1x128xf32, #tpu.memory_space<vmem>>)
              tpu.yield
            }) : () -> ()
          } else {
          }
        }
        %scan3A_85 = arith.constant 32 : i32
      } else {
      }
      "tpu.region"() ({
        %run_scoped3A = tpu.sem_alloc : memref<!tpu.dma_semaphore, #tpu.memory_space<semaphore_mem>>
        %dma_start3A_80 = arith.constant 99968 : i32
        %dma_start3A_81 = arith.constant 0 : i32
        %dma_start3A_82 = tpu.memref_slice %arg7[%dma_start3A_80, %dma_start3A_81] : memref<100000x128xf32, #tpu.memory_space<hbm>> -> memref<32x128xf32, #tpu.memory_space<hbm>>
        %dma_start3A_83 = arith.constant 99968 : i32
        %dma_start3A_84 = arith.constant 0 : i32
        %dma_start3A_85 = tpu.memref_slice %arg7[%dma_start3A_83, %dma_start3A_84] : memref<100000x128xf32, #tpu.memory_space<hbm>> -> memref<32x128xf32, #tpu.memory_space<hbm>>
        tpu.enqueue_dma source(%arg16 : memref<32x128xf32, #tpu.memory_space<vmem>>) target(%dma_start3A_85 : memref<32x128xf32, #tpu.memory_space<hbm>>) target_semaphore(%run_scoped3A : memref<!tpu.dma_semaphore, #tpu.memory_space<semaphore_mem>>)
        %dma_wait3A_86 = arith.constant 99968 : i32
        %dma_wait3A_87 = arith.constant 0 : i32
        %dma_wait3A_88 = tpu.memref_slice %arg7[%dma_wait3A_86, %dma_wait3A_87] : memref<100000x128xf32, #tpu.memory_space<hbm>> -> memref<32x128xf32, #tpu.memory_space<hbm>>
        %dma_wait3A_89 = arith.constant 99968 : i32
        %dma_wait3A_90 = arith.constant 0 : i32
        %dma_wait3A_91 = tpu.memref_slice %arg7[%dma_wait3A_89, %dma_wait3A_90] : memref<100000x128xf32, #tpu.memory_space<hbm>> -> memref<32x128xf32, #tpu.memory_space<hbm>>
        tpu.wait_dma2 semaphore(%run_scoped3A : memref<!tpu.dma_semaphore, #tpu.memory_space<semaphore_mem>>) src(%arg16 : memref<32x128xf32, #tpu.memory_space<vmem>>) dst(%dma_wait3A_91 : memref<32x128xf32, #tpu.memory_space<hbm>>)
        tpu.yield
      }) : () -> ()
    } else {
    }
    return
  }
}

</mosaic_0001>

<sc_bundles>
// kernel: kernel.3.cloned.1.call-start
scs
__scs_entry_jumppad:
0x0: {  	(pc) =	sbr.rel $0x88, $3  }
0x1: {  	(tag) =	ssettag $0x0;
	lr =	simm.s32 $0x1  }
0x2: {  	[smem:$0x3F9F] =	sst lr;
	_ =	strace $0xD0000000  }
0x3: {  	_ = 	snop  }
0x4: {  	_ = 	snop  }
0x5: {  	_ = 	snop  }
0x6: {  	_ = 	snop  }
0x7: {  	_ = 	snop  }
__scs_overlays_trampoline_lowered:
0x8: {  	[smem:$0x3FAE] =	sst s0  }
0x9: {  	[smem:$0x3FAF] =	sst s1  }
0xa: {  	[smem:$0x3FB0] =	sst s2  }
0xb: {  	[smem:$0x3FB1] =	sst s3  }
0xc: {  	[smem:$0x3FB2] =	sst s4  }
0xd: {  	[smem:$0x3FB3] =	sst s5  }
0xe: {  	[smem:$0x3FB4] =	sst s6  }
0xf: {  	[smem:$0x3FB5] =	sst s7  }
0x10: {  	[smem:$0x3FB6] =	sst s8  }
0x11: {  	[smem:$0x3FB7] =	sst s9;
	s0 =	simm.s32 @!p0 $0x0  }
0x12: {  	s1 =	sld [smem:$0x3F9D];
	s0 =	simm.s32 @p0 $0x1  }
0x13: {  	[smem:$0x3FB8] =	sst s0;
	s0 =	simm.s32 @!p1 $0x0  }
0x14: {  	s2 =	sld [smem:$0x3F9C];
	s0 =	simm.s32 @p1 $0x1  }
0x15: {  	[smem:$0x3FB9] =	sst s0;
	s0 =	simm.s32 @!p2 $0x0  }
0x16: {  	s3 =	sld [smem:$0x3FDB];
	s0 =	simm.s32 @p2 $0x1  }
0x17: {  	s4 =	simm.s32 $0x1BF5;
	[smem:$0x3FBB] =	sst s0  }
0x18: {  	s0 =	sld [smem:$0x3F9E];
	_ =	swait.ge [sflag:s4], $0x0  }
0x19: {  	s7 =	sld [smem:$0x3F9F]  }
0x1a: {  	s8 =	sadd.s32 $0xFFFFE003, lr  }
0x1b: {  	s9 =	sadd.s32 $0xFFFFFEF7, lr;
	s5 =	simm.s32 $0xFFFFFFFF;
	p2 =	slt.u32 s8, $0xFFFFF086  }
0x1c: {  	p1 =	slt.u32 s9, $0xF7A;
	s5 =	simm.s32 @!p2 $0x0  }
0x1d: {  	s5 =	simm.s32 @p1 $0x1;
	p0 =	seq.s32 s7, s2  }
0x1e: {  	s7 =	smul.u32 @!p0 $0xF7A, s2;
	p2 =	seq.s32 @!p0 s5, $0x0  }
0x1f: {  	s9 =	smul.u32 $0xF7A, s1;
	s8 =	simm.s32 @!p0 $0x1BF5;
	p2 =	por !p2, p0  }
0x20: {  	[sflag:s8] =	ssyncset.s32 @!p0 $0xFFFFF086;
	s6 =	sadd.s32 @!p0 s3, s7;
	s7 =	simm.s32 @!p0 $0x108  }
0x21: {  	s3 =	sadd.s32 s3, s9;
	s6 =	sadd.s32 @!p0 $0x88, s6;
	s7 =	simm.s32 @p2 $0x1082  }
0x22: {  	[simem:s7], [sflag:s8] =	dma.local @!p0 [hbm:s6], $0xF7A  }
0x23: {  	s9 =	sor.u32 $0xD0000000, s2;
	s6 =	simm.s32 $0x108;
	_ =	swait.ge @!p0 [sflag:s8], $0x0  }
0x24: {  	s3 =	sadd.s32 $0x88, s3;
	s6 =	simm.s32 @!p1 $0x1082;
	[sflag:s4] =	ssyncset.s32 $0xFFFFF086  }
0x25: {  	[simem:s6], [sflag:s4] =	dma.local [hbm:s3], $0xF7A  }
0x26: {  	[smem:$0x3F9F] =	sst s1;
	(tag) =	ssettag s2;
	_ =	strace s9  }
0x27: {  	s1 =	sld [smem:$0x3FAF]  }
0x28: {  	s2 =	sld [smem:$0x3FB0]  }
0x29: {  	s4 =	sld [smem:$0x3FB2]  }
0x2a: {  	p0 =	seq.s32 s5, $0x0;
	s5 =	sld [smem:$0x3FB3]  }
0x2b: {  	s6 =	sld [smem:$0x3FB4]  }
0x2c: {  	s7 =	sld [smem:$0x3FB5]  }
0x2d: {  	s3 =	simm.s32 $0x108;
	s8 =	sld [smem:$0x3FB6]  }
0x2e: {  	s3 =	simm.s32 @!p0 $0x1082;
	s9 =	sld [smem:$0x3FB7]  }
0x2f: {  	lr =	sadd.s32 s0, s3;
	s0 =	sld [smem:$0x3FAE]  }
0x30: {  	s3 =	sld [smem:$0x3FB1]  }
0x31: {  	[smem:$0x3FBA] =	sst s10  }
0x32: {  	s10 =	sld [smem:$0x3FB8];
	_ =	sdelay $0x3  }
0x33: {  	p0 =	seq.s32 s10, $0x1;
	s10 =	sld [smem:$0x3FBA];
	_ =	sdelay $0x3  }
0x34: {  	[smem:$0x3FBA] =	sst s10  }
0x35: {  	s10 =	sld [smem:$0x3FB9];
	_ =	sdelay $0x3  }
0x36: {  	p1 =	seq.s32 s10, $0x1;
	s10 =	sld [smem:$0x3FBA];
	_ =	sdelay $0x3  }
0x37: {  	[smem:$0x3FBA] =	sst s10  }
0x38: {  	s10 =	sld [smem:$0x3FBB]  }
0x39: {  	_ = 	snop;
	(pc) =	sbr.ind lr, $3  }
0x3a: {  	_ = 	snop  }
0x3b: {  	_ = 	snop  }
0x3c: {  	p2 =	seq.s32 s10, $0x1;
	s10 =	sld [smem:$0x3FBA]  }
0x3d: {  	_ =	shalt  }
0x3e: {  	_ =	shalt  }
0x3f: {  	_ =	shalt  }
0x40: {  	_ =	shalt  }
0x41: {  	_ =	shalt  }
0x42: {  	_ =	shalt  }
0x43: {  	_ =	shalt  }
0x44: {  	_ =	shalt  }
0x45: {  	_ =	shalt  }
0x46: {  	_ =	shalt  }
0x47: {  	_ =	shalt  }
0x48: {  	_ =	shalt  }
0x49: {  	_ =	shalt  }
0x4a: {  	_ =	shalt  }
0x4b: {  	_ =	shalt  }
0x4c: {  	_ =	shalt  }
0x4d: {  	_ =	shalt  }
0x4e: {  	_ =	shalt  }
0x4f: {  	_ =	shalt  }
0x50: {  	_ =	shalt  }
0x51: {  	_ =	shalt  }
0x52: {  	_ =	shalt  }
0x53: {  	_ =	shalt  }
0x54: {  	_ =	shalt  }
0x55: {  	_ =	shalt  }
0x56: {  	_ =	shalt  }
0x57: {  	_ =	shalt  }
0x58: {  	_ =	shalt  }
0x59: {  	_ =	shalt  }
0x5a: {  	_ =	shalt  }
0x5b: {  	_ =	shalt  }
0x5c: {  	_ =	shalt  }
0x5d: {  	_ =	shalt  }
0x5e: {  	_ =	shalt  }
0x5f: {  	_ =	shalt  }
0x60: {  	_ =	shalt  }
0x61: {  	_ =	shalt  }
0x62: {  	_ =	shalt  }
0x63: {  	_ =	shalt  }
0x64: {  	_ =	shalt  }
0x65: {  	_ =	shalt  }
0x66: {  	_ =	shalt  }
0x67: {  	_ =	shalt  }
0x68: {  	_ =	shalt  }
0x69: {  	_ =	shalt  }
0x6a: {  	_ =	shalt  }
0x6b: {  	_ =	shalt  }
0x6c: {  	_ =	shalt  }
0x6d: {  	_ =	shalt  }
0x6e: {  	_ =	shalt  }
0x6f: {  	_ =	shalt  }
0x70: {  	_ =	shalt  }
0x71: {  	_ =	shalt  }
0x72: {  	_ =	shalt  }
0x73: {  	_ =	shalt  }
0x74: {  	_ =	shalt  }
0x75: {  	_ =	shalt  }
0x76: {  	_ =	shalt  }
0x77: {  	_ =	shalt  }
0x78: {  	_ =	shalt  }
0x79: {  	_ =	shalt  }
0x7a: {  	_ =	shalt  }
0x7b: {  	_ =	shalt  }
0x7c: {  	_ =	shalt  }
0x7d: {  	_ =	shalt  }
0x7e: {  	_ =	shalt  }
0x7f: {  	_ =	shalt  }
0x80: {  	_ =	shalt  }
0x81: {  	_ =	shalt  }
0x82: {  	_ =	shalt  }
0x83: {  	_ =	shalt  }
0x84: {  	_ =	shalt  }
0x85: {  	_ =	shalt  }
0x86: {  	_ =	shalt  }
0x87: {  	_ =	shalt  }
.Lfunc_end0:
.L_simem_size_0:
called_computation_lowered:
.L_overlay_start_0:
0x88: {  	s2 =	sld [smem:$0x3FD9]  }
0x89: {  	s3 =	sld [smem:$0x3FFE];
	_ =	sdelay $0x1  }
0x8a: {  	s1 =	srdreg.scid  }
0x8b: {  	s0 =	sand.u32 $0x1, s1  }
0x8c: {  	s17 =	sshll.u32 s0, $0xA;
	s2 =	sadd.s32 s3, s2  }
0x8d: {  	s2 =	sadd.s32 s2, s17  }
0x8e: {  	[smem:$0x3FC6] =	sst s2  }
0x8f: {  	_ = 	snop  }
0x90: {  	s2 =	sld [smem:$0x3FC9]  }
0x91: {  	s18 =	sld [smem:$0x3FD0];
	(tm) =	ssettm $0x1  }
0x92: {  	s4 =	sld [smem:$0x3FFB];
	_ =	sdelay $0x3  }
0x93: {  	_ =	strace s4  }
0x94: {  	s4 =	sld [smem:$0x3FFC];
	_ =	sdelay $0x3  }
0x95: {  	_ =	strace s4  }
0x96: {  	s4 =	sld [smem:$0x3FFD];
	_ =	sdelay $0x3  }
0x97: {  	_ =	strace s4  }
0x98: {  	_ =	strace $0x8FFFFFFF  }
0x99: {  	s19 =	sld [smem:$0x3FDB];
	_ =	sdelay $0x1  }
0x9a: {  	s5 =	simm.s32 $_scs_section_size  }
0x9b: {  	s6 =	simm.s32 $_size__tile_overlayer_lowered;
	s7 =	simm.s32 $_tile_overlayer_lowered  }
0x9c: {  	s22 =	simm.s32 $0x1BFF;
	s21 =	sshll.u32 s7, $0x1;
	s4 =	sadd.s32 s5, s19  }
0x9d: {  	s8 =	simm.s32 $0x0;
	s20 =	sshll.u32 s6, $0x1;
	s6 =	sadd.s32 s21, s4  }
0x9e: {  	[timem:s8], [sflag:s22] =	dma.local [hbm:s6], s20  }
0x9f: {  	_ =	swait.ge [sflag:s22], s20  }
0xa0: {  	s5 =	ssub.s32 $0x0, s20;
	[sflag:s22] =	ssyncset.done $0x0  }
0xa1: {  	[sflag:s22] =	ssyncadd.s32 s5;
	_ =	sdelay $0x1  }
0xa2: {  	s23 =	simm.s32 $0x1B8B  }
0xa3: {  	_ =	swait.ge [sflag:s23], $0x1  }
0xa4: {  	[sflag:s23] =	ssyncset.done $0x0  }
0xa5: {  	s25 =	simm.s32 $0x1B8E;
	s24 =	sld [smem:$0x3FFE];
	[sflag:s23] =	ssyncadd.s32 $0xFFFFFFFF  }
0xa6: {  	s26 =	simm.s32 $execute0_lowered;
	[smem:$0x3FD2] =	sst s25  }
0xa7: {  	s6 =	sshll.u32 s26, $0x1;
	_ =	strace $0x80000046;
	[dreg:$0x1] =	wrdreg $0xFFFFFFFF  }
0xa8: {  	s28 =	simm.s32 $_size_execute0_lowered;
	s4 =	sadd.s32 s4, s6;
	[dreg:$0x0] =	wrdreg $0x0  }
0xa9: {  	s6 =	sshll.u32 s28, $0x1;
	[dreg:$0x2] =	wrdreg s4  }
0xaa: {  	[dreg:$0x3] =	wrdreg s6  }
0xab: {  	[dreg:$0x4] =	wrdreg $0xC0  }
0xac: {  	_ =	task [dreg:s8], $0x5FFFF  }
0xad: {  	[dreg:$0x1] =	wrdreg $0xFFFFFFFF  }
0xae: {  	[dreg:$0x0] =	wrdreg $0x60  }
0xaf: {  	[dreg:$0x2] =	wrdreg s2  }
0xb0: {  	[dreg:$0x3] =	wrdreg s24  }
0xb1: {  	[dreg:$0x4] =	wrdreg s18  }
0xb2: {  	[dreg:$0x5] =	wrdreg $0x9  }
0xb3: {  	_ =	task.clear_ibuf [dreg:s8], $0x6FFFF;
	_ =	strace $0x90000046  }
0xb4: {  	s29 =	simm.s32 $0x9;
	_ =	strace $0x80000048  }
0xb5: {  	_ =	swait.ge [sflag:s29], $0x1  }
0xb6: {  	[sflag:s29] =	ssyncadd.s32 $0xFFFFFFFF  }
0xb7: {  	_ =	strace $0x90000048  }
0xb8: {  	_ =	sfence  }
0xb9: {  	s30 =	sld [smem:$0x0];
	_ =	sdelay $0x2  }
0xba: {  	s31 =	sshll.u32 s1, $0xD;
	s1 =	sshrl.u32 s1, $0x2  }
0xbb: {  	s3 =	sand.u32 $0x4000, s31;
	s1 =	sadd.s32 s1, s30  }
0xbc: {  	s0 =	sor.u32 s3, s0;
	s1 =	sshll.u32 s1, $0x11  }
0xbd: {  	s0 =	sor.u32 s1, s0  }
0xbe: {  	s0 =	sadd.s32 $0x8F2B, s0  }
0xbf: {  	[sflag:s0] =	ssyncadd.remote.s32 $0x1  }
0xc0: {  	_ =	sfence.sel $0xFFFF  }
0xc1: {  	[dreg:$0x0] =	wrdreg $0xFFFFFFFF;
	(pc) =	sbr.abs _section_cstart, $3  }
0xc2: {  	[dreg:$0x1] =	wrdreg $0xFFFFFFFF  }
0xc3: {  	_ =	task.clear_ibuf [dreg:s8], $0x2FFFF;
	_ =	strace $0x9FFFFFFF  }
0xc4: {  	(tm) =	ssettm $0x7FFFFFFF  }
0xc5: {  	_ =	shalt  }
tec
execute0_lowered:
.L_overlay_start_1:
0x0: {  	(tag) =	ssettag $0x1  }
0x1: {  	s1 =	rddreg [dreg:$0x0]  }
0x2: {  	s2 =	rddreg [dreg:$0x1]  }
0x3: {  	s3 =	rddreg [dreg:$0x2];
	s4 =	simm.s32 $0x0  }
0x4: {  	s0 =	srdreg.scid;
	s5 =	stileid.u32;
	s10 =	simm.s32 $0x18  }
0x5: {  	s30 =	simm.s32 $0x80;
	s28 =	simm.s32 $0x3;
	s29 =	simm.s32 $0xC380  }
0x6: {  	s31 =	simm.s32 $0xB;
	[smem:$0x7FF] =	sst s4;
	s6 =	sadd.s32 $0x3200, s2  }
0x7: {  	s7 =	sadd.s32 $0x6400, s2;
	s0 =	sand.u32 $0x1, s0;
	s5 =	sshll.u32 s5, $0x1  }
0x8: {  	s8 =	sadd.s32 $0x6800, s2;
	s11 =	ssub.s32 $0x2, s0;
	s9 =	sor.u32 s0, s5  }
0x9: {  	_ =	strace $0x80000047;
	s22 =	sshrl.u32 s11, $0x1;
	p0 =	sgt.u32 s9, $0xC  }
0xa: {  	s5 =	sshll.u32 s9, $0x4;
	s23 =	sor.u32 $0x1FFFFE0, s9;
	s24 =	sor.u32 $0x20, s9  }
0xb: {  	s25 =	sadd.s32 s7, s9;
	s13 =	sor.u32 $0x40, s9;
	s14 =	sshll.u32 s9, $0x7  }
0xc: {  	p1 =	sne.s32 s9, $0x1F;
	s0 =	ssub.s32 s11, s22;
	[dreg:$0x4] =	wrdreg s23  }
0xd: {  	s10 =	simm.s32 @!p0 $0x19;
	s5 =	sadd.s32 s6, s5;
	[dreg:$0x6] =	wrdreg s25  }
0xe: {  	s12 =	sshll.u32 s24, $0x4;
	s11 =	sshll.u32 s13, $0x4;
	s15 =	sor.u32 $0x17000, s14  }
0xf: {  	s16 =	sadd.s32 s7, s13;
	s18 =	sor.u32 $0x1000, s14;
	[dreg:$0x5] =	wrdreg s5  }
0x10: {  	s20 =	sor.u32 $0x18000, s14;
	s23 =	sadd.s32 $0x62D0, s2;
	[dreg:$0xa] =	wrdreg s16  }
0x11: {  	s25 =	sadd.s32 $0x30D0, s2;
	s26 =	sadd.s32 s6, s12;
	[dreg:$0xf] =	wrdreg s23  }
0x12: {  	s5 =	sadd.s32 s7, s24;
	s12 =	sadd.s32 s6, s11;
	[dreg:$0x12] =	wrdreg s25  }
0x13: {  	s17 =	sshrl.u32 s15, $0x3;
	s21 =	sshrl.u32 s20, $0x3;
	[dreg:$0x7] =	wrdreg s26  }
0x14: {  	s24 =	sadd.s32 $0x670D, s2;
	s0 =	smax.u32 s0, $0x1;
	[dreg:$0x8] =	wrdreg s5  }
0x15: {  	s23 =	simm.s32 $0x4380;
	s25 =	simm.s32 $0x6;
	[dreg:$0x9] =	wrdreg s12  }
0x16: {  	s19 =	sadd.s32 s2, s17;
	s5 =	sshll.u32 s15, $0x4;
	[dreg:$0x10] =	wrdreg s24  }
0x17: {  	s12 =	sshll.u32 s20, $0x4;
	[dreg:$0x11] =	wrdreg s0;
	s26 =	sadd.s32 $0x186800, s3  }
0x18: {  	s0 =	simm.s32 $0x100;
	s24 =	simm.s32 $0x4;
	s20 =	simm.s32 $0x5  }
.Ltmp0:
0x19: {  	s15 =	simm.s32 $0x0;
	[dreg:$0xb] =	wrdreg s19;
	(pc) =	sbr.rel .LBB2_1-.Ltmp0, $4  }
0x1a: {  	s5 =	sadd.s32 s3, s5;
	s22 =	sadd.s32 s3, s12;
	[dreg:$0x13] =	wrdreg s26  }
0x1b: {  	s26 =	simm.s32 $0x380;
	s19 =	simm.s32 $0x8380;
	[dreg:$0xc] =	wrdreg s5  }
0x1c: {  	s12 =	simm.s32 $0x7;
	s5 =	sadd.s32 s2, s21;
	[dreg:$0xe] =	wrdreg s22  }
0x1d: {  	s21 =	simm.s32 $0x1;
	s22 =	simm.s32 $0x2;
	[dreg:$0xd] =	wrdreg s5  }
.LBB2_38:
0x1e: {  	s5 =	rddreg [dreg:$0x13];
	s11 =	simm.s32 $0xC580  }
0x1f: {  	[hbm4b:s5+s4] =	stream.linear.scatter [tilespmem:s11], [sflag:$0xB], $0x1000, $0x38;
	[tilespmem:$0xD580] =	vst v63  }
0x20: {  	_ =	swait.ge [sflag:s31], $0x1000  }
0x21: {  	[sflag:s31] =	ssyncset.done $0x0  }
0x22: {  	[sflag:s31] =	ssyncadd.s32 $0xFFFFF000  }
.LBB2_39:
0x23: {  	s15 =	sadd.s32 $0x1, s15;
	s5 =	rddreg [dreg:$0x11]  }
0x24: {  	p2 =	sne.s32 s15, s5  }
.Ltmp1:
0x25: {  	_ = 	snop;
	(pc) =	sbr.rel @!p2 .LBB2_40-.Ltmp1, $1  }
0x26: {  	_ =	sdelay $0x3  }
.LBB2_1:
.Ltmp2:
0x27: {  	(pc) =	sbr.rel .LBB2_2-.Ltmp2, $2  }
0x28: {  	_ =	sdelay $0x2  }
0x29: {  	[dreg:$0x14] =	wrdreg s15;
	s13 =	simm.s32 $0x0  }
.LBB2_17:
0x2a: {  	s5 =	sshll.u32 s15, $0x4  }
0x2b: {  	s5 =	sadd.s32 s3, s5  }
0x2c: {  	[hbm4b:s5+s4] =	stream.linear.scatter [tilespmem:s23], [sflag:$0x8], $0x4000, $0x38;
	[tilespmem:$0xD580] =	vst v63  }
0x2d: {  	s5 =	sadd.s32 $0x4, s14  }
0x2e: {  	p2 =	sge.u32 s5, s10  }
0x2f: {  	s5 =	sshll.u32 @!p2 s5, $0x5  }
0x30: {  	s5 =	sor.u32 @!p2 s9, s5  }
0x31: {  	s11 =	sshll.u32 @!p2 s5, $0x4  }
0x32: {  	s11 =	sand.u32 @!p2 $0x1FFFFFF0, s11  }
0x33: {  	s14 =	simm.s32 @!p2 $0x0;
	s15 =	simm.s32 @!p2 $0x80;
	s11 =	sadd.s32 @!p2 s6, s11  }
0x34: {  	[tilespmem:s15], [sflag:$0x2] =	stream.linear.gather @!p2 [hbm4b:s11+s14], $0x80, $0x38;
	[tilespmem:$0xD580] =	vst v63  }
0x35: {  	s13 =	sadd.s32 $0x1, s13;
	s5 =	sadd.s32 @!p2 s7, s5;
	s11 =	simm.s32 @!p2 $0x280  }
0x36: {  	[tilespmem:s11], [sflag:$0x2] =	stream.linear.gather @!p2 [hbm4b:s5+s14], $0x8, $0x38;
	[tilespmem:$0xD580] =	vst v63  }
0x37: {  	p2 =	sne.s32 s13, $0x8  }
.Ltmp3:
0x38: {  	_ = 	snop;
	(pc) =	sbr.rel @!p2 .LBB2_18-.Ltmp3, $1  }
0x39: {  	_ =	sdelay $0x3  }
.LBB2_2:
0x3a: {  	p2 =	sne.s32 s13, $0x0  }
.Ltmp4:
0x3b: {  	_ = 	snop;
	(pc) =	sbr.rel @!p2 .LBB2_3-.Ltmp4, $1  }
0x3c: {  	_ =	sdelay $0x3  }
0x3d: {  	_ =	swait.ge [sflag:s21], $0x80  }
0x3e: {  	[sflag:s21] =	ssyncset.done $0x0  }
0x3f: {  	[sflag:s21] =	ssyncadd.s32 $0xFFFFFF80  }
0x40: {  	_ =	swait.ge [sflag:s21], $0x8  }
0x41: {  	[sflag:s21] =	ssyncset.done $0x0  }
0x42: {  	[sflag:s21] =	ssyncadd.s32 $0xFFFFFFF8  }
0x43: {  	_ =	swait.ge [sflag:s12], $0x4000  }
0x44: {  	[sflag:s12] =	ssyncset.done $0x0  }
0x45: {  	[sflag:s12] =	ssyncadd.s32 $0xFFFFC000  }
0x46: {  	[tilespmem:s26], [sflag:$0x4] =	stream.indirect.gather [hbm4b:s1+s30], $0x80, s4, s30, $0xb8;
	[tilespmem:$0xD580] =	vst v63  }
0x47: {  	_ =	swait.ge [sflag:s25], $0x4000  }
0x48: {  	[sflag:s25] =	ssyncset.done $0x0  }
0x49: {  	[sflag:s25] =	ssyncadd.s32 $0xFFFFC000  }
0x4a: {  	v0 =	vld [tilespmem:$0x300];
	_ =	sdelay $0x4  }
0x4b: {  	(v2sf) =	vpush v0, $0x0;
	_ =	sdelay $0xe  }
0x4c: {  	s5 =	spop (v2sf)  }
0x4d: {  	p2 =	seq.s32 s5, $0x0  }
.Ltmp5:
0x4e: {  	_ = 	snop;
	(pc) =	sbr.rel @p2 .LBB2_8-.Ltmp5, $4  }
0x4f: {  	_ = 	snop  }
0x50: {  	s14 =	smul.u32 $0x60, s13  }
0x51: {  	s17 =	rddreg [dreg:$0x4]  }
0x52: {  	s15 =	sadd.s32 s17, s14  }
0x53: {  	s5 =	sshll.u32 s15, $0x4  }
0x54: {  	s5 =	sand.u32 $0x1FFFFFF0, s5  }
0x55: {  	s16 =	simm.s32 $0x0;
	s5 =	sadd.s32 s2, s5  }
0x56: {  	[tilespmem:s29], [sflag:$0xB] =	stream.linear.gather [hbm4b:s5+s16], $0x80, $0x38;
	[tilespmem:$0xD580] =	vst v63  }
0x57: {  	_ =	swait.ge [sflag:s31], $0x80  }
0x58: {  	[sflag:s31] =	ssyncset.done $0x0  }
0x59: {  	s16 =	simm.s32 $0x0;
	[sflag:s31] =	ssyncadd.s32 $0xFFFFFF80  }
0x5a: {  	v0 =	vld [tilespmem:s16+$0xC380];
	_ =	sdelay $0x4  }
0x5b: {  	(v2sf) =	vpush v0, $0x0;
	_ =	sdelay $0xe  }
0x5c: {  	s17 =	spop (v2sf)  }
0x5d: {  	p3 =	sne.s32 s17, $0xC350  }
0x5e: {  	s16 =	simm.s32 $0x8380;
	s17 =	simm.s32 @!p3 $0x0;
	s5 =	simm.s32 @!p3 $0xB  }
0x5f: {  	[tilespmem:s16], [sflag:$0xB] =	stream.linear.gather @!p3 [hbm4b:s8+s17], $0x80, $0x38;
	[tilespmem:$0xD580] =	vst v63  }
0x60: {  	_ =	swait.ge @!p3 [sflag:s5], $0x80  }
0x61: {  	s17 =	simm.s32 $0x4;
	[sflag:s5] =	ssyncset.done @!p3 $0x0  }
.LBB2_6:
0x62: {  	s11 =	sshra.s32 s17, $0x2;
	[sflag:s5] =	ssyncadd.s32 @!p3 $0xFFFFFF80  }
0x63: {  	s17 =	sadd.s32 $0x4, s17;
	v0 =	vld [tilespmem:s11+$0xC380]  }
0x64: {  	p2 =	sne.s32 s17, $0x200;
	_ =	sdelay $0x3  }
0x65: {  	(v2sf) =	vpush v0, $0x0;
	_ =	sdelay $0xe  }
0x66: {  	s5 =	spop (v2sf)  }
.Ltmp6:
0x67: {  	p3 =	sne.s32 s5, $0xC350;
	(pc) =	sbr.rel @p2 .LBB2_6-.Ltmp6, $4  }
0x68: {  	s16 =	sadd.s32 $0x80, s16;
	s11 =	simm.s32 @!p3 $0x0;
	s5 =	simm.s32 @!p3 $0xB  }
0x69: {  	[tilespmem:s16], [sflag:$0xB] =	stream.linear.gather @!p3 [hbm4b:s8+s11], $0x80, $0x38;
	[tilespmem:$0xD580] =	vst v63  }
0x6a: {  	_ =	swait.ge @!p3 [sflag:s5], $0x80  }
0x6b: {  	[sflag:s5] =	ssyncset.done @!p3 $0x0  }
0x6c: {  	[sflag:s5] =	ssyncadd.s32 @!p3 $0xFFFFFF80  }
.LBB2_8:
0x6d: {  	s5 =	sshll.u32 s15, $0xB  }
0x6e: {  	s5 =	sand.u32 $0x1FFFF800, s5  }
0x6f: {  	s16 =	sadd.s32 s9, s14;
	s5 =	sadd.s32 s3, s5  }
0x70: {  	[hbm4b:s5+s4] =	stream.linear.scatter [tilespmem:s19], [sflag:$0x9], $0x4000, $0x38;
	[tilespmem:$0xD580] =	vst v63  }
0x71: {  	s5 =	sadd.s32 $0x40, s16  }
0x72: {  	s11 =	sshll.u32 s5, $0x4  }
.Ltmp7:
0x73: {  	s11 =	sand.u32 $0x1FFFFFF0, s11;
	(pc) =	sbr.rel .LBB2_9-.Ltmp7, $4  }
0x74: {  	s11 =	sadd.s32 s6, s11  }
0x75: {  	[tilespmem:s0], [sflag:$0x3] =	stream.linear.gather [hbm4b:s11+s4], $0x80, $0x38;
	[tilespmem:$0xD580] =	vst v63  }
0x76: {  	s17 =	simm.s32 $0x300;
	s5 =	sadd.s32 s7, s5  }
0x77: {  	[tilespmem:s17], [sflag:$0x3] =	stream.linear.gather [hbm4b:s5+s4], $0x8, $0x38;
	[tilespmem:$0xD580] =	vst v63  }
.LBB2_3:
0x78: {  	s5 =	rddreg [dreg:$0x5]  }
0x79: {  	[tilespmem:s4], [sflag:$0x1] =	stream.linear.gather [hbm4b:s5+s4], $0x80, $0x38;
	[tilespmem:$0xD580] =	vst v63  }
0x7a: {  	s16 =	rddreg [dreg:$0x6];
	s11 =	simm.s32 $0x200  }
0x7b: {  	[tilespmem:s11], [sflag:$0x1] =	stream.linear.gather [hbm4b:s16+s4], $0x8, $0x38;
	[tilespmem:$0xD580] =	vst v63  }
0x7c: {  	s17 =	rddreg [dreg:$0x7]  }
0x7d: {  	[tilespmem:s30], [sflag:$0x2] =	stream.linear.gather [hbm4b:s17+s4], $0x80, $0x38;
	[tilespmem:$0xD580] =	vst v63  }
0x7e: {  	s14 =	simm.s32 $0x280;
	s11 =	rddreg [dreg:$0x8]  }
0x7f: {  	[tilespmem:s14], [sflag:$0x2] =	stream.linear.gather [hbm4b:s11+s4], $0x8, $0x38;
	[tilespmem:$0xD580] =	vst v63  }
0x80: {  	s15 =	rddreg [dreg:$0x9]  }
0x81: {  	[tilespmem:s0], [sflag:$0x3] =	stream.linear.gather [hbm4b:s15+s4], $0x80, $0x38;
	[tilespmem:$0xD580] =	vst v63  }
0x82: {  	s16 =	rddreg [dreg:$0xa];
	s17 =	simm.s32 $0x300  }
0x83: {  	[tilespmem:s17], [sflag:$0x3] =	stream.linear.gather [hbm4b:s16+s4], $0x8, $0x38;
	[tilespmem:$0xD580] =	vst v63  }
0x84: {  	_ =	swait.ge [sflag:s21], $0x80  }
0x85: {  	[sflag:s21] =	ssyncset.done $0x0  }
0x86: {  	[sflag:s21] =	ssyncadd.s32 $0xFFFFFF80  }
0x87: {  	_ =	swait.ge [sflag:s21], $0x8  }
0x88: {  	[sflag:s21] =	ssyncset.done $0x0  }
0x89: {  	[sflag:s21] =	ssyncadd.s32 $0xFFFFFFF8  }
0x8a: {  	[tilespmem:s26], [sflag:$0x4] =	stream.indirect.gather [hbm4b:s1+s30], $0x80, s4, s30, $0xb8;
	[tilespmem:$0xD580] =	vst v63  }
.LBB2_9:
0x8b: {  	_ =	swait.ge [sflag:s22], $0x80  }
0x8c: {  	[sflag:s22] =	ssyncset.done $0x0  }
0x8d: {  	[sflag:s22] =	ssyncadd.s32 $0xFFFFFF80  }
0x8e: {  	_ =	swait.ge [sflag:s22], $0x8  }
0x8f: {  	p2 =	seq.s32 s13, $0x0;
	[sflag:s22] =	ssyncset.done $0x0  }
0x90: {  	s5 =	simm.s32 @!p2 $0x8;
	[sflag:s22] =	ssyncadd.s32 $0xFFFFFFF8  }
0x91: {  	_ =	swait.ge @!p2 [sflag:s5], $0x4000  }
0x92: {  	[sflag:s5] =	ssyncset.done @!p2 $0x0  }
0x93: {  	[sflag:s5] =	ssyncadd.s32 @!p2 $0xFFFFC000  }
0x94: {  	[tilespmem:s23], [sflag:$0x5] =	stream.indirect.gather [hbm4b:s1+s30], $0x80, s30, s30, $0xb8;
	[tilespmem:$0xD580] =	vst v63  }
0x95: {  	_ =	swait.ge [sflag:s24], $0x4000  }
0x96: {  	[sflag:s24] =	ssyncset.done $0x0  }
0x97: {  	[sflag:s24] =	ssyncadd.s32 $0xFFFFC000  }
0x98: {  	v0 =	vld [tilespmem:$0x200];
	_ =	sdelay $0x4  }
0x99: {  	(v2sf) =	vpush v0, $0x0;
	_ =	sdelay $0xe  }
0x9a: {  	s11 =	spop (v2sf)  }
0x9b: {  	p3 =	seq.s32 s11, $0x0  }
.Ltmp8:
0x9c: {  	_ = 	snop;
	(pc) =	sbr.rel @p3 .LBB2_13-.Ltmp8, $3  }
0x9d: {  	_ = 	snop  }
0x9e: {  	s17 =	smul.u32 $0x60, s13;
	_ =	sdelay $0x1  }
0x9f: {  	s14 =	sor.u32 s9, s17  }
0xa0: {  	s5 =	sshll.u32 s14, $0x4  }
0xa1: {  	s11 =	simm.s32 $0x0;
	s5 =	sadd.s32 s2, s5  }
0xa2: {  	[tilespmem:s29], [sflag:$0xB] =	stream.linear.gather [hbm4b:s5+s11], $0x80, $0x38;
	[tilespmem:$0xD580] =	vst v63  }
0xa3: {  	_ =	swait.ge [sflag:s31], $0x80  }
0xa4: {  	[sflag:s31] =	ssyncset.done $0x0  }
0xa5: {  	s16 =	simm.s32 $0x0;
	[sflag:s31] =	ssyncadd.s32 $0xFFFFFF80  }
0xa6: {  	v0 =	vld [tilespmem:s16+$0xC380];
	_ =	sdelay $0x4  }
0xa7: {  	(v2sf) =	vpush v0, $0x0;
	_ =	sdelay $0xe  }
0xa8: {  	s17 =	spop (v2sf)  }
0xa9: {  	p4 =	sne.s32 s17, $0xC350  }
0xaa: {  	s15 =	simm.s32 $0x380;
	s11 =	simm.s32 @!p4 $0x0;
	s5 =	simm.s32 @!p4 $0xB  }
0xab: {  	[tilespmem:s15], [sflag:$0xB] =	stream.linear.gather @!p4 [hbm4b:s8+s11], $0x80, $0x38;
	[tilespmem:$0xD580] =	vst v63  }
0xac: {  	_ =	swait.ge @!p4 [sflag:s5], $0x80  }
0xad: {  	s16 =	simm.s32 $0x4;
	[sflag:s5] =	ssyncset.done @!p4 $0x0  }
.LBB2_11:
0xae: {  	s11 =	sshra.s32 s16, $0x2;
	[sflag:s5] =	ssyncadd.s32 @!p4 $0xFFFFFF80  }
0xaf: {  	s16 =	sadd.s32 $0x4, s16;
	v0 =	vld [tilespmem:s11+$0xC380]  }
0xb0: {  	p3 =	sne.s32 s16, $0x200;
	_ =	sdelay $0x3  }
0xb1: {  	(v2sf) =	vpush v0, $0x0;
	_ =	sdelay $0xe  }
0xb2: {  	s5 =	spop (v2sf)  }
.Ltmp9:
0xb3: {  	p4 =	sne.s32 s5, $0xC350;
	(pc) =	sbr.rel @p3 .LBB2_11-.Ltmp9, $4  }
0xb4: {  	s15 =	sadd.s32 $0x80, s15;
	s11 =	simm.s32 @!p4 $0x0;
	s5 =	simm.s32 @!p4 $0xB  }
0xb5: {  	[tilespmem:s15], [sflag:$0xB] =	stream.linear.gather @!p4 [hbm4b:s8+s11], $0x80, $0x38;
	[tilespmem:$0xD580] =	vst v63  }
0xb6: {  	_ =	swait.ge @!p4 [sflag:s5], $0x80  }
0xb7: {  	[sflag:s5] =	ssyncset.done @!p4 $0x0  }
0xb8: {  	[sflag:s5] =	ssyncadd.s32 @!p4 $0xFFFFFF80  }
.LBB2_13:
0xb9: {  	s5 =	sshll.u32 s14, $0xB  }
0xba: {  	s14 =	smul.u32 $0x3, s13;
	s5 =	sadd.s32 s3, s5  }
0xbb: {  	[hbm4b:s5+s4] =	stream.linear.scatter [tilespmem:s26], [sflag:$0x7], $0x4000, $0x38;
	[tilespmem:$0xD580] =	vst v63  }
0xbc: {  	s5 =	sadd.s32 $0x3, s14  }
0xbd: {  	p3 =	sge.u32 s5, s10  }
0xbe: {  	s5 =	sshll.u32 @!p3 s5, $0x5  }
0xbf: {  	s5 =	sor.u32 @!p3 s9, s5  }
0xc0: {  	s11 =	sshll.u32 @!p3 s5, $0x4  }
0xc1: {  	s11 =	sand.u32 @!p3 $0x1FFFFFF0, s11  }
0xc2: {  	s15 =	simm.s32 @!p3 $0x0;
	s11 =	sadd.s32 @!p3 s6, s11  }
0xc3: {  	[tilespmem:s15], [sflag:$0x1] =	stream.linear.gather @!p3 [hbm4b:s11+s15], $0x80, $0x38;
	[tilespmem:$0xD580] =	vst v63  }
0xc4: {  	s5 =	sadd.s32 @!p3 s7, s5;
	s11 =	simm.s32 @!p3 $0x200  }
0xc5: {  	[tilespmem:s11], [sflag:$0x1] =	stream.linear.gather @!p3 [hbm4b:s5+s15], $0x8, $0x38;
	[tilespmem:$0xD580] =	vst v63  }
0xc6: {  	_ =	swait.ge [sflag:s28], $0x80  }
0xc7: {  	[sflag:s28] =	ssyncset.done $0x0  }
0xc8: {  	[sflag:s28] =	ssyncadd.s32 $0xFFFFFF80  }
0xc9: {  	_ =	swait.ge [sflag:s28], $0x8  }
0xca: {  	[sflag:s28] =	ssyncset.done $0x0  }
0xcb: {  	s5 =	simm.s32 @!p2 $0x9;
	[sflag:s28] =	ssyncadd.s32 $0xFFFFFFF8  }
0xcc: {  	_ =	swait.ge @!p2 [sflag:s5], $0x4000  }
0xcd: {  	[sflag:s5] =	ssyncset.done @!p2 $0x0  }
0xce: {  	[sflag:s5] =	ssyncadd.s32 @!p2 $0xFFFFC000  }
0xcf: {  	[tilespmem:s19], [sflag:$0x6] =	stream.indirect.gather [hbm4b:s1+s30], $0x80, s0, s30, $0xb8;
	[tilespmem:$0xD580] =	vst v63  }
0xd0: {  	_ =	swait.ge [sflag:s20], $0x4000  }
0xd1: {  	[sflag:s20] =	ssyncset.done $0x0  }
0xd2: {  	[sflag:s20] =	ssyncadd.s32 $0xFFFFC000  }
0xd3: {  	v0 =	vld [tilespmem:$0x280];
	_ =	sdelay $0x4  }
0xd4: {  	(v2sf) =	vpush v0, $0x0;
	_ =	sdelay $0xe  }
0xd5: {  	s17 =	spop (v2sf)  }
0xd6: {  	p2 =	seq.s32 s17, $0x0  }
.Ltmp10:
0xd7: {  	_ = 	snop;
	(pc) =	sbr.rel @p2 .LBB2_17-.Ltmp10, $3  }
0xd8: {  	_ = 	snop  }
0xd9: {  	s16 =	smul.u32 $0x3000, s13;
	_ =	sdelay $0x1  }
0xda: {  	s15 =	sadd.s32 s18, s16  }
0xdb: {  	s5 =	sshrl.u32 s15, $0x3  }
0xdc: {  	s11 =	simm.s32 $0x0;
	s5 =	sadd.s32 s2, s5  }
0xdd: {  	[tilespmem:s29], [sflag:$0xB] =	stream.linear.gather [hbm4b:s5+s11], $0x80, $0x38;
	[tilespmem:$0xD580] =	vst v63  }
0xde: {  	_ =	swait.ge [sflag:s31], $0x80  }
0xdf: {  	[sflag:s31] =	ssyncset.done $0x0  }
0xe0: {  	s16 =	simm.s32 $0x0;
	[sflag:s31] =	ssyncadd.s32 $0xFFFFFF80  }
0xe1: {  	v0 =	vld [tilespmem:s16+$0xC380];
	_ =	sdelay $0x4  }
0xe2: {  	(v2sf) =	vpush v0, $0x0;
	_ =	sdelay $0xe  }
0xe3: {  	s17 =	spop (v2sf)  }
0xe4: {  	p3 =	sne.s32 s17, $0xC350  }
0xe5: {  	s16 =	simm.s32 $0x4380;
	s11 =	simm.s32 @!p3 $0x0;
	s5 =	simm.s32 @!p3 $0xB  }
0xe6: {  	[tilespmem:s16], [sflag:$0xB] =	stream.linear.gather @!p3 [hbm4b:s8+s11], $0x80, $0x38;
	[tilespmem:$0xD580] =	vst v63  }
0xe7: {  	_ =	swait.ge @!p3 [sflag:s5], $0x80  }
0xe8: {  	s17 =	simm.s32 $0x4;
	[sflag:s5] =	ssyncset.done @!p3 $0x0  }
.LBB2_15:
0xe9: {  	s11 =	sshra.s32 s17, $0x2;
	[sflag:s5] =	ssyncadd.s32 @!p3 $0xFFFFFF80  }
0xea: {  	s17 =	sadd.s32 $0x4, s17;
	v0 =	vld [tilespmem:s11+$0xC380]  }
0xeb: {  	p2 =	sne.s32 s17, $0x200;
	_ =	sdelay $0x3  }
0xec: {  	(v2sf) =	vpush v0, $0x0;
	_ =	sdelay $0xe  }
0xed: {  	s5 =	spop (v2sf)  }
.Ltmp11:
0xee: {  	p3 =	sne.s32 s5, $0xC350;
	(pc) =	sbr.rel @p2 .LBB2_15-.Ltmp11, $4  }
0xef: {  	s16 =	sadd.s32 $0x80, s16;
	s11 =	simm.s32 @!p3 $0x0;
	s5 =	simm.s32 @!p3 $0xB  }
0xf0: {  	[tilespmem:s16], [sflag:$0xB] =	stream.linear.gather @!p3 [hbm4b:s8+s11], $0x80, $0x38;
	[tilespmem:$0xD580] =	vst v63  }
0xf1: {  	_ =	swait.ge @!p3 [sflag:s5], $0x80  }
0xf2: {  	[sflag:s5] =	ssyncset.done @!p3 $0x0  }
.Ltmp12:
0xf3: {  	(pc) =	sbr.rel .LBB2_17-.Ltmp12, $2  }
0xf4: {  	_ =	sdelay $0x2  }
0xf5: {  	[sflag:s5] =	ssyncadd.s32 @!p3 $0xFFFFFF80  }
.LBB2_18:
.Ltmp13:
0xf6: {  	(pc) =	sbr.rel @!p0 .LBB2_19-.Ltmp13, $1  }
0xf7: {  	_ =	sdelay $0x3  }
0xf8: {  	_ =	swait.ge [sflag:s25], $0x4000  }
0xf9: {  	[sflag:s25] =	ssyncset.done $0x0  }
0xfa: {  	[sflag:s25] =	ssyncadd.s32 $0xFFFFC000  }
0xfb: {  	v0 =	vld [tilespmem:$0x300];
	_ =	sdelay $0x4  }
0xfc: {  	(v2sf) =	vpush v0, $0x0;
	_ =	sdelay $0xe  }
0xfd: {  	s5 =	spop (v2sf)  }
0xfe: {  	p2 =	seq.s32 s5, $0x0  }
.Ltmp14:
0xff: {  	_ = 	snop;
	(pc) =	sbr.rel @p2 .LBB2_32-.Ltmp14, $2  }
0x100: {  	_ =	sdelay $0x2  }
0x101: {  	s15 =	rddreg [dreg:$0x14]  }
0x102: {  	s5 =	simm.s32 $0x0;
	s11 =	rddreg [dreg:$0xb]  }
0x103: {  	[tilespmem:s29], [sflag:$0xB] =	stream.linear.gather [hbm4b:s11+s5], $0x80, $0x38;
	[tilespmem:$0xD580] =	vst v63  }
0x104: {  	_ =	swait.ge [sflag:s31], $0x80  }
0x105: {  	[sflag:s31] =	ssyncset.done $0x0  }
0x106: {  	s16 =	simm.s32 $0x0;
	[sflag:s31] =	ssyncadd.s32 $0xFFFFFF80  }
0x107: {  	v0 =	vld [tilespmem:s16+$0xC380];
	_ =	sdelay $0x4  }
0x108: {  	(v2sf) =	vpush v0, $0x0;
	_ =	sdelay $0xe  }
0x109: {  	s17 =	spop (v2sf)  }
0x10a: {  	p3 =	sne.s32 s17, $0xC350  }
0x10b: {  	s13 =	simm.s32 $0x8380;
	s11 =	simm.s32 @!p3 $0x0;
	s5 =	simm.s32 @!p3 $0xB  }
0x10c: {  	[tilespmem:s13], [sflag:$0xB] =	stream.linear.gather @!p3 [hbm4b:s8+s11], $0x80, $0x38;
	[tilespmem:$0xD580] =	vst v63  }
0x10d: {  	_ =	swait.ge @!p3 [sflag:s5], $0x80  }
0x10e: {  	s14 =	simm.s32 $0x4;
	[sflag:s5] =	ssyncset.done @!p3 $0x0  }
.LBB2_30:
0x10f: {  	s11 =	sshra.s32 s14, $0x2;
	[sflag:s5] =	ssyncadd.s32 @!p3 $0xFFFFFF80  }
0x110: {  	s14 =	sadd.s32 $0x4, s14;
	v0 =	vld [tilespmem:s11+$0xC380]  }
0x111: {  	p2 =	sne.s32 s14, $0x200;
	_ =	sdelay $0x3  }
0x112: {  	(v2sf) =	vpush v0, $0x0;
	_ =	sdelay $0xe  }
0x113: {  	s5 =	spop (v2sf)  }
.Ltmp15:
0x114: {  	p3 =	sne.s32 s5, $0xC350;
	(pc) =	sbr.rel @p2 .LBB2_30-.Ltmp15, $4  }
0x115: {  	s13 =	sadd.s32 $0x80, s13;
	s11 =	simm.s32 @!p3 $0x0;
	s5 =	simm.s32 @!p3 $0xB  }
0x116: {  	[tilespmem:s13], [sflag:$0xB] =	stream.linear.gather @!p3 [hbm4b:s8+s11], $0x80, $0x38;
	[tilespmem:$0xD580] =	vst v63  }
0x117: {  	_ =	swait.ge @!p3 [sflag:s5], $0x80  }
0x118: {  	[sflag:s5] =	ssyncset.done @!p3 $0x0  }
0x119: {  	[sflag:s5] =	ssyncadd.s32 @!p3 $0xFFFFFF80  }
.LBB2_32:
.Ltmp16:
0x11a: {  	(pc) =	sbr.rel .LBB2_33-.Ltmp16, $3  }
0x11b: {  	_ =	sdelay $0x1  }
0x11c: {  	s5 =	rddreg [dreg:$0xc]  }
0x11d: {  	[hbm4b:s5+s4] =	stream.linear.scatter [tilespmem:s19], [sflag:$0x9], $0x4000, $0x38;
	[tilespmem:$0xD580] =	vst v63  }
.LBB2_19:
0x11e: {  	_ =	swait.ge [sflag:s21], $0x80  }
0x11f: {  	[sflag:s21] =	ssyncset.done $0x0  }
0x120: {  	[sflag:s21] =	ssyncadd.s32 $0xFFFFFF80  }
0x121: {  	_ =	swait.ge [sflag:s21], $0x8  }
0x122: {  	[sflag:s21] =	ssyncset.done $0x0  }
0x123: {  	[sflag:s21] =	ssyncadd.s32 $0xFFFFFFF8  }
0x124: {  	_ =	swait.ge [sflag:s12], $0x4000  }
0x125: {  	[sflag:s12] =	ssyncset.done $0x0  }
0x126: {  	[sflag:s12] =	ssyncadd.s32 $0xFFFFC000  }
0x127: {  	[tilespmem:s26], [sflag:$0x4] =	stream.indirect.gather [hbm4b:s1+s30], $0x80, s4, s30, $0xb8;
	[tilespmem:$0xD580] =	vst v63  }
0x128: {  	_ =	swait.ge [sflag:s25], $0x4000  }
0x129: {  	[sflag:s25] =	ssyncset.done $0x0  }
0x12a: {  	[sflag:s25] =	ssyncadd.s32 $0xFFFFC000  }
0x12b: {  	v0 =	vld [tilespmem:$0x300];
	_ =	sdelay $0x4  }
0x12c: {  	(v2sf) =	vpush v0, $0x0;
	_ =	sdelay $0xe  }
0x12d: {  	s5 =	spop (v2sf)  }
0x12e: {  	p2 =	seq.s32 s5, $0x0  }
.Ltmp17:
0x12f: {  	_ = 	snop;
	(pc) =	sbr.rel @p2 .LBB2_23-.Ltmp17, $2  }
0x130: {  	_ =	sdelay $0x2  }
0x131: {  	s15 =	rddreg [dreg:$0x14]  }
0x132: {  	s5 =	simm.s32 $0x0;
	s11 =	rddreg [dreg:$0xb]  }
0x133: {  	[tilespmem:s29], [sflag:$0xB] =	stream.linear.gather [hbm4b:s11+s5], $0x80, $0x38;
	[tilespmem:$0xD580] =	vst v63  }
0x134: {  	_ =	swait.ge [sflag:s31], $0x80  }
0x135: {  	[sflag:s31] =	ssyncset.done $0x0  }
0x136: {  	s16 =	simm.s32 $0x0;
	[sflag:s31] =	ssyncadd.s32 $0xFFFFFF80  }
0x137: {  	v0 =	vld [tilespmem:s16+$0xC380];
	_ =	sdelay $0x4  }
0x138: {  	(v2sf) =	vpush v0, $0x0;
	_ =	sdelay $0xe  }
0x139: {  	s17 =	spop (v2sf)  }
0x13a: {  	p3 =	sne.s32 s17, $0xC350  }
0x13b: {  	s13 =	simm.s32 $0x8380;
	s11 =	simm.s32 @!p3 $0x0;
	s5 =	simm.s32 @!p3 $0xB  }
0x13c: {  	[tilespmem:s13], [sflag:$0xB] =	stream.linear.gather @!p3 [hbm4b:s8+s11], $0x80, $0x38;
	[tilespmem:$0xD580] =	vst v63  }
0x13d: {  	_ =	swait.ge @!p3 [sflag:s5], $0x80  }
0x13e: {  	s14 =	simm.s32 $0x4;
	[sflag:s5] =	ssyncset.done @!p3 $0x0  }
.LBB2_21:
0x13f: {  	s11 =	sshra.s32 s14, $0x2;
	[sflag:s5] =	ssyncadd.s32 @!p3 $0xFFFFFF80  }
0x140: {  	s14 =	sadd.s32 $0x4, s14;
	v0 =	vld [tilespmem:s11+$0xC380]  }
0x141: {  	p2 =	sne.s32 s14, $0x200;
	_ =	sdelay $0x3  }
0x142: {  	(v2sf) =	vpush v0, $0x0;
	_ =	sdelay $0xe  }
0x143: {  	s5 =	spop (v2sf)  }
.Ltmp18:
0x144: {  	p3 =	sne.s32 s5, $0xC350;
	(pc) =	sbr.rel @p2 .LBB2_21-.Ltmp18, $4  }
0x145: {  	s13 =	sadd.s32 $0x80, s13;
	s11 =	simm.s32 @!p3 $0x0;
	s5 =	simm.s32 @!p3 $0xB  }
0x146: {  	[tilespmem:s13], [sflag:$0xB] =	stream.linear.gather @!p3 [hbm4b:s8+s11], $0x80, $0x38;
	[tilespmem:$0xD580] =	vst v63  }
0x147: {  	_ =	swait.ge @!p3 [sflag:s5], $0x80  }
0x148: {  	[sflag:s5] =	ssyncset.done @!p3 $0x0  }
0x149: {  	[sflag:s5] =	ssyncadd.s32 @!p3 $0xFFFFFF80  }
.LBB2_23:
0x14a: {  	s5 =	rddreg [dreg:$0xc]  }
0x14b: {  	[hbm4b:s5+s4] =	stream.linear.scatter [tilespmem:s19], [sflag:$0x9], $0x4000, $0x38;
	[tilespmem:$0xD580] =	vst v63  }
0x14c: {  	_ =	swait.ge [sflag:s24], $0x4000  }
0x14d: {  	[sflag:s24] =	ssyncset.done $0x0  }
0x14e: {  	[sflag:s24] =	ssyncadd.s32 $0xFFFFC000  }
0x14f: {  	v0 =	vld [tilespmem:$0x200];
	_ =	sdelay $0x4  }
0x150: {  	(v2sf) =	vpush v0, $0x0;
	_ =	sdelay $0xe  }
0x151: {  	s17 =	spop (v2sf)  }
0x152: {  	p2 =	seq.s32 s17, $0x0  }
.Ltmp19:
0x153: {  	_ = 	snop;
	(pc) =	sbr.rel @p2 .LBB2_27-.Ltmp19, $1  }
0x154: {  	_ =	sdelay $0x3  }
0x155: {  	s5 =	simm.s32 $0x0;
	s11 =	rddreg [dreg:$0xd]  }
0x156: {  	[tilespmem:s29], [sflag:$0xB] =	stream.linear.gather [hbm4b:s11+s5], $0x80, $0x38;
	[tilespmem:$0xD580] =	vst v63  }
0x157: {  	_ =	swait.ge [sflag:s31], $0x80  }
0x158: {  	[sflag:s31] =	ssyncset.done $0x0  }
0x159: {  	s16 =	simm.s32 $0x0;
	[sflag:s31] =	ssyncadd.s32 $0xFFFFFF80  }
0x15a: {  	v0 =	vld [tilespmem:s16+$0xC380];
	_ =	sdelay $0x4  }
0x15b: {  	(v2sf) =	vpush v0, $0x0;
	_ =	sdelay $0xe  }
0x15c: {  	s17 =	spop (v2sf)  }
0x15d: {  	p3 =	sne.s32 s17, $0xC350  }
0x15e: {  	s13 =	simm.s32 $0x380;
	s11 =	simm.s32 @!p3 $0x0;
	s5 =	simm.s32 @!p3 $0xB  }
0x15f: {  	[tilespmem:s13], [sflag:$0xB] =	stream.linear.gather @!p3 [hbm4b:s8+s11], $0x80, $0x38;
	[tilespmem:$0xD580] =	vst v63  }
0x160: {  	_ =	swait.ge @!p3 [sflag:s5], $0x80  }
0x161: {  	s14 =	simm.s32 $0x4;
	[sflag:s5] =	ssyncset.done @!p3 $0x0  }
.LBB2_25:
0x162: {  	s11 =	sshra.s32 s14, $0x2;
	[sflag:s5] =	ssyncadd.s32 @!p3 $0xFFFFFF80  }
0x163: {  	s14 =	sadd.s32 $0x4, s14;
	v0 =	vld [tilespmem:s11+$0xC380]  }
0x164: {  	p2 =	sne.s32 s14, $0x200;
	_ =	sdelay $0x3  }
0x165: {  	(v2sf) =	vpush v0, $0x0;
	_ =	sdelay $0xe  }
0x166: {  	s5 =	spop (v2sf)  }
.Ltmp20:
0x167: {  	p3 =	sne.s32 s5, $0xC350;
	(pc) =	sbr.rel @p2 .LBB2_25-.Ltmp20, $4  }
0x168: {  	s13 =	sadd.s32 $0x80, s13;
	s11 =	simm.s32 @!p3 $0x0;
	s5 =	simm.s32 @!p3 $0xB  }
0x169: {  	[tilespmem:s13], [sflag:$0xB] =	stream.linear.gather @!p3 [hbm4b:s8+s11], $0x80, $0x38;
	[tilespmem:$0xD580] =	vst v63  }
0x16a: {  	_ =	swait.ge @!p3 [sflag:s5], $0x80  }
0x16b: {  	[sflag:s5] =	ssyncset.done @!p3 $0x0  }
0x16c: {  	[sflag:s5] =	ssyncadd.s32 @!p3 $0xFFFFFF80  }
.LBB2_27:
0x16d: {  	s5 =	rddreg [dreg:$0xe]  }
0x16e: {  	[hbm4b:s5+s4] =	stream.linear.scatter [tilespmem:s26], [sflag:$0x7], $0x4000, $0x38;
	[tilespmem:$0xD580] =	vst v63  }
.LBB2_33:
0x16f: {  	_ =	swait.ge [sflag:s12], $0x4000  }
0x170: {  	[sflag:s12] =	ssyncset.done $0x0  }
0x171: {  	s5 =	simm.s32 $0x8;
	[sflag:s12] =	ssyncadd.s32 $0xFFFFC000  }
0x172: {  	_ =	swait.ge [sflag:s5], $0x4000  }
.Ltmp21:
0x173: {  	[sflag:s5] =	ssyncset.done $0x0;
	(pc) =	sbr.rel @p1 .LBB2_39-.Ltmp21, $4  }
0x174: {  	s17 =	simm.s32 $0x9;
	[sflag:s5] =	ssyncadd.s32 $0xFFFFC000  }
0x175: {  	_ =	swait.ge [sflag:s17], $0x4000  }
0x176: {  	[sflag:s17] =	ssyncset.done $0x0  }
0x177: {  	[sflag:s17] =	ssyncadd.s32 $0xFFFFC000  }
0x178: {  	s5 =	rddreg [dreg:$0xf];
	s11 =	simm.s32 $0xC480  }
0x179: {  	[tilespmem:s11], [sflag:$0xB] =	stream.linear.gather [hbm4b:s5+s4], $0x20, $0x38;
	[tilespmem:$0xD580] =	vst v63  }
0x17a: {  	_ =	swait.ge [sflag:s31], $0x20  }
0x17b: {  	[sflag:s31] =	ssyncset.done $0x0  }
0x17c: {  	s13 =	simm.s32 $0xC500;
	s17 =	rddreg [dreg:$0x10];
	[sflag:s31] =	ssyncadd.s32 $0xFFFFFFE0  }
0x17d: {  	[tilespmem:s13], [sflag:$0xB] =	stream.linear.gather [hbm4b:s17+s4], $0x8, $0x38;
	[tilespmem:$0xD580] =	vst v63  }
0x17e: {  	_ =	swait.ge [sflag:s31], $0x8  }
0x17f: {  	s14 =	simm.s32 $0xC580;
	[sflag:s31] =	ssyncset.done $0x0  }
0x180: {  	s16 =	simm.s32 $0xA;
	s13 =	simm.s32 $0x20;
	[sflag:s31] =	ssyncadd.s32 $0xFFFFFFF8  }
0x181: {  	[tilespmem:s14], [sflag:$0xA] =	stream.indirect.gather [hbm4b:s1+s13], $0x80, s11, s13, $0xb8;
	[tilespmem:$0xD580] =	vst v63  }
0x182: {  	_ =	swait.ge [sflag:s16], $0x1000  }
0x183: {  	[sflag:s16] =	ssyncset.done $0x0  }
0x184: {  	[sflag:s16] =	ssyncadd.s32 $0xFFFFF000  }
0x185: {  	v0 =	vld [tilespmem:$0xC500];
	_ =	sdelay $0x4  }
0x186: {  	(v2sf) =	vpush v0, $0x0;
	_ =	sdelay $0xe  }
0x187: {  	s17 =	spop (v2sf)  }
0x188: {  	p2 =	seq.s32 s17, $0x0  }
.Ltmp22:
0x189: {  	_ = 	snop;
	(pc) =	sbr.rel @p2 .LBB2_38-.Ltmp22, $1  }
0x18a: {  	_ =	sdelay $0x3  }
0x18b: {  	s5 =	simm.s32 $0x0;
	s11 =	rddreg [dreg:$0x12]  }
0x18c: {  	[tilespmem:s29], [sflag:$0xB] =	stream.linear.gather [hbm4b:s11+s5], $0x20, $0x38;
	[tilespmem:$0xD580] =	vst v63  }
0x18d: {  	_ =	swait.ge [sflag:s31], $0x20  }
0x18e: {  	[sflag:s31] =	ssyncset.done $0x0  }
0x18f: {  	s16 =	simm.s32 $0x0;
	[sflag:s31] =	ssyncadd.s32 $0xFFFFFFE0  }
0x190: {  	v0 =	vld [tilespmem:s16+$0xC380];
	_ =	sdelay $0x4  }
0x191: {  	(v2sf) =	vpush v0, $0x0;
	_ =	sdelay $0xe  }
0x192: {  	s17 =	spop (v2sf)  }
0x193: {  	p3 =	sne.s32 s17, $0xC350  }
0x194: {  	s13 =	simm.s32 $0xC580;
	s11 =	simm.s32 @!p3 $0x0;
	s5 =	simm.s32 @!p3 $0xB  }
0x195: {  	[tilespmem:s13], [sflag:$0xB] =	stream.linear.gather @!p3 [hbm4b:s8+s11], $0x80, $0x38;
	[tilespmem:$0xD580] =	vst v63  }
0x196: {  	_ =	swait.ge @!p3 [sflag:s5], $0x80  }
0x197: {  	s14 =	simm.s32 $0x4;
	[sflag:s5] =	ssyncset.done @!p3 $0x0  }
.LBB2_36:
0x198: {  	s11 =	sshra.s32 s14, $0x2;
	[sflag:s5] =	ssyncadd.s32 @!p3 $0xFFFFFF80  }
0x199: {  	s14 =	sadd.s32 $0x4, s14;
	v0 =	vld [tilespmem:s11+$0xC380]  }
0x19a: {  	p2 =	sne.s32 s14, $0x80;
	_ =	sdelay $0x3  }
0x19b: {  	(v2sf) =	vpush v0, $0x0;
	_ =	sdelay $0xe  }
0x19c: {  	s5 =	spop (v2sf)  }
.Ltmp23:
0x19d: {  	p3 =	sne.s32 s5, $0xC350;
	(pc) =	sbr.rel @p2 .LBB2_36-.Ltmp23, $4  }
0x19e: {  	s13 =	sadd.s32 $0x80, s13;
	s11 =	simm.s32 @!p3 $0x0;
	s5 =	simm.s32 @!p3 $0xB  }
0x19f: {  	[tilespmem:s13], [sflag:$0xB] =	stream.linear.gather @!p3 [hbm4b:s8+s11], $0x80, $0x38;
	[tilespmem:$0xD580] =	vst v63  }
0x1a0: {  	_ =	swait.ge @!p3 [sflag:s5], $0x80  }
0x1a1: {  	[sflag:s5] =	ssyncset.done @!p3 $0x0  }
.Ltmp24:
0x1a2: {  	(pc) =	sbr.rel .LBB2_38-.Ltmp24, $2  }
0x1a3: {  	_ =	sdelay $0x2  }
0x1a4: {  	[sflag:s5] =	ssyncadd.s32 @!p3 $0xFFFFFF80  }
.LBB2_40:
0x1a5: {  	_ =	sfence.sel $0x180000  }
0x1a6: {  	[bflag:$0x0] =	sbarrier.arrive $0xFFFF  }
0x1a7: {  	_ =	strace $0x90000047  }
0x1a8: {  	s0 =	stileid.u32;
	[bflag:$0x2] =	sbarrier.arrive $0xFFFF  }
0x1a9: {  	p0 =	sne.s32 s0, $0x0;
	s0 =	rddreg [dreg:$0x3]  }
0x1aa: {  	s0 =	sadd.s32 @!p0 $0x100000, s0  }
0x1ab: {  	[sflag:s0] =	ssyncadd.tile.s32 @!p0 $0x1;
	_ =	shalt  }
.Lfunc_end2:
_tile_overlayer_lowered:
.L_overlay_start_2:
0x1ac: {  	(tag) =	ssettag $0x2  }
0x1ad: {  	s0 =	rddreg [dreg:$0x0];
	s2 =	stileid.u32  }
0x1ae: {  	s1 =	rddreg [dreg:$0x1];
	p0 =	sne.s32 s2, $0x0  }
0x1af: {  	s3 =	rddreg [dreg:$0x2];
	[bflag:$0x3] =	sbarrier.arrive $0xFFFF;
	s2 =	simm.s32 @!p0 $0x1C0B  }
0x1b0: {  	[timem:s3], [sflag:s2] =	dma.local @!p0 [hbm:s0], s1  }
0x1b1: {  	s0 =	simm.s32 @!p0 $0xB  }
0x1b2: {  	_ =	swait.ge @!p0 [sflag:s0], s1  }
0x1b3: {  	s1 =	ssub.s32 @!p0 $0x0, s1;
	[sflag:s0] =	ssyncset.done @!p0 $0x0  }
0x1b4: {  	[sflag:s0] =	ssyncadd.s32 @!p0 s1  }
0x1b5: {  	[bflag:$0x3] =	sbarrier.arrive $0xFFFF  }
0x1b6: {  	_ =	shalt  }

</sc_bundles>
